<compile_context>
chip_gen: v7x
topology: tpu7x:2x2x1
jax: 0.10.2.dev20260603
libtpu: 0.0.44.dev20260713+nightly
codegen_flags: <defaults>
</compile_context>

<pallas_src>
import jax
import jax.numpy as jnp
from jax import lax
from jax.experimental import pallas as pl
from jax.experimental.pallas import tpu as pltpu
from jax.experimental.pallas import tpu_sc as plsc

BATCH = 16384
EMBD_DIM = 128
NC = 2
NS = 16
L = 16
NW = NC * NS
B_PER_W = BATCH // NW
CHUNK = 64
N_CHUNKS = B_PER_W // CHUNK
NSLOT = 4


def _sc_body(user_hbm, item_hbm, wu_hbm, wi_hbm, out_hbm,
             idx_u, idx_v, rows_u, rows_v, outb, sem0, sem1, sem2, sem3, sem4):
    wid = lax.axis_index("s") * NC + lax.axis_index("c")
    base = wid * B_PER_W
    last_lane = lax.iota(jnp.int32, L) == (L - 1)

    ci_u = pltpu.async_copy(user_hbm.at[pl.ds(base, B_PER_W)], idx_u, sem0)
    ci_v = pltpu.async_copy(item_hbm.at[pl.ds(base, B_PER_W)], idx_v, sem0)
    ci_u.wait()
    ci_v.wait()

    sems = [sem0, sem1, sem2, sem3]

    def start_gathers(c):
        slot = c % NSLOT
        cu = pltpu.async_copy(
            wu_hbm.at[idx_u.at[pl.ds(c * CHUNK, CHUNK)]],
            rows_u.at[slot], sems[slot])
        cv = pltpu.async_copy(
            wi_hbm.at[idx_v.at[pl.ds(c * CHUNK, CHUNK)]],
            rows_v.at[slot], sems[slot])
        return cu, cv

    pend = {0: start_gathers(0), 1: start_gathers(1), 2: start_gathers(2)}
    out_cps = []
    for c in range(N_CHUNKS):
        cu, cv = pend[c % NSLOT]
        if c + 3 < N_CHUNKS:
            pend[(c + 3) % NSLOT] = start_gathers(c + 3)
        slot = c % NSLOT

        cu.wait()
        cv.wait()

        @plsc.parallel_loop(0, CHUNK, unroll=2)
        def row_body(r):
            acc = rows_u[slot, r, pl.ds(0, L)] * rows_v[slot, r, pl.ds(0, L)]
            for k in range(1, EMBD_DIM // L):
                acc = acc + (rows_u[slot, r, pl.ds(k * L, L)] *
                             rows_v[slot, r, pl.ds(k * L, L)])
            total = plsc.cumsum(acc)
            plsc.store_scatter(outb,
                               [jnp.full((L,), c * CHUNK + r, jnp.int32)],
                               total, mask=last_lane)

        out_cps.append(pltpu.async_copy(
            outb.at[pl.ds(c * CHUNK, CHUNK)],
            out_hbm.at[pl.ds(base + c * CHUNK, CHUNK)], sem4))

    for cp in out_cps:
        cp.wait()


@jax.jit
def _ratings(user, item, w_user, w_item):
    mesh = plsc.VectorSubcoreMesh(core_axis_name="c", subcore_axis_name="s")
    return pl.kernel(
        _sc_body,
        out_type=jax.ShapeDtypeStruct((BATCH,), jnp.float32),
        mesh=mesh,
        compiler_params=pltpu.CompilerParams(needs_layout_passes=False),
        scratch_types=[
            pltpu.VMEM((B_PER_W,), jnp.int32),
            pltpu.VMEM((B_PER_W,), jnp.int32),
            pltpu.VMEM((NSLOT, CHUNK, EMBD_DIM), jnp.float32),
            pltpu.VMEM((NSLOT, CHUNK, EMBD_DIM), jnp.float32),
            pltpu.VMEM((B_PER_W,), jnp.float32),
            pltpu.SemaphoreType.DMA,
            pltpu.SemaphoreType.DMA,
            pltpu.SemaphoreType.DMA,
            pltpu.SemaphoreType.DMA,
            pltpu.SemaphoreType.DMA,
        ],
    )(user, item, w_user, w_item)


def kernel(user, item, W_user, W_item):
    return _ratings(user, item, W_user, W_item)

# --- scband reference (transcript-rebuilt; emitter-appended) ---
"""Pipeline reference for scband-model-90409061581389 (READ-ONLY COPY).

The authoritative reference and input builder live on the scoring server;
editing this copy changes nothing except your own understanding.
"""

import jax, jax.numpy as jnp
import numpy as np

BATCH = 16384
USER_SIZE = 100000
ITEM_SIZE = 100000
EMBD_DIM = 128


def setup_inputs(seed: int = 0) -> dict:
    key = jax.random.key(seed)
    k1, k2, k3, k4 = jax.random.split(key, 4)
    user = jax.random.randint(k1, (BATCH,), 0, USER_SIZE, dtype=jnp.int64 if jax.config.jax_enable_x64 else jnp.int32).astype(jnp.int32)
    item = jax.random.randint(k2, (BATCH,), 0, ITEM_SIZE, dtype=jnp.int32)
    W_user = jax.random.normal(k3, (USER_SIZE, EMBD_DIM), dtype=jnp.float32) * 0.02
    W_item = jax.random.normal(k4, (ITEM_SIZE, EMBD_DIM), dtype=jnp.float32) * 0.02
    return {"user": user, "item": item, "W_user": W_user, "W_item": W_item}


def reference(user, item, W_user, W_item):
    # Embedding lookups (gather)
    u = jnp.take(W_user, user, axis=0)  # (B, D)
    # Dropout is identity in eval mode
    v = jnp.take(W_item, item, axis=0)  # (B, D)
    # bmm(u.unsqueeze(1), v.unsqueeze(2)).squeeze() == per-row dot product
    ratings = jnp.einsum("bd,bd->b", u, v)  # (B,)
    return ratings

if __name__ == "__main__":
    import jax
    _d = setup_inputs()
    print(jax.jit(kernel)(*tuple(_d.values())))

</pallas_src>

<mosaic_0001>
#map = affine_map<(d0, d1) -> (0)>
#map1 = affine_map<(d0, d1) -> (0, 0)>
module attributes {stable_mosaic.version = 14 : i64} {
  func.func @_sc_body(%arg0: i32, %arg1: i32, %arg2: memref<16384xi32, #tpu.memory_space<hbm>>, %arg3: memref<16384xi32, #tpu.memory_space<hbm>>, %arg4: memref<100000x128xf32, #tpu.memory_space<hbm>>, %arg5: memref<100000x128xf32, #tpu.memory_space<hbm>>, %arg6: memref<16384xf32, #tpu.memory_space<hbm>>, %arg7: memref<512xi32, #tpu.memory_space<vmem>>, %arg8: memref<512xi32, #tpu.memory_space<vmem>>, %arg9: memref<4x64x128xf32, #tpu.memory_space<vmem>>, %arg10: memref<4x64x128xf32, #tpu.memory_space<vmem>>, %arg11: memref<512xf32, #tpu.memory_space<vmem>>, %arg12: memref<!tpu.dma_semaphore, #tpu.memory_space<semaphore_mem>>, %arg13: memref<!tpu.dma_semaphore, #tpu.memory_space<semaphore_mem>>, %arg14: memref<!tpu.dma_semaphore, #tpu.memory_space<semaphore_mem>>, %arg15: memref<!tpu.dma_semaphore, #tpu.memory_space<semaphore_mem>>, %arg16: memref<!tpu.dma_semaphore, #tpu.memory_space<semaphore_mem>>) attributes {dimension_semantics = [#tpu.dimension_semantics<core_parallel>, #tpu.dimension_semantics<subcore_parallel>], iteration_bounds = array<i64: 2, 16>, scalar_prefetch = 0 : i64, scratch_operands = 10 : i64, tpu.core_type = #tpu.core_type<sc_vector_subcore>, window_params = [{transform_indices = #map}, {transform_indices = #map}, {transform_indices = #map1}, {transform_indices = #map1}, {transform_indices = #map}]} {
    %mul3A = arith.constant 2 : i32
    %mul3A_0 = arith.muli %arg1, %mul3A : i32
    %add3A = arith.addi %mul3A_0, %arg0 : i32
    %mul3A_1 = arith.constant 512 : i32
    %mul3A_2 = arith.muli %add3A, %mul3A_1 : i32
    %iota3A = tpu.iota {dimensions = array<i32: 0>} : vector<16xi32>
    %eq3A = arith.constant 15 : i32
    %eq3A_3 = vector.broadcast %eq3A : i32 to vector<16xi32>
    %eq3A_4 = arith.cmpi eq, %iota3A, %eq3A_3 : vector<16xi32>
    %dma_start3A = tpu.memref_slice %arg2[%mul3A_2] : memref<16384xi32, #tpu.memory_space<hbm>> -> memref<512xi32, #tpu.memory_space<hbm>>
    %dma_start3A_5 = tpu.memref_slice %arg2[%mul3A_2] : memref<16384xi32, #tpu.memory_space<hbm>> -> memref<512xi32, #tpu.memory_space<hbm>>
    tpu.enqueue_dma source(%dma_start3A_5 : memref<512xi32, #tpu.memory_space<hbm>>) target(%arg7 : memref<512xi32, #tpu.memory_space<vmem>>) target_semaphore(%arg12 : memref<!tpu.dma_semaphore, #tpu.memory_space<semaphore_mem>>)
    %dma_start3A_6 = tpu.memref_slice %arg3[%mul3A_2] : memref<16384xi32, #tpu.memory_space<hbm>> -> memref<512xi32, #tpu.memory_space<hbm>>
    %dma_start3A_7 = tpu.memref_slice %arg3[%mul3A_2] : memref<16384xi32, #tpu.memory_space<hbm>> -> memref<512xi32, #tpu.memory_space<hbm>>
    tpu.enqueue_dma source(%dma_start3A_7 : memref<512xi32, #tpu.memory_space<hbm>>) target(%arg8 : memref<512xi32, #tpu.memory_space<vmem>>) target_semaphore(%arg12 : memref<!tpu.dma_semaphore, #tpu.memory_space<semaphore_mem>>)
    %dma_wait3A = tpu.memref_slice %arg2[%mul3A_2] : memref<16384xi32, #tpu.memory_space<hbm>> -> memref<512xi32, #tpu.memory_space<hbm>>
    %dma_wait3A_8 = tpu.memref_slice %arg2[%mul3A_2] : memref<16384xi32, #tpu.memory_space<hbm>> -> memref<512xi32, #tpu.memory_space<hbm>>
    tpu.wait_dma2 semaphore(%arg12 : memref<!tpu.dma_semaphore, #tpu.memory_space<semaphore_mem>>) src(%dma_wait3A_8 : memref<512xi32, #tpu.memory_space<hbm>>) dst(%arg7 : memref<512xi32, #tpu.memory_space<vmem>>)
    %dma_wait3A_9 = tpu.memref_slice %arg3[%mul3A_2] : memref<16384xi32, #tpu.memory_space<hbm>> -> memref<512xi32, #tpu.memory_space<hbm>>
    %dma_wait3A_10 = tpu.memref_slice %arg3[%mul3A_2] : memref<16384xi32, #tpu.memory_space<hbm>> -> memref<512xi32, #tpu.memory_space<hbm>>
    tpu.wait_dma2 semaphore(%arg12 : memref<!tpu.dma_semaphore, #tpu.memory_space<semaphore_mem>>) src(%dma_wait3A_10 : memref<512xi32, #tpu.memory_space<hbm>>) dst(%arg8 : memref<512xi32, #tpu.memory_space<vmem>>)
    %dma_start3A_11 = arith.constant 0 : i32
    %dma_start3A_12 = arith.constant 0 : i32
    %dma_start3A_13 = arith.constant 0 : i32
    %dma_start3A_14 = tpu.memref_slice %arg9[%dma_start3A_11, %dma_start3A_12, %dma_start3A_13] : memref<4x64x128xf32, #tpu.memory_space<vmem>> -> memref<1x64x128xf32, #tpu.memory_space<vmem>>
    %dma_start3A_15 = tpu.memref_squeeze %dma_start3A_14 : memref<1x64x128xf32, #tpu.memory_space<vmem>> -> memref<64x128xf32, #tpu.memory_space<vmem>>
    %dma_start3A_16 = arith.constant 0 : i32
    %dma_start3A_17 = tpu.memref_slice %arg7[%dma_start3A_16] : memref<512xi32, #tpu.memory_space<vmem>> -> memref<64xi32, #tpu.memory_space<vmem>>
    %dma_start3A_18 = arith.constant 0 : i32
    %dma_start3A_19 = arith.constant 0 : i32
    %dma_start3A_20 = tpu.memref_slice %arg4[%dma_start3A_18, %dma_start3A_19] : memref<100000x128xf32, #tpu.memory_space<hbm>> -> memref<100000x128xf32, #tpu.memory_space<hbm>>
    tpu.enqueue_indirect_dma source(%dma_start3A_20 : memref<100000x128xf32, #tpu.memory_space<hbm>>) target(%dma_start3A_15 : memref<64x128xf32, #tpu.memory_space<vmem>>) offsets(%dma_start3A_17 : memref<64xi32, #tpu.memory_space<vmem>>) semaphore(%arg12 : memref<!tpu.dma_semaphore, #tpu.memory_space<semaphore_mem>>)
    %dma_start3A_21 = arith.constant 0 : i32
    %dma_start3A_22 = arith.constant 0 : i32
    %dma_start3A_23 = arith.constant 0 : i32
    %dma_start3A_24 = tpu.memref_slice %arg10[%dma_start3A_21, %dma_start3A_22, %dma_start3A_23] : memref<4x64x128xf32, #tpu.memory_space<vmem>> -> memref<1x64x128xf32, #tpu.memory_space<vmem>>
    %dma_start3A_25 = tpu.memref_squeeze %dma_start3A_24 : memref<1x64x128xf32, #tpu.memory_space<vmem>> -> memref<64x128xf32, #tpu.memory_space<vmem>>
    %dma_start3A_26 = arith.constant 0 : i32
    %dma_start3A_27 = tpu.memref_slice %arg8[%dma_start3A_26] : memref<512xi32, #tpu.memory_space<vmem>> -> memref<64xi32, #tpu.memory_space<vmem>>
    %dma_start3A_28 = arith.constant 0 : i32
    %dma_start3A_29 = arith.constant 0 : i32
    %dma_start3A_30 = tpu.memref_slice %arg5[%dma_start3A_28, %dma_start3A_29] : memref<100000x128xf32, #tpu.memory_space<hbm>> -> memref<100000x128xf32, #tpu.memory_space<hbm>>
    tpu.enqueue_indirect_dma source(%dma_start3A_30 : memref<100000x128xf32, #tpu.memory_space<hbm>>) target(%dma_start3A_25 : memref<64x128xf32, #tpu.memory_space<vmem>>) offsets(%dma_start3A_27 : memref<64xi32, #tpu.memory_space<vmem>>) semaphore(%arg12 : memref<!tpu.dma_semaphore, #tpu.memory_space<semaphore_mem>>)
    %dma_start3A_31 = arith.constant 1 : i32
    %dma_start3A_32 = arith.constant 0 : i32
    %dma_start3A_33 = arith.constant 0 : i32
    %dma_start3A_34 = tpu.memref_slice %arg9[%dma_start3A_31, %dma_start3A_32, %dma_start3A_33] : memref<4x64x128xf32, #tpu.memory_space<vmem>> -> memref<1x64x128xf32, #tpu.memory_space<vmem>>
    %dma_start3A_35 = tpu.memref_squeeze %dma_start3A_34 : memref<1x64x128xf32, #tpu.memory_space<vmem>> -> memref<64x128xf32, #tpu.memory_space<vmem>>
    %dma_start3A_36 = arith.constant 64 : i32
    %dma_start3A_37 = tpu.memref_slice %arg7[%dma_start3A_36] : memref<512xi32, #tpu.memory_space<vmem>> -> memref<64xi32, #tpu.memory_space<vmem>>
    %dma_start3A_38 = arith.constant 0 : i32
    %dma_start3A_39 = arith.constant 0 : i32
    %dma_start3A_40 = tpu.memref_slice %arg4[%dma_start3A_38, %dma_start3A_39] : memref<100000x128xf32, #tpu.memory_space<hbm>> -> memref<100000x128xf32, #tpu.memory_space<hbm>>
    tpu.enqueue_indirect_dma source(%dma_start3A_40 : memref<100000x128xf32, #tpu.memory_space<hbm>>) target(%dma_start3A_35 : memref<64x128xf32, #tpu.memory_space<vmem>>) offsets(%dma_start3A_37 : memref<64xi32, #tpu.memory_space<vmem>>) semaphore(%arg13 : memref<!tpu.dma_semaphore, #tpu.memory_space<semaphore_mem>>)
    %dma_start3A_41 = arith.constant 1 : i32
    %dma_start3A_42 = arith.constant 0 : i32
    %dma_start3A_43 = arith.constant 0 : i32
    %dma_start3A_44 = tpu.memref_slice %arg10[%dma_start3A_41, %dma_start3A_42, %dma_start3A_43] : memref<4x64x128xf32, #tpu.memory_space<vmem>> -> memref<1x64x128xf32, #tpu.memory_space<vmem>>
    %dma_start3A_45 = tpu.memref_squeeze %dma_start3A_44 : memref<1x64x128xf32, #tpu.memory_space<vmem>> -> memref<64x128xf32, #tpu.memory_space<vmem>>
    %dma_start3A_46 = arith.constant 64 : i32
    %dma_start3A_47 = tpu.memref_slice %arg8[%dma_start3A_46] : memref<512xi32, #tpu.memory_space<vmem>> -> memref<64xi32, #tpu.memory_space<vmem>>
    %dma_start3A_48 = arith.constant 0 : i32
    %dma_start3A_49 = arith.constant 0 : i32
    %dma_start3A_50 = tpu.memref_slice %arg5[%dma_start3A_48, %dma_start3A_49] : memref<100000x128xf32, #tpu.memory_space<hbm>> -> memref<100000x128xf32, #tpu.memory_space<hbm>>
    tpu.enqueue_indirect_dma source(%dma_start3A_50 : memref<100000x128xf32, #tpu.memory_space<hbm>>) target(%dma_start3A_45 : memref<64x128xf32, #tpu.memory_space<vmem>>) offsets(%dma_start3A_47 : memref<64xi32, #tpu.memory_space<vmem>>) semaphore(%arg13 : memref<!tpu.dma_semaphore, #tpu.memory_space<semaphore_mem>>)
    %dma_start3A_51 = arith.constant 2 : i32
    %dma_start3A_52 = arith.constant 0 : i32
    %dma_start3A_53 = arith.constant 0 : i32
    %dma_start3A_54 = tpu.memref_slice %arg9[%dma_start3A_51, %dma_start3A_52, %dma_start3A_53] : memref<4x64x128xf32, #tpu.memory_space<vmem>> -> memref<1x64x128xf32, #tpu.memory_space<vmem>>
    %dma_start3A_55 = tpu.memref_squeeze %dma_start3A_54 : memref<1x64x128xf32, #tpu.memory_space<vmem>> -> memref<64x128xf32, #tpu.memory_space<vmem>>
    %dma_start3A_56 = arith.constant 128 : i32
    %dma_start3A_57 = tpu.memref_slice %arg7[%dma_start3A_56] : memref<512xi32, #tpu.memory_space<vmem>> -> memref<64xi32, #tpu.memory_space<vmem>>
    %dma_start3A_58 = arith.constant 0 : i32
    %dma_start3A_59 = arith.constant 0 : i32
    %dma_start3A_60 = tpu.memref_slice %arg4[%dma_start3A_58, %dma_start3A_59] : memref<100000x128xf32, #tpu.memory_space<hbm>> -> memref<100000x128xf32, #tpu.memory_space<hbm>>
    tpu.enqueue_indirect_dma source(%dma_start3A_60 : memref<100000x128xf32, #tpu.memory_space<hbm>>) target(%dma_start3A_55 : memref<64x128xf32, #tpu.memory_space<vmem>>) offsets(%dma_start3A_57 : memref<64xi32, #tpu.memory_space<vmem>>) semaphore(%arg14 : memref<!tpu.dma_semaphore, #tpu.memory_space<semaphore_mem>>)
    %dma_start3A_61 = arith.constant 2 : i32
    %dma_start3A_62 = arith.constant 0 : i32
    %dma_start3A_63 = arith.constant 0 : i32
    %dma_start3A_64 = tpu.memref_slice %arg10[%dma_start3A_61, %dma_start3A_62, %dma_start3A_63] : memref<4x64x128xf32, #tpu.memory_space<vmem>> -> memref<1x64x128xf32, #tpu.memory_space<vmem>>
    %dma_start3A_65 = tpu.memref_squeeze %dma_start3A_64 : memref<1x64x128xf32, #tpu.memory_space<vmem>> -> memref<64x128xf32, #tpu.memory_space<vmem>>
    %dma_start3A_66 = arith.constant 128 : i32
    %dma_start3A_67 = tpu.memref_slice %arg8[%dma_start3A_66] : memref<512xi32, #tpu.memory_space<vmem>> -> memref<64xi32, #tpu.memory_space<vmem>>
    %dma_start3A_68 = arith.constant 0 : i32
    %dma_start3A_69 = arith.constant 0 : i32
    %dma_start3A_70 = tpu.memref_slice %arg5[%dma_start3A_68, %dma_start3A_69] : memref<100000x128xf32, #tpu.memory_space<hbm>> -> memref<100000x128xf32, #tpu.memory_space<hbm>>
    tpu.enqueue_indirect_dma source(%dma_start3A_70 : memref<100000x128xf32, #tpu.memory_space<hbm>>) target(%dma_start3A_65 : memref<64x128xf32, #tpu.memory_space<vmem>>) offsets(%dma_start3A_67 : memref<64xi32, #tpu.memory_space<vmem>>) semaphore(%arg14 : memref<!tpu.dma_semaphore, #tpu.memory_space<semaphore_mem>>)
    %dma_start3A_71 = arith.constant 3 : i32
    %dma_start3A_72 = arith.constant 0 : i32
    %dma_start3A_73 = arith.constant 0 : i32
    %dma_start3A_74 = tpu.memref_slice %arg9[%dma_start3A_71, %dma_start3A_72, %dma_start3A_73] : memref<4x64x128xf32, #tpu.memory_space<vmem>> -> memref<1x64x128xf32, #tpu.memory_space<vmem>>
    %dma_start3A_75 = tpu.memref_squeeze %dma_start3A_74 : memref<1x64x128xf32, #tpu.memory_space<vmem>> -> memref<64x128xf32, #tpu.memory_space<vmem>>
    %dma_start3A_76 = arith.constant 192 : i32
    %dma_start3A_77 = tpu.memref_slice %arg7[%dma_start3A_76] : memref<512xi32, #tpu.memory_space<vmem>> -> memref<64xi32, #tpu.memory_space<vmem>>
    %dma_start3A_78 = arith.constant 0 : i32
    %dma_start3A_79 = arith.constant 0 : i32
    %dma_start3A_80 = tpu.memref_slice %arg4[%dma_start3A_78, %dma_start3A_79] : memref<100000x128xf32, #tpu.memory_space<hbm>> -> memref<100000x128xf32, #tpu.memory_space<hbm>>
    tpu.enqueue_indirect_dma source(%dma_start3A_80 : memref<100000x128xf32, #tpu.memory_space<hbm>>) target(%dma_start3A_75 : memref<64x128xf32, #tpu.memory_space<vmem>>) offsets(%dma_start3A_77 : memref<64xi32, #tpu.memory_space<vmem>>) semaphore(%arg15 : memref<!tpu.dma_semaphore, #tpu.memory_space<semaphore_mem>>)
    %dma_start3A_81 = arith.constant 3 : i32
    %dma_start3A_82 = arith.constant 0 : i32
    %dma_start3A_83 = arith.constant 0 : i32
    %dma_start3A_84 = tpu.memref_slice %arg10[%dma_start3A_81, %dma_start3A_82, %dma_start3A_83] : memref<4x64x128xf32, #tpu.memory_space<vmem>> -> memref<1x64x128xf32, #tpu.memory_space<vmem>>
    %dma_start3A_85 = tpu.memref_squeeze %dma_start3A_84 : memref<1x64x128xf32, #tpu.memory_space<vmem>> -> memref<64x128xf32, #tpu.memory_space<vmem>>
    %dma_start3A_86 = arith.constant 192 : i32
    %dma_start3A_87 = tpu.memref_slice %arg8[%dma_start3A_86] : memref<512xi32, #tpu.memory_space<vmem>> -> memref<64xi32, #tpu.memory_space<vmem>>
    %dma_start3A_88 = arith.constant 0 : i32
    %dma_start3A_89 = arith.constant 0 : i32
    %dma_start3A_90 = tpu.memref_slice %arg5[%dma_start3A_88, %dma_start3A_89] : memref<100000x128xf32, #tpu.memory_space<hbm>> -> memref<100000x128xf32, #tpu.memory_space<hbm>>
    tpu.enqueue_indirect_dma source(%dma_start3A_90 : memref<100000x128xf32, #tpu.memory_space<hbm>>) target(%dma_start3A_85 : memref<64x128xf32, #tpu.memory_space<vmem>>) offsets(%dma_start3A_87 : memref<64xi32, #tpu.memory_space<vmem>>) semaphore(%arg15 : memref<!tpu.dma_semaphore, #tpu.memory_space<semaphore_mem>>)
    %dma_wait3A_91 = arith.constant 0 : i32
    %dma_wait3A_92 = arith.constant 0 : i32
    %dma_wait3A_93 = arith.constant 0 : i32
    %dma_wait3A_94 = tpu.memref_slice %arg9[%dma_wait3A_91, %dma_wait3A_92, %dma_wait3A_93] : memref<4x64x128xf32, #tpu.memory_space<vmem>> -> memref<1x64x128xf32, #tpu.memory_space<vmem>>
    %dma_wait3A_95 = tpu.memref_squeeze %dma_wait3A_94 : memref<1x64x128xf32, #tpu.memory_space<vmem>> -> memref<64x128xf32, #tpu.memory_space<vmem>>
    %dma_wait3A_96 = arith.constant 0 : i32
    %dma_wait3A_97 = tpu.memref_slice %arg7[%dma_wait3A_96] : memref<512xi32, #tpu.memory_space<vmem>> -> memref<64xi32, #tpu.memory_space<vmem>>
    %dma_wait3A_98 = arith.constant 0 : i32
    %dma_wait3A_99 = arith.constant 0 : i32
    %dma_wait3A_100 = tpu.memref_slice %arg4[%dma_wait3A_98, %dma_wait3A_99] : memref<100000x128xf32, #tpu.memory_space<hbm>> -> memref<100000x128xf32, #tpu.memory_space<hbm>>
    tpu.wait_indirect_dma semaphore(%arg12 : memref<!tpu.dma_semaphore, #tpu.memory_space<semaphore_mem>>) src(%dma_wait3A_100 : memref<100000x128xf32, #tpu.memory_space<hbm>>) dst(%dma_wait3A_95 : memref<64x128xf32, #tpu.memory_space<vmem>>)
    %dma_wait3A_101 = arith.constant 0 : i32
    %dma_wait3A_102 = arith.constant 0 : i32
    %dma_wait3A_103 = arith.constant 0 : i32
    %dma_wait3A_104 = tpu.memref_slice %arg10[%dma_wait3A_101, %dma_wait3A_102, %dma_wait3A_103] : memref<4x64x128xf32, #tpu.memory_space<vmem>> -> memref<1x64x128xf32, #tpu.memory_space<vmem>>
    %dma_wait3A_105 = tpu.memref_squeeze %dma_wait3A_104 : memref<1x64x128xf32, #tpu.memory_space<vmem>> -> memref<64x128xf32, #tpu.memory_space<vmem>>
    %dma_wait3A_106 = arith.constant 0 : i32
    %dma_wait3A_107 = tpu.memref_slice %arg8[%dma_wait3A_106] : memref<512xi32, #tpu.memory_space<vmem>> -> memref<64xi32, #tpu.memory_space<vmem>>
    %dma_wait3A_108 = arith.constant 0 : i32
    %dma_wait3A_109 = arith.constant 0 : i32
    %dma_wait3A_110 = tpu.memref_slice %arg5[%dma_wait3A_108, %dma_wait3A_109] : memref<100000x128xf32, #tpu.memory_space<hbm>> -> memref<100000x128xf32, #tpu.memory_space<hbm>>
    tpu.wait_indirect_dma semaphore(%arg12 : memref<!tpu.dma_semaphore, #tpu.memory_space<semaphore_mem>>) src(%dma_wait3A_110 : memref<100000x128xf32, #tpu.memory_space<hbm>>) dst(%dma_wait3A_105 : memref<64x128xf32, #tpu.memory_space<vmem>>)
    %parallel_loop3A = arith.constant 0 : i32
    %parallel_loop3A_111 = arith.constant 64 : i32
    %parallel_loop3A_112 = arith.constant 1 : i32
    scf.for %parallel_loop3A_466 = %parallel_loop3A to %parallel_loop3A_111 step %parallel_loop3A_112  : i32 {
      %parallel_loop3A_467 = arith.constant 0 : i32
      %parallel_loop3A_468 = arith.index_cast %parallel_loop3A_467 : i32 to index
      %parallel_loop3A_469 = arith.index_cast %parallel_loop3A_466 : i32 to index
      %parallel_loop3A_470 = arith.constant 0 : index
      %parallel_loop3A_471 = tpu.vector_load %arg9[%parallel_loop3A_468, %parallel_loop3A_469, %parallel_loop3A_470] {strides = array<i32>} : memref<4x64x128xf32, #tpu.memory_space<vmem>>, vector<16xf32>,
      %parallel_loop3A_472 = arith.constant 0 : i32
      %parallel_loop3A_473 = arith.index_cast %parallel_loop3A_472 : i32 to index
      %parallel_loop3A_474 = arith.index_cast %parallel_loop3A_466 : i32 to index
      %parallel_loop3A_475 = arith.constant 0 : index
      %parallel_loop3A_476 = tpu.vector_load %arg10[%parallel_loop3A_473, %parallel_loop3A_474, %parallel_loop3A_475] {strides = array<i32>} : memref<4x64x128xf32, #tpu.memory_space<vmem>>, vector<16xf32>,
      %parallel_loop3A_477 = arith.mulf %parallel_loop3A_471, %parallel_loop3A_476 : vector<16xf32>
      %parallel_loop3A_478 = arith.constant 0 : i32
      %parallel_loop3A_479 = arith.index_cast %parallel_loop3A_478 : i32 to index
      %parallel_loop3A_480 = arith.index_cast %parallel_loop3A_466 : i32 to index
      %parallel_loop3A_481 = arith.constant 16 : index
      %parallel_loop3A_482 = tpu.vector_load %arg9[%parallel_loop3A_479, %parallel_loop3A_480, %parallel_loop3A_481] {strides = array<i32>} : memref<4x64x128xf32, #tpu.memory_space<vmem>>, vector<16xf32>,
      %parallel_loop3A_483 = arith.constant 0 : i32
      %parallel_loop3A_484 = arith.index_cast %parallel_loop3A_483 : i32 to index
      %parallel_loop3A_485 = arith.index_cast %parallel_loop3A_466 : i32 to index
      %parallel_loop3A_486 = arith.constant 16 : index
      %parallel_loop3A_487 = tpu.vector_load %arg10[%parallel_loop3A_484, %parallel_loop3A_485, %parallel_loop3A_486] {strides = array<i32>} : memref<4x64x128xf32, #tpu.memory_space<vmem>>, vector<16xf32>,
      %parallel_loop3A_488 = arith.mulf %parallel_loop3A_482, %parallel_loop3A_487 : vector<16xf32>
      %parallel_loop3A_489 = arith.addf %parallel_loop3A_477, %parallel_loop3A_488 : vector<16xf32>
      %parallel_loop3A_490 = arith.constant 0 : i32
      %parallel_loop3A_491 = arith.index_cast %parallel_loop3A_490 : i32 to index
      %parallel_loop3A_492 = arith.index_cast %parallel_loop3A_466 : i32 to index
      %parallel_loop3A_493 = arith.constant 32 : index
      %parallel_loop3A_494 = tpu.vector_load %arg9[%parallel_loop3A_491, %parallel_loop3A_492, %parallel_loop3A_493] {strides = array<i32>} : memref<4x64x128xf32, #tpu.memory_space<vmem>>, vector<16xf32>,
      %parallel_loop3A_495 = arith.constant 0 : i32
      %parallel_loop3A_496 = arith.index_cast %parallel_loop3A_495 : i32 to index
      %parallel_loop3A_497 = arith.index_cast %parallel_loop3A_466 : i32 to index
      %parallel_loop3A_498 = arith.constant 32 : index
      %parallel_loop3A_499 = tpu.vector_load %arg10[%parallel_loop3A_496, %parallel_loop3A_497, %parallel_loop3A_498] {strides = array<i32>} : memref<4x64x128xf32, #tpu.memory_space<vmem>>, vector<16xf32>,
      %parallel_loop3A_500 = arith.mulf %parallel_loop3A_494, %parallel_loop3A_499 : vector<16xf32>
      %parallel_loop3A_501 = arith.addf %parallel_loop3A_489, %parallel_loop3A_500 : vector<16xf32>
      %parallel_loop3A_502 = arith.constant 0 : i32
      %parallel_loop3A_503 = arith.index_cast %parallel_loop3A_502 : i32 to index
      %parallel_loop3A_504 = arith.index_cast %parallel_loop3A_466 : i32 to index
      %parallel_loop3A_505 = arith.constant 48 : index
      %parallel_loop3A_506 = tpu.vector_load %arg9[%parallel_loop3A_503, %parallel_loop3A_504, %parallel_loop3A_505] {strides = array<i32>} : memref<4x64x128xf32, #tpu.memory_space<vmem>>, vector<16xf32>,
      %parallel_loop3A_507 = arith.constant 0 : i32
      %parallel_loop3A_508 = arith.index_cast %parallel_loop3A_507 : i32 to index
      %parallel_loop3A_509 = arith.index_cast %parallel_loop3A_466 : i32 to index
      %parallel_loop3A_510 = arith.constant 48 : index
      %parallel_loop3A_511 = tpu.vector_load %arg10[%parallel_loop3A_508, %parallel_loop3A_509, %parallel_loop3A_510] {strides = array<i32>} : memref<4x64x128xf32, #tpu.memory_space<vmem>>, vector<16xf32>,
      %parallel_loop3A_512 = arith.mulf %parallel_loop3A_506, %parallel_loop3A_511 : vector<16xf32>
      %parallel_loop3A_513 = arith.addf %parallel_loop3A_501, %parallel_loop3A_512 : vector<16xf32>
      %parallel_loop3A_514 = arith.constant 0 : i32
      %parallel_loop3A_515 = arith.index_cast %parallel_loop3A_514 : i32 to index
      %parallel_loop3A_516 = arith.index_cast %parallel_loop3A_466 : i32 to index
      %parallel_loop3A_517 = arith.constant 64 : index
      %parallel_loop3A_518 = tpu.vector_load %arg9[%parallel_loop3A_515, %parallel_loop3A_516, %parallel_loop3A_517] {strides = array<i32>} : memref<4x64x128xf32, #tpu.memory_space<vmem>>, vector<16xf32>,
      %parallel_loop3A_519 = arith.constant 0 : i32
      %parallel_loop3A_520 = arith.index_cast %parallel_loop3A_519 : i32 to index
      %parallel_loop3A_521 = arith.index_cast %parallel_loop3A_466 : i32 to index
      %parallel_loop3A_522 = arith.constant 64 : index
      %parallel_loop3A_523 = tpu.vector_load %arg10[%parallel_loop3A_520, %parallel_loop3A_521, %parallel_loop3A_522] {strides = array<i32>} : memref<4x64x128xf32, #tpu.memory_space<vmem>>, vector<16xf32>,
      %parallel_loop3A_524 = arith.mulf %parallel_loop3A_518, %parallel_loop3A_523 : vector<16xf32>
      %parallel_loop3A_525 = arith.addf %parallel_loop3A_513, %parallel_loop3A_524 : vector<16xf32>
      %parallel_loop3A_526 = arith.constant 0 : i32
      %parallel_loop3A_527 = arith.index_cast %parallel_loop3A_526 : i32 to index
      %parallel_loop3A_528 = arith.index_cast %parallel_loop3A_466 : i32 to index
      %parallel_loop3A_529 = arith.constant 80 : index
      %parallel_loop3A_530 = tpu.vector_load %arg9[%parallel_loop3A_527, %parallel_loop3A_528, %parallel_loop3A_529] {strides = array<i32>} : memref<4x64x128xf32, #tpu.memory_space<vmem>>, vector<16xf32>,
      %parallel_loop3A_531 = arith.constant 0 : i32
      %parallel_loop3A_532 = arith.index_cast %parallel_loop3A_531 : i32 to index
      %parallel_loop3A_533 = arith.index_cast %parallel_loop3A_466 : i32 to index
      %parallel_loop3A_534 = arith.constant 80 : index
      %parallel_loop3A_535 = tpu.vector_load %arg10[%parallel_loop3A_532, %parallel_loop3A_533, %parallel_loop3A_534] {strides = array<i32>} : memref<4x64x128xf32, #tpu.memory_space<vmem>>, vector<16xf32>,
      %parallel_loop3A_536 = arith.mulf %parallel_loop3A_530, %parallel_loop3A_535 : vector<16xf32>
      %parallel_loop3A_537 = arith.addf %parallel_loop3A_525, %parallel_loop3A_536 : vector<16xf32>
      %parallel_loop3A_538 = arith.constant 0 : i32
      %parallel_loop3A_539 = arith.index_cast %parallel_loop3A_538 : i32 to index
      %parallel_loop3A_540 = arith.index_cast %parallel_loop3A_466 : i32 to index
      %parallel_loop3A_541 = arith.constant 96 : index
      %parallel_loop3A_542 = tpu.vector_load %arg9[%parallel_loop3A_539, %parallel_loop3A_540, %parallel_loop3A_541] {strides = array<i32>} : memref<4x64x128xf32, #tpu.memory_space<vmem>>, vector<16xf32>,
      %parallel_loop3A_543 = arith.constant 0 : i32
      %parallel_loop3A_544 = arith.index_cast %parallel_loop3A_543 : i32 to index
      %parallel_loop3A_545 = arith.index_cast %parallel_loop3A_466 : i32 to index
      %parallel_loop3A_546 = arith.constant 96 : index
      %parallel_loop3A_547 = tpu.vector_load %arg10[%parallel_loop3A_544, %parallel_loop3A_545, %parallel_loop3A_546] {strides = array<i32>} : memref<4x64x128xf32, #tpu.memory_space<vmem>>, vector<16xf32>,
      %parallel_loop3A_548 = arith.mulf %parallel_loop3A_542, %parallel_loop3A_547 : vector<16xf32>
      %parallel_loop3A_549 = arith.addf %parallel_loop3A_537, %parallel_loop3A_548 : vector<16xf32>
      %parallel_loop3A_550 = arith.constant 0 : i32
      %parallel_loop3A_551 = arith.index_cast %parallel_loop3A_550 : i32 to index
      %parallel_loop3A_552 = arith.index_cast %parallel_loop3A_466 : i32 to index
      %parallel_loop3A_553 = arith.constant 112 : index
      %parallel_loop3A_554 = tpu.vector_load %arg9[%parallel_loop3A_551, %parallel_loop3A_552, %parallel_loop3A_553] {strides = array<i32>} : memref<4x64x128xf32, #tpu.memory_space<vmem>>, vector<16xf32>,
      %parallel_loop3A_555 = arith.constant 0 : i32
      %parallel_loop3A_556 = arith.index_cast %parallel_loop3A_555 : i32 to index
      %parallel_loop3A_557 = arith.index_cast %parallel_loop3A_466 : i32 to index
      %parallel_loop3A_558 = arith.constant 112 : index
      %parallel_loop3A_559 = tpu.vector_load %arg10[%parallel_loop3A_556, %parallel_loop3A_557, %parallel_loop3A_558] {strides = array<i32>} : memref<4x64x128xf32, #tpu.memory_space<vmem>>, vector<16xf32>,
      %parallel_loop3A_560 = arith.mulf %parallel_loop3A_554, %parallel_loop3A_559 : vector<16xf32>
      %parallel_loop3A_561 = arith.addf %parallel_loop3A_549, %parallel_loop3A_560 : vector<16xf32>
      %parallel_loop3A_562 = arith.constant true
      %parallel_loop3A_563 = vector.broadcast %parallel_loop3A_562 : i1 to vector<16xi1>
      %parallel_loop3A_564 = tpu.scan <sum>, %parallel_loop3A_561 masked %parallel_loop3A_563 : vector<16xf32>, vector<16xi1> -> vector<16xf32>
      %parallel_loop3A_565 = arith.constant 0 : i32
      %parallel_loop3A_566 = arith.addi %parallel_loop3A_565, %parallel_loop3A_466 : i32
      %parallel_loop3A_567 = vector.broadcast %parallel_loop3A_566 : i32 to vector<16xi32>
      tpu.vector_store_idx %arg11[%parallel_loop3A_567], %parallel_loop3A_564 masked %eq3A_4 : memref<512xf32, #tpu.memory_space<vmem>>[vector<16xi32>], vector<16xf32>, vector<16xi1>
    } {sc.loop_unroll_factor = 2 : i64, sc.parallel_access}
    %add3A_113 = arith.constant 0 : i32
    %add3A_114 = arith.addi %mul3A_2, %add3A_113 : i32
    %dma_start3A_115 = arith.constant 0 : i32
    %dma_start3A_116 = tpu.memref_slice %arg11[%dma_start3A_115] : memref<512xf32, #tpu.memory_space<vmem>> -> memref<64xf32, #tpu.memory_space<vmem>>
    %dma_start3A_117 = tpu.memref_slice %arg6[%add3A_114] : memref<16384xf32, #tpu.memory_space<hbm>> -> memref<64xf32, #tpu.memory_space<hbm>>
    %dma_start3A_118 = tpu.memref_slice %arg6[%add3A_114] : memref<16384xf32, #tpu.memory_space<hbm>> -> memref<64xf32, #tpu.memory_space<hbm>>
    %dma_start3A_119 = arith.constant 0 : i32
    %dma_start3A_120 = tpu.memref_slice %arg11[%dma_start3A_119] : memref<512xf32, #tpu.memory_space<vmem>> -> memref<64xf32, #tpu.memory_space<vmem>>
    tpu.enqueue_dma source(%dma_start3A_120 : memref<64xf32, #tpu.memory_space<vmem>>) target(%dma_start3A_118 : memref<64xf32, #tpu.memory_space<hbm>>) target_semaphore(%arg16 : memref<!tpu.dma_semaphore, #tpu.memory_space<semaphore_mem>>)
    %dma_start3A_121 = arith.constant 0 : i32
    %dma_start3A_122 = arith.constant 0 : i32
    %dma_start3A_123 = arith.constant 0 : i32
    %dma_start3A_124 = tpu.memref_slice %arg9[%dma_start3A_121, %dma_start3A_122, %dma_start3A_123] : memref<4x64x128xf32, #tpu.memory_space<vmem>> -> memref<1x64x128xf32, #tpu.memory_space<vmem>>
    %dma_start3A_125 = tpu.memref_squeeze %dma_start3A_124 : memref<1x64x128xf32, #tpu.memory_space<vmem>> -> memref<64x128xf32, #tpu.memory_space<vmem>>
    %dma_start3A_126 = arith.constant 256 : i32
    %dma_start3A_127 = tpu.memref_slice %arg7[%dma_start3A_126] : memref<512xi32, #tpu.memory_space<vmem>> -> memref<64xi32, #tpu.memory_space<vmem>>
    %dma_start3A_128 = arith.constant 0 : i32
    %dma_start3A_129 = arith.constant 0 : i32
    %dma_start3A_130 = tpu.memref_slice %arg4[%dma_start3A_128, %dma_start3A_129] : memref<100000x128xf32, #tpu.memory_space<hbm>> -> memref<100000x128xf32, #tpu.memory_space<hbm>>
    tpu.enqueue_indirect_dma source(%dma_start3A_130 : memref<100000x128xf32, #tpu.memory_space<hbm>>) target(%dma_start3A_125 : memref<64x128xf32, #tpu.memory_space<vmem>>) offsets(%dma_start3A_127 : memref<64xi32, #tpu.memory_space<vmem>>) semaphore(%arg12 : memref<!tpu.dma_semaphore, #tpu.memory_space<semaphore_mem>>)
    %dma_start3A_131 = arith.constant 0 : i32
    %dma_start3A_132 = arith.constant 0 : i32
    %dma_start3A_133 = arith.constant 0 : i32
    %dma_start3A_134 = tpu.memref_slice %arg10[%dma_start3A_131, %dma_start3A_132, %dma_start3A_133] : memref<4x64x128xf32, #tpu.memory_space<vmem>> -> memref<1x64x128xf32, #tpu.memory_space<vmem>>
    %dma_start3A_135 = tpu.memref_squeeze %dma_start3A_134 : memref<1x64x128xf32, #tpu.memory_space<vmem>> -> memref<64x128xf32, #tpu.memory_space<vmem>>
    %dma_start3A_136 = arith.constant 256 : i32
    %dma_start3A_137 = tpu.memref_slice %arg8[%dma_start3A_136] : memref<512xi32, #tpu.memory_space<vmem>> -> memref<64xi32, #tpu.memory_space<vmem>>
    %dma_start3A_138 = arith.constant 0 : i32
    %dma_start3A_139 = arith.constant 0 : i32
    %dma_start3A_140 = tpu.memref_slice %arg5[%dma_start3A_138, %dma_start3A_139] : memref<100000x128xf32, #tpu.memory_space<hbm>> -> memref<100000x128xf32, #tpu.memory_space<hbm>>
    tpu.enqueue_indirect_dma source(%dma_start3A_140 : memref<100000x128xf32, #tpu.memory_space<hbm>>) target(%dma_start3A_135 : memref<64x128xf32, #tpu.memory_space<vmem>>) offsets(%dma_start3A_137 : memref<64xi32, #tpu.memory_space<vmem>>) semaphore(%arg12 : memref<!tpu.dma_semaphore, #tpu.memory_space<semaphore_mem>>)
    %dma_wait3A_141 = arith.constant 1 : i32
    %dma_wait3A_142 = arith.constant 0 : i32
    %dma_wait3A_143 = arith.constant 0 : i32
    %dma_wait3A_144 = tpu.memref_slice %arg9[%dma_wait3A_141, %dma_wait3A_142, %dma_wait3A_143] : memref<4x64x128xf32, #tpu.memory_space<vmem>> -> memref<1x64x128xf32, #tpu.memory_space<vmem>>
    %dma_wait3A_145 = tpu.memref_squeeze %dma_wait3A_144 : memref<1x64x128xf32, #tpu.memory_space<vmem>> -> memref<64x128xf32, #tpu.memory_space<vmem>>
    %dma_wait3A_146 = arith.constant 64 : i32
    %dma_wait3A_147 = tpu.memref_slice %arg7[%dma_wait3A_146] : memref<512xi32, #tpu.memory_space<vmem>> -> memref<64xi32, #tpu.memory_space<vmem>>
    %dma_wait3A_148 = arith.constant 0 : i32
    %dma_wait3A_149 = arith.constant 0 : i32
    %dma_wait3A_150 = tpu.memref_slice %arg4[%dma_wait3A_148, %dma_wait3A_149] : memref<100000x128xf32, #tpu.memory_space<hbm>> -> memref<100000x128xf32, #tpu.memory_space<hbm>>
    tpu.wait_indirect_dma semaphore(%arg13 : memref<!tpu.dma_semaphore, #tpu.memory_space<semaphore_mem>>) src(%dma_wait3A_150 : memref<100000x128xf32, #tpu.memory_space<hbm>>) dst(%dma_wait3A_145 : memref<64x128xf32, #tpu.memory_space<vmem>>)
    %dma_wait3A_151 = arith.constant 1 : i32
    %dma_wait3A_152 = arith.constant 0 : i32
    %dma_wait3A_153 = arith.constant 0 : i32
    %dma_wait3A_154 = tpu.memref_slice %arg10[%dma_wait3A_151, %dma_wait3A_152, %dma_wait3A_153] : memref<4x64x128xf32, #tpu.memory_space<vmem>> -> memref<1x64x128xf32, #tpu.memory_space<vmem>>
    %dma_wait3A_155 = tpu.memref_squeeze %dma_wait3A_154 : memref<1x64x128xf32, #tpu.memory_space<vmem>> -> memref<64x128xf32, #tpu.memory_space<vmem>>
    %dma_wait3A_156 = arith.constant 64 : i32
    %dma_wait3A_157 = tpu.memref_slice %arg8[%dma_wait3A_156] : memref<512xi32, #tpu.memory_space<vmem>> -> memref<64xi32, #tpu.memory_space<vmem>>
    %dma_wait3A_158 = arith.constant 0 : i32
    %dma_wait3A_159 = arith.constant 0 : i32
    %dma_wait3A_160 = tpu.memref_slice %arg5[%dma_wait3A_158, %dma_wait3A_159] : memref<100000x128xf32, #tpu.memory_space<hbm>> -> memref<100000x128xf32, #tpu.memory_space<hbm>>
    tpu.wait_indirect_dma semaphore(%arg13 : memref<!tpu.dma_semaphore, #tpu.memory_space<semaphore_mem>>) src(%dma_wait3A_160 : memref<100000x128xf32, #tpu.memory_space<hbm>>) dst(%dma_wait3A_155 : memref<64x128xf32, #tpu.memory_space<vmem>>)
    %parallel_loop3A_161 = arith.constant 0 : i32
    %parallel_loop3A_162 = arith.constant 64 : i32
    %parallel_loop3A_163 = arith.constant 1 : i32
    scf.for %parallel_loop3A_466 = %parallel_loop3A_161 to %parallel_loop3A_162 step %parallel_loop3A_163  : i32 {
      %parallel_loop3A_467 = arith.constant 1 : i32
      %parallel_loop3A_468 = arith.index_cast %parallel_loop3A_467 : i32 to index
      %parallel_loop3A_469 = arith.index_cast %parallel_loop3A_466 : i32 to index
      %parallel_loop3A_470 = arith.constant 0 : index
      %parallel_loop3A_471 = tpu.vector_load %arg9[%parallel_loop3A_468, %parallel_loop3A_469, %parallel_loop3A_470] {strides = array<i32>} : memref<4x64x128xf32, #tpu.memory_space<vmem>>, vector<16xf32>,
      %parallel_loop3A_472 = arith.constant 1 : i32
      %parallel_loop3A_473 = arith.index_cast %parallel_loop3A_472 : i32 to index
      %parallel_loop3A_474 = arith.index_cast %parallel_loop3A_466 : i32 to index
      %parallel_loop3A_475 = arith.constant 0 : index
      %parallel_loop3A_476 = tpu.vector_load %arg10[%parallel_loop3A_473, %parallel_loop3A_474, %parallel_loop3A_475] {strides = array<i32>} : memref<4x64x128xf32, #tpu.memory_space<vmem>>, vector<16xf32>,
      %parallel_loop3A_477 = arith.mulf %parallel_loop3A_471, %parallel_loop3A_476 : vector<16xf32>
      %parallel_loop3A_478 = arith.constant 1 : i32
      %parallel_loop3A_479 = arith.index_cast %parallel_loop3A_478 : i32 to index
      %parallel_loop3A_480 = arith.index_cast %parallel_loop3A_466 : i32 to index
      %parallel_loop3A_481 = arith.constant 16 : index
      %parallel_loop3A_482 = tpu.vector_load %arg9[%parallel_loop3A_479, %parallel_loop3A_480, %parallel_loop3A_481] {strides = array<i32>} : memref<4x64x128xf32, #tpu.memory_space<vmem>>, vector<16xf32>,
      %parallel_loop3A_483 = arith.constant 1 : i32
      %parallel_loop3A_484 = arith.index_cast %parallel_loop3A_483 : i32 to index
      %parallel_loop3A_485 = arith.index_cast %parallel_loop3A_466 : i32 to index
      %parallel_loop3A_486 = arith.constant 16 : index
      %parallel_loop3A_487 = tpu.vector_load %arg10[%parallel_loop3A_484, %parallel_loop3A_485, %parallel_loop3A_486] {strides = array<i32>} : memref<4x64x128xf32, #tpu.memory_space<vmem>>, vector<16xf32>,
      %parallel_loop3A_488 = arith.mulf %parallel_loop3A_482, %parallel_loop3A_487 : vector<16xf32>
      %parallel_loop3A_489 = arith.addf %parallel_loop3A_477, %parallel_loop3A_488 : vector<16xf32>
      %parallel_loop3A_490 = arith.constant 1 : i32
      %parallel_loop3A_491 = arith.index_cast %parallel_loop3A_490 : i32 to index
      %parallel_loop3A_492 = arith.index_cast %parallel_loop3A_466 : i32 to index
      %parallel_loop3A_493 = arith.constant 32 : index
      %parallel_loop3A_494 = tpu.vector_load %arg9[%parallel_loop3A_491, %parallel_loop3A_492, %parallel_loop3A_493] {strides = array<i32>} : memref<4x64x128xf32, #tpu.memory_space<vmem>>, vector<16xf32>,
      %parallel_loop3A_495 = arith.constant 1 : i32
      %parallel_loop3A_496 = arith.index_cast %parallel_loop3A_495 : i32 to index
      %parallel_loop3A_497 = arith.index_cast %parallel_loop3A_466 : i32 to index
      %parallel_loop3A_498 = arith.constant 32 : index
      %parallel_loop3A_499 = tpu.vector_load %arg10[%parallel_loop3A_496, %parallel_loop3A_497, %parallel_loop3A_498] {strides = array<i32>} : memref<4x64x128xf32, #tpu.memory_space<vmem>>, vector<16xf32>,
      %parallel_loop3A_500 = arith.mulf %parallel_loop3A_494, %parallel_loop3A_499 : vector<16xf32>
      %parallel_loop3A_501 = arith.addf %parallel_loop3A_489, %parallel_loop3A_500 : vector<16xf32>
      %parallel_loop3A_502 = arith.constant 1 : i32
      %parallel_loop3A_503 = arith.index_cast %parallel_loop3A_502 : i32 to index
      %parallel_loop3A_504 = arith.index_cast %parallel_loop3A_466 : i32 to index
      %parallel_loop3A_505 = arith.constant 48 : index
      %parallel_loop3A_506 = tpu.vector_load %arg9[%parallel_loop3A_503, %parallel_loop3A_504, %parallel_loop3A_505] {strides = array<i32>} : memref<4x64x128xf32, #tpu.memory_space<vmem>>, vector<16xf32>,
      %parallel_loop3A_507 = arith.constant 1 : i32
      %parallel_loop3A_508 = arith.index_cast %parallel_loop3A_507 : i32 to index
      %parallel_loop3A_509 = arith.index_cast %parallel_loop3A_466 : i32 to index
      %parallel_loop3A_510 = arith.constant 48 : index
      %parallel_loop3A_511 = tpu.vector_load %arg10[%parallel_loop3A_508, %parallel_loop3A_509, %parallel_loop3A_510] {strides = array<i32>} : memref<4x64x128xf32, #tpu.memory_space<vmem>>, vector<16xf32>,
      %parallel_loop3A_512 = arith.mulf %parallel_loop3A_506, %parallel_loop3A_511 : vector<16xf32>
      %parallel_loop3A_513 = arith.addf %parallel_loop3A_501, %parallel_loop3A_512 : vector<16xf32>
      %parallel_loop3A_514 = arith.constant 1 : i32
      %parallel_loop3A_515 = arith.index_cast %parallel_loop3A_514 : i32 to index
      %parallel_loop3A_516 = arith.index_cast %parallel_loop3A_466 : i32 to index
      %parallel_loop3A_517 = arith.constant 64 : index
      %parallel_loop3A_518 = tpu.vector_load %arg9[%parallel_loop3A_515, %parallel_loop3A_516, %parallel_loop3A_517] {strides = array<i32>} : memref<4x64x128xf32, #tpu.memory_space<vmem>>, vector<16xf32>,
      %parallel_loop3A_519 = arith.constant 1 : i32
      %parallel_loop3A_520 = arith.index_cast %parallel_loop3A_519 : i32 to index
      %parallel_loop3A_521 = arith.index_cast %parallel_loop3A_466 : i32 to index
      %parallel_loop3A_522 = arith.constant 64 : index
      %parallel_loop3A_523 = tpu.vector_load %arg10[%parallel_loop3A_520, %parallel_loop3A_521, %parallel_loop3A_522] {strides = array<i32>} : memref<4x64x128xf32, #tpu.memory_space<vmem>>, vector<16xf32>,
      %parallel_loop3A_524 = arith.mulf %parallel_loop3A_518, %parallel_loop3A_523 : vector<16xf32>
      %parallel_loop3A_525 = arith.addf %parallel_loop3A_513, %parallel_loop3A_524 : vector<16xf32>
      %parallel_loop3A_526 = arith.constant 1 : i32
      %parallel_loop3A_527 = arith.index_cast %parallel_loop3A_526 : i32 to index
      %parallel_loop3A_528 = arith.index_cast %parallel_loop3A_466 : i32 to index
      %parallel_loop3A_529 = arith.constant 80 : index
      %parallel_loop3A_530 = tpu.vector_load %arg9[%parallel_loop3A_527, %parallel_loop3A_528, %parallel_loop3A_529] {strides = array<i32>} : memref<4x64x128xf32, #tpu.memory_space<vmem>>, vector<16xf32>,
      %parallel_loop3A_531 = arith.constant 1 : i32
      %parallel_loop3A_532 = arith.index_cast %parallel_loop3A_531 : i32 to index
      %parallel_loop3A_533 = arith.index_cast %parallel_loop3A_466 : i32 to index
      %parallel_loop3A_534 = arith.constant 80 : index
      %parallel_loop3A_535 = tpu.vector_load %arg10[%parallel_loop3A_532, %parallel_loop3A_533, %parallel_loop3A_534] {strides = array<i32>} : memref<4x64x128xf32, #tpu.memory_space<vmem>>, vector<16xf32>,
      %parallel_loop3A_536 = arith.mulf %parallel_loop3A_530, %parallel_loop3A_535 : vector<16xf32>
      %parallel_loop3A_537 = arith.addf %parallel_loop3A_525, %parallel_loop3A_536 : vector<16xf32>
      %parallel_loop3A_538 = arith.constant 1 : i32
      %parallel_loop3A_539 = arith.index_cast %parallel_loop3A_538 : i32 to index
      %parallel_loop3A_540 = arith.index_cast %parallel_loop3A_466 : i32 to index
      %parallel_loop3A_541 = arith.constant 96 : index
      %parallel_loop3A_542 = tpu.vector_load %arg9[%parallel_loop3A_539, %parallel_loop3A_540, %parallel_loop3A_541] {strides = array<i32>} : memref<4x64x128xf32, #tpu.memory_space<vmem>>, vector<16xf32>,
      %parallel_loop3A_543 = arith.constant 1 : i32
      %parallel_loop3A_544 = arith.index_cast %parallel_loop3A_543 : i32 to index
      %parallel_loop3A_545 = arith.index_cast %parallel_loop3A_466 : i32 to index
      %parallel_loop3A_546 = arith.constant 96 : index
      %parallel_loop3A_547 = tpu.vector_load %arg10[%parallel_loop3A_544, %parallel_loop3A_545, %parallel_loop3A_546] {strides = array<i32>} : memref<4x64x128xf32, #tpu.memory_space<vmem>>, vector<16xf32>,
      %parallel_loop3A_548 = arith.mulf %parallel_loop3A_542, %parallel_loop3A_547 : vector<16xf32>
      %parallel_loop3A_549 = arith.addf %parallel_loop3A_537, %parallel_loop3A_548 : vector<16xf32>
      %parallel_loop3A_550 = arith.constant 1 : i32
      %parallel_loop3A_551 = arith.index_cast %parallel_loop3A_550 : i32 to index
      %parallel_loop3A_552 = arith.index_cast %parallel_loop3A_466 : i32 to index
      %parallel_loop3A_553 = arith.constant 112 : index
      %parallel_loop3A_554 = tpu.vector_load %arg9[%parallel_loop3A_551, %parallel_loop3A_552, %parallel_loop3A_553] {strides = array<i32>} : memref<4x64x128xf32, #tpu.memory_space<vmem>>, vector<16xf32>,
      %parallel_loop3A_555 = arith.constant 1 : i32
      %parallel_loop3A_556 = arith.index_cast %parallel_loop3A_555 : i32 to index
      %parallel_loop3A_557 = arith.index_cast %parallel_loop3A_466 : i32 to index
      %parallel_loop3A_558 = arith.constant 112 : index
      %parallel_loop3A_559 = tpu.vector_load %arg10[%parallel_loop3A_556, %parallel_loop3A_557, %parallel_loop3A_558] {strides = array<i32>} : memref<4x64x128xf32, #tpu.memory_space<vmem>>, vector<16xf32>,
      %parallel_loop3A_560 = arith.mulf %parallel_loop3A_554, %parallel_loop3A_559 : vector<16xf32>
      %parallel_loop3A_561 = arith.addf %parallel_loop3A_549, %parallel_loop3A_560 : vector<16xf32>
      %parallel_loop3A_562 = arith.constant true
      %parallel_loop3A_563 = vector.broadcast %parallel_loop3A_562 : i1 to vector<16xi1>
      %parallel_loop3A_564 = tpu.scan <sum>, %parallel_loop3A_561 masked %parallel_loop3A_563 : vector<16xf32>, vector<16xi1> -> vector<16xf32>
      %parallel_loop3A_565 = arith.constant 64 : i32
      %parallel_loop3A_566 = arith.addi %parallel_loop3A_565, %parallel_loop3A_466 : i32
      %parallel_loop3A_567 = vector.broadcast %parallel_loop3A_566 : i32 to vector<16xi32>
      tpu.vector_store_idx %arg11[%parallel_loop3A_567], %parallel_loop3A_564 masked %eq3A_4 : memref<512xf32, #tpu.memory_space<vmem>>[vector<16xi32>], vector<16xf32>, vector<16xi1>
    } {sc.loop_unroll_factor = 2 : i64, sc.parallel_access}
    %add3A_164 = arith.constant 64 : i32
    %add3A_165 = arith.addi %mul3A_2, %add3A_164 : i32
    %dma_start3A_166 = arith.constant 64 : i32
    %dma_start3A_167 = tpu.memref_slice %arg11[%dma_start3A_166] : memref<512xf32, #tpu.memory_space<vmem>> -> memref<64xf32, #tpu.memory_space<vmem>>
    %dma_start3A_168 = tpu.memref_slice %arg6[%add3A_165] : memref<16384xf32, #tpu.memory_space<hbm>> -> memref<64xf32, #tpu.memory_space<hbm>>
    %dma_start3A_169 = tpu.memref_slice %arg6[%add3A_165] : memref<16384xf32, #tpu.memory_space<hbm>> -> memref<64xf32, #tpu.memory_space<hbm>>
    %dma_start3A_170 = arith.constant 64 : i32
    %dma_start3A_171 = tpu.memref_slice %arg11[%dma_start3A_170] : memref<512xf32, #tpu.memory_space<vmem>> -> memref<64xf32, #tpu.memory_space<vmem>>
    tpu.enqueue_dma source(%dma_start3A_171 : memref<64xf32, #tpu.memory_space<vmem>>) target(%dma_start3A_169 : memref<64xf32, #tpu.memory_space<hbm>>) target_semaphore(%arg16 : memref<!tpu.dma_semaphore, #tpu.memory_space<semaphore_mem>>)
    %dma_start3A_172 = arith.constant 1 : i32
    %dma_start3A_173 = arith.constant 0 : i32
    %dma_start3A_174 = arith.constant 0 : i32
    %dma_start3A_175 = tpu.memref_slice %arg9[%dma_start3A_172, %dma_start3A_173, %dma_start3A_174] : memref<4x64x128xf32, #tpu.memory_space<vmem>> -> memref<1x64x128xf32, #tpu.memory_space<vmem>>
    %dma_start3A_176 = tpu.memref_squeeze %dma_start3A_175 : memref<1x64x128xf32, #tpu.memory_space<vmem>> -> memref<64x128xf32, #tpu.memory_space<vmem>>
    %dma_start3A_177 = arith.constant 320 : i32
    %dma_start3A_178 = tpu.memref_slice %arg7[%dma_start3A_177] : memref<512xi32, #tpu.memory_space<vmem>> -> memref<64xi32, #tpu.memory_space<vmem>>
    %dma_start3A_179 = arith.constant 0 : i32
    %dma_start3A_180 = arith.constant 0 : i32
    %dma_start3A_181 = tpu.memref_slice %arg4[%dma_start3A_179, %dma_start3A_180] : memref<100000x128xf32, #tpu.memory_space<hbm>> -> memref<100000x128xf32, #tpu.memory_space<hbm>>
    tpu.enqueue_indirect_dma source(%dma_start3A_181 : memref<100000x128xf32, #tpu.memory_space<hbm>>) target(%dma_start3A_176 : memref<64x128xf32, #tpu.memory_space<vmem>>) offsets(%dma_start3A_178 : memref<64xi32, #tpu.memory_space<vmem>>) semaphore(%arg13 : memref<!tpu.dma_semaphore, #tpu.memory_space<semaphore_mem>>)
    %dma_start3A_182 = arith.constant 1 : i32
    %dma_start3A_183 = arith.constant 0 : i32
    %dma_start3A_184 = arith.constant 0 : i32
    %dma_start3A_185 = tpu.memref_slice %arg10[%dma_start3A_182, %dma_start3A_183, %dma_start3A_184] : memref<4x64x128xf32, #tpu.memory_space<vmem>> -> memref<1x64x128xf32, #tpu.memory_space<vmem>>
    %dma_start3A_186 = tpu.memref_squeeze %dma_start3A_185 : memref<1x64x128xf32, #tpu.memory_space<vmem>> -> memref<64x128xf32, #tpu.memory_space<vmem>>
    %dma_start3A_187 = arith.constant 320 : i32
    %dma_start3A_188 = tpu.memref_slice %arg8[%dma_start3A_187] : memref<512xi32, #tpu.memory_space<vmem>> -> memref<64xi32, #tpu.memory_space<vmem>>
    %dma_start3A_189 = arith.constant 0 : i32
    %dma_start3A_190 = arith.constant 0 : i32
    %dma_start3A_191 = tpu.memref_slice %arg5[%dma_start3A_189, %dma_start3A_190] : memref<100000x128xf32, #tpu.memory_space<hbm>> -> memref<100000x128xf32, #tpu.memory_space<hbm>>
    tpu.enqueue_indirect_dma source(%dma_start3A_191 : memref<100000x128xf32, #tpu.memory_space<hbm>>) target(%dma_start3A_186 : memref<64x128xf32, #tpu.memory_space<vmem>>) offsets(%dma_start3A_188 : memref<64xi32, #tpu.memory_space<vmem>>) semaphore(%arg13 : memref<!tpu.dma_semaphore, #tpu.memory_space<semaphore_mem>>)
    %dma_wait3A_192 = arith.constant 2 : i32
    %dma_wait3A_193 = arith.constant 0 : i32
    %dma_wait3A_194 = arith.constant 0 : i32
    %dma_wait3A_195 = tpu.memref_slice %arg9[%dma_wait3A_192, %dma_wait3A_193, %dma_wait3A_194] : memref<4x64x128xf32, #tpu.memory_space<vmem>> -> memref<1x64x128xf32, #tpu.memory_space<vmem>>
    %dma_wait3A_196 = tpu.memref_squeeze %dma_wait3A_195 : memref<1x64x128xf32, #tpu.memory_space<vmem>> -> memref<64x128xf32, #tpu.memory_space<vmem>>
    %dma_wait3A_197 = arith.constant 128 : i32
    %dma_wait3A_198 = tpu.memref_slice %arg7[%dma_wait3A_197] : memref<512xi32, #tpu.memory_space<vmem>> -> memref<64xi32, #tpu.memory_space<vmem>>
    %dma_wait3A_199 = arith.constant 0 : i32
    %dma_wait3A_200 = arith.constant 0 : i32
    %dma_wait3A_201 = tpu.memref_slice %arg4[%dma_wait3A_199, %dma_wait3A_200] : memref<100000x128xf32, #tpu.memory_space<hbm>> -> memref<100000x128xf32, #tpu.memory_space<hbm>>
    tpu.wait_indirect_dma semaphore(%arg14 : memref<!tpu.dma_semaphore, #tpu.memory_space<semaphore_mem>>) src(%dma_wait3A_201 : memref<100000x128xf32, #tpu.memory_space<hbm>>) dst(%dma_wait3A_196 : memref<64x128xf32, #tpu.memory_space<vmem>>)
    %dma_wait3A_202 = arith.constant 2 : i32
    %dma_wait3A_203 = arith.constant 0 : i32
    %dma_wait3A_204 = arith.constant 0 : i32
    %dma_wait3A_205 = tpu.memref_slice %arg10[%dma_wait3A_202, %dma_wait3A_203, %dma_wait3A_204] : memref<4x64x128xf32, #tpu.memory_space<vmem>> -> memref<1x64x128xf32, #tpu.memory_space<vmem>>
    %dma_wait3A_206 = tpu.memref_squeeze %dma_wait3A_205 : memref<1x64x128xf32, #tpu.memory_space<vmem>> -> memref<64x128xf32, #tpu.memory_space<vmem>>
    %dma_wait3A_207 = arith.constant 128 : i32
    %dma_wait3A_208 = tpu.memref_slice %arg8[%dma_wait3A_207] : memref<512xi32, #tpu.memory_space<vmem>> -> memref<64xi32, #tpu.memory_space<vmem>>
    %dma_wait3A_209 = arith.constant 0 : i32
    %dma_wait3A_210 = arith.constant 0 : i32
    %dma_wait3A_211 = tpu.memref_slice %arg5[%dma_wait3A_209, %dma_wait3A_210] : memref<100000x128xf32, #tpu.memory_space<hbm>> -> memref<100000x128xf32, #tpu.memory_space<hbm>>
    tpu.wait_indirect_dma semaphore(%arg14 : memref<!tpu.dma_semaphore, #tpu.memory_space<semaphore_mem>>) src(%dma_wait3A_211 : memref<100000x128xf32, #tpu.memory_space<hbm>>) dst(%dma_wait3A_206 : memref<64x128xf32, #tpu.memory_space<vmem>>)
    %parallel_loop3A_212 = arith.constant 0 : i32
    %parallel_loop3A_213 = arith.constant 64 : i32
    %parallel_loop3A_214 = arith.constant 1 : i32
    scf.for %parallel_loop3A_466 = %parallel_loop3A_212 to %parallel_loop3A_213 step %parallel_loop3A_214  : i32 {
      %parallel_loop3A_467 = arith.constant 2 : i32
      %parallel_loop3A_468 = arith.index_cast %parallel_loop3A_467 : i32 to index
      %parallel_loop3A_469 = arith.index_cast %parallel_loop3A_466 : i32 to index
      %parallel_loop3A_470 = arith.constant 0 : index
      %parallel_loop3A_471 = tpu.vector_load %arg9[%parallel_loop3A_468, %parallel_loop3A_469, %parallel_loop3A_470] {strides = array<i32>} : memref<4x64x128xf32, #tpu.memory_space<vmem>>, vector<16xf32>,
      %parallel_loop3A_472 = arith.constant 2 : i32
      %parallel_loop3A_473 = arith.index_cast %parallel_loop3A_472 : i32 to index
      %parallel_loop3A_474 = arith.index_cast %parallel_loop3A_466 : i32 to index
      %parallel_loop3A_475 = arith.constant 0 : index
      %parallel_loop3A_476 = tpu.vector_load %arg10[%parallel_loop3A_473, %parallel_loop3A_474, %parallel_loop3A_475] {strides = array<i32>} : memref<4x64x128xf32, #tpu.memory_space<vmem>>, vector<16xf32>,
      %parallel_loop3A_477 = arith.mulf %parallel_loop3A_471, %parallel_loop3A_476 : vector<16xf32>
      %parallel_loop3A_478 = arith.constant 2 : i32
      %parallel_loop3A_479 = arith.index_cast %parallel_loop3A_478 : i32 to index
      %parallel_loop3A_480 = arith.index_cast %parallel_loop3A_466 : i32 to index
      %parallel_loop3A_481 = arith.constant 16 : index
      %parallel_loop3A_482 = tpu.vector_load %arg9[%parallel_loop3A_479, %parallel_loop3A_480, %parallel_loop3A_481] {strides = array<i32>} : memref<4x64x128xf32, #tpu.memory_space<vmem>>, vector<16xf32>,
      %parallel_loop3A_483 = arith.constant 2 : i32
      %parallel_loop3A_484 = arith.index_cast %parallel_loop3A_483 : i32 to index
      %parallel_loop3A_485 = arith.index_cast %parallel_loop3A_466 : i32 to index
      %parallel_loop3A_486 = arith.constant 16 : index
      %parallel_loop3A_487 = tpu.vector_load %arg10[%parallel_loop3A_484, %parallel_loop3A_485, %parallel_loop3A_486] {strides = array<i32>} : memref<4x64x128xf32, #tpu.memory_space<vmem>>, vector<16xf32>,
      %parallel_loop3A_488 = arith.mulf %parallel_loop3A_482, %parallel_loop3A_487 : vector<16xf32>
      %parallel_loop3A_489 = arith.addf %parallel_loop3A_477, %parallel_loop3A_488 : vector<16xf32>
      %parallel_loop3A_490 = arith.constant 2 : i32
      %parallel_loop3A_491 = arith.index_cast %parallel_loop3A_490 : i32 to index
      %parallel_loop3A_492 = arith.index_cast %parallel_loop3A_466 : i32 to index
      %parallel_loop3A_493 = arith.constant 32 : index
      %parallel_loop3A_494 = tpu.vector_load %arg9[%parallel_loop3A_491, %parallel_loop3A_492, %parallel_loop3A_493] {strides = array<i32>} : memref<4x64x128xf32, #tpu.memory_space<vmem>>, vector<16xf32>,
      %parallel_loop3A_495 = arith.constant 2 : i32
      %parallel_loop3A_496 = arith.index_cast %parallel_loop3A_495 : i32 to index
      %parallel_loop3A_497 = arith.index_cast %parallel_loop3A_466 : i32 to index
      %parallel_loop3A_498 = arith.constant 32 : index
      %parallel_loop3A_499 = tpu.vector_load %arg10[%parallel_loop3A_496, %parallel_loop3A_497, %parallel_loop3A_498] {strides = array<i32>} : memref<4x64x128xf32, #tpu.memory_space<vmem>>, vector<16xf32>,
      %parallel_loop3A_500 = arith.mulf %parallel_loop3A_494, %parallel_loop3A_499 : vector<16xf32>
      %parallel_loop3A_501 = arith.addf %parallel_loop3A_489, %parallel_loop3A_500 : vector<16xf32>
      %parallel_loop3A_502 = arith.constant 2 : i32
      %parallel_loop3A_503 = arith.index_cast %parallel_loop3A_502 : i32 to index
      %parallel_loop3A_504 = arith.index_cast %parallel_loop3A_466 : i32 to index
      %parallel_loop3A_505 = arith.constant 48 : index
      %parallel_loop3A_506 = tpu.vector_load %arg9[%parallel_loop3A_503, %parallel_loop3A_504, %parallel_loop3A_505] {strides = array<i32>} : memref<4x64x128xf32, #tpu.memory_space<vmem>>, vector<16xf32>,
      %parallel_loop3A_507 = arith.constant 2 : i32
      %parallel_loop3A_508 = arith.index_cast %parallel_loop3A_507 : i32 to index
      %parallel_loop3A_509 = arith.index_cast %parallel_loop3A_466 : i32 to index
      %parallel_loop3A_510 = arith.constant 48 : index
      %parallel_loop3A_511 = tpu.vector_load %arg10[%parallel_loop3A_508, %parallel_loop3A_509, %parallel_loop3A_510] {strides = array<i32>} : memref<4x64x128xf32, #tpu.memory_space<vmem>>, vector<16xf32>,
      %parallel_loop3A_512 = arith.mulf %parallel_loop3A_506, %parallel_loop3A_511 : vector<16xf32>
      %parallel_loop3A_513 = arith.addf %parallel_loop3A_501, %parallel_loop3A_512 : vector<16xf32>
      %parallel_loop3A_514 = arith.constant 2 : i32
      %parallel_loop3A_515 = arith.index_cast %parallel_loop3A_514 : i32 to index
      %parallel_loop3A_516 = arith.index_cast %parallel_loop3A_466 : i32 to index
      %parallel_loop3A_517 = arith.constant 64 : index
      %parallel_loop3A_518 = tpu.vector_load %arg9[%parallel_loop3A_515, %parallel_loop3A_516, %parallel_loop3A_517] {strides = array<i32>} : memref<4x64x128xf32, #tpu.memory_space<vmem>>, vector<16xf32>,
      %parallel_loop3A_519 = arith.constant 2 : i32
      %parallel_loop3A_520 = arith.index_cast %parallel_loop3A_519 : i32 to index
      %parallel_loop3A_521 = arith.index_cast %parallel_loop3A_466 : i32 to index
      %parallel_loop3A_522 = arith.constant 64 : index
      %parallel_loop3A_523 = tpu.vector_load %arg10[%parallel_loop3A_520, %parallel_loop3A_521, %parallel_loop3A_522] {strides = array<i32>} : memref<4x64x128xf32, #tpu.memory_space<vmem>>, vector<16xf32>,
      %parallel_loop3A_524 = arith.mulf %parallel_loop3A_518, %parallel_loop3A_523 : vector<16xf32>
      %parallel_loop3A_525 = arith.addf %parallel_loop3A_513, %parallel_loop3A_524 : vector<16xf32>
      %parallel_loop3A_526 = arith.constant 2 : i32
      %parallel_loop3A_527 = arith.index_cast %parallel_loop3A_526 : i32 to index
      %parallel_loop3A_528 = arith.index_cast %parallel_loop3A_466 : i32 to index
      %parallel_loop3A_529 = arith.constant 80 : index
      %parallel_loop3A_530 = tpu.vector_load %arg9[%parallel_loop3A_527, %parallel_loop3A_528, %parallel_loop3A_529] {strides = array<i32>} : memref<4x64x128xf32, #tpu.memory_space<vmem>>, vector<16xf32>,
      %parallel_loop3A_531 = arith.constant 2 : i32
      %parallel_loop3A_532 = arith.index_cast %parallel_loop3A_531 : i32 to index
      %parallel_loop3A_533 = arith.index_cast %parallel_loop3A_466 : i32 to index
      %parallel_loop3A_534 = arith.constant 80 : index
      %parallel_loop3A_535 = tpu.vector_load %arg10[%parallel_loop3A_532, %parallel_loop3A_533, %parallel_loop3A_534] {strides = array<i32>} : memref<4x64x128xf32, #tpu.memory_space<vmem>>, vector<16xf32>,
      %parallel_loop3A_536 = arith.mulf %parallel_loop3A_530, %parallel_loop3A_535 : vector<16xf32>
      %parallel_loop3A_537 = arith.addf %parallel_loop3A_525, %parallel_loop3A_536 : vector<16xf32>
      %parallel_loop3A_538 = arith.constant 2 : i32
      %parallel_loop3A_539 = arith.index_cast %parallel_loop3A_538 : i32 to index
      %parallel_loop3A_540 = arith.index_cast %parallel_loop3A_466 : i32 to index
      %parallel_loop3A_541 = arith.constant 96 : index
      %parallel_loop3A_542 = tpu.vector_load %arg9[%parallel_loop3A_539, %parallel_loop3A_540, %parallel_loop3A_541] {strides = array<i32>} : memref<4x64x128xf32, #tpu.memory_space<vmem>>, vector<16xf32>,
      %parallel_loop3A_543 = arith.constant 2 : i32
      %parallel_loop3A_544 = arith.index_cast %parallel_loop3A_543 : i32 to index
      %parallel_loop3A_545 = arith.index_cast %parallel_loop3A_466 : i32 to index
      %parallel_loop3A_546 = arith.constant 96 : index
      %parallel_loop3A_547 = tpu.vector_load %arg10[%parallel_loop3A_544, %parallel_loop3A_545, %parallel_loop3A_546] {strides = array<i32>} : memref<4x64x128xf32, #tpu.memory_space<vmem>>, vector<16xf32>,
      %parallel_loop3A_548 = arith.mulf %parallel_loop3A_542, %parallel_loop3A_547 : vector<16xf32>
      %parallel_loop3A_549 = arith.addf %parallel_loop3A_537, %parallel_loop3A_548 : vector<16xf32>
      %parallel_loop3A_550 = arith.constant 2 : i32
      %parallel_loop3A_551 = arith.index_cast %parallel_loop3A_550 : i32 to index
      %parallel_loop3A_552 = arith.index_cast %parallel_loop3A_466 : i32 to index
      %parallel_loop3A_553 = arith.constant 112 : index
      %parallel_loop3A_554 = tpu.vector_load %arg9[%parallel_loop3A_551, %parallel_loop3A_552, %parallel_loop3A_553] {strides = array<i32>} : memref<4x64x128xf32, #tpu.memory_space<vmem>>, vector<16xf32>,
      %parallel_loop3A_555 = arith.constant 2 : i32
      %parallel_loop3A_556 = arith.index_cast %parallel_loop3A_555 : i32 to index
      %parallel_loop3A_557 = arith.index_cast %parallel_loop3A_466 : i32 to index
      %parallel_loop3A_558 = arith.constant 112 : index
      %parallel_loop3A_559 = tpu.vector_load %arg10[%parallel_loop3A_556, %parallel_loop3A_557, %parallel_loop3A_558] {strides = array<i32>} : memref<4x64x128xf32, #tpu.memory_space<vmem>>, vector<16xf32>,
      %parallel_loop3A_560 = arith.mulf %parallel_loop3A_554, %parallel_loop3A_559 : vector<16xf32>
      %parallel_loop3A_561 = arith.addf %parallel_loop3A_549, %parallel_loop3A_560 : vector<16xf32>
      %parallel_loop3A_562 = arith.constant true
      %parallel_loop3A_563 = vector.broadcast %parallel_loop3A_562 : i1 to vector<16xi1>
      %parallel_loop3A_564 = tpu.scan <sum>, %parallel_loop3A_561 masked %parallel_loop3A_563 : vector<16xf32>, vector<16xi1> -> vector<16xf32>
      %parallel_loop3A_565 = arith.constant 128 : i32
      %parallel_loop3A_566 = arith.addi %parallel_loop3A_565, %parallel_loop3A_466 : i32
      %parallel_loop3A_567 = vector.broadcast %parallel_loop3A_566 : i32 to vector<16xi32>
      tpu.vector_store_idx %arg11[%parallel_loop3A_567], %parallel_loop3A_564 masked %eq3A_4 : memref<512xf32, #tpu.memory_space<vmem>>[vector<16xi32>], vector<16xf32>, vector<16xi1>
    } {sc.loop_unroll_factor = 2 : i64, sc.parallel_access}
    %add3A_215 = arith.constant 128 : i32
    %add3A_216 = arith.addi %mul3A_2, %add3A_215 : i32
    %dma_start3A_217 = arith.constant 128 : i32
    %dma_start3A_218 = tpu.memref_slice %arg11[%dma_start3A_217] : memref<512xf32, #tpu.memory_space<vmem>> -> memref<64xf32, #tpu.memory_space<vmem>>
    %dma_start3A_219 = tpu.memref_slice %arg6[%add3A_216] : memref<16384xf32, #tpu.memory_space<hbm>> -> memref<64xf32, #tpu.memory_space<hbm>>
    %dma_start3A_220 = tpu.memref_slice %arg6[%add3A_216] : memref<16384xf32, #tpu.memory_space<hbm>> -> memref<64xf32, #tpu.memory_space<hbm>>
    %dma_start3A_221 = arith.constant 128 : i32
    %dma_start3A_222 = tpu.memref_slice %arg11[%dma_start3A_221] : memref<512xf32, #tpu.memory_space<vmem>> -> memref<64xf32, #tpu.memory_space<vmem>>
    tpu.enqueue_dma source(%dma_start3A_222 : memref<64xf32, #tpu.memory_space<vmem>>) target(%dma_start3A_220 : memref<64xf32, #tpu.memory_space<hbm>>) target_semaphore(%arg16 : memref<!tpu.dma_semaphore, #tpu.memory_space<semaphore_mem>>)
    %dma_start3A_223 = arith.constant 2 : i32
    %dma_start3A_224 = arith.constant 0 : i32
    %dma_start3A_225 = arith.constant 0 : i32
    %dma_start3A_226 = tpu.memref_slice %arg9[%dma_start3A_223, %dma_start3A_224, %dma_start3A_225] : memref<4x64x128xf32, #tpu.memory_space<vmem>> -> memref<1x64x128xf32, #tpu.memory_space<vmem>>
    %dma_start3A_227 = tpu.memref_squeeze %dma_start3A_226 : memref<1x64x128xf32, #tpu.memory_space<vmem>> -> memref<64x128xf32, #tpu.memory_space<vmem>>
    %dma_start3A_228 = arith.constant 384 : i32
    %dma_start3A_229 = tpu.memref_slice %arg7[%dma_start3A_228] : memref<512xi32, #tpu.memory_space<vmem>> -> memref<64xi32, #tpu.memory_space<vmem>>
    %dma_start3A_230 = arith.constant 0 : i32
    %dma_start3A_231 = arith.constant 0 : i32
    %dma_start3A_232 = tpu.memref_slice %arg4[%dma_start3A_230, %dma_start3A_231] : memref<100000x128xf32, #tpu.memory_space<hbm>> -> memref<100000x128xf32, #tpu.memory_space<hbm>>
    tpu.enqueue_indirect_dma source(%dma_start3A_232 : memref<100000x128xf32, #tpu.memory_space<hbm>>) target(%dma_start3A_227 : memref<64x128xf32, #tpu.memory_space<vmem>>) offsets(%dma_start3A_229 : memref<64xi32, #tpu.memory_space<vmem>>) semaphore(%arg14 : memref<!tpu.dma_semaphore, #tpu.memory_space<semaphore_mem>>)
    %dma_start3A_233 = arith.constant 2 : i32
    %dma_start3A_234 = arith.constant 0 : i32
    %dma_start3A_235 = arith.constant 0 : i32
    %dma_start3A_236 = tpu.memref_slice %arg10[%dma_start3A_233, %dma_start3A_234, %dma_start3A_235] : memref<4x64x128xf32, #tpu.memory_space<vmem>> -> memref<1x64x128xf32, #tpu.memory_space<vmem>>
    %dma_start3A_237 = tpu.memref_squeeze %dma_start3A_236 : memref<1x64x128xf32, #tpu.memory_space<vmem>> -> memref<64x128xf32, #tpu.memory_space<vmem>>
    %dma_start3A_238 = arith.constant 384 : i32
    %dma_start3A_239 = tpu.memref_slice %arg8[%dma_start3A_238] : memref<512xi32, #tpu.memory_space<vmem>> -> memref<64xi32, #tpu.memory_space<vmem>>
    %dma_start3A_240 = arith.constant 0 : i32
    %dma_start3A_241 = arith.constant 0 : i32
    %dma_start3A_242 = tpu.memref_slice %arg5[%dma_start3A_240, %dma_start3A_241] : memref<100000x128xf32, #tpu.memory_space<hbm>> -> memref<100000x128xf32, #tpu.memory_space<hbm>>
    tpu.enqueue_indirect_dma source(%dma_start3A_242 : memref<100000x128xf32, #tpu.memory_space<hbm>>) target(%dma_start3A_237 : memref<64x128xf32, #tpu.memory_space<vmem>>) offsets(%dma_start3A_239 : memref<64xi32, #tpu.memory_space<vmem>>) semaphore(%arg14 : memref<!tpu.dma_semaphore, #tpu.memory_space<semaphore_mem>>)
    %dma_wait3A_243 = arith.constant 3 : i32
    %dma_wait3A_244 = arith.constant 0 : i32
    %dma_wait3A_245 = arith.constant 0 : i32
    %dma_wait3A_246 = tpu.memref_slice %arg9[%dma_wait3A_243, %dma_wait3A_244, %dma_wait3A_245] : memref<4x64x128xf32, #tpu.memory_space<vmem>> -> memref<1x64x128xf32, #tpu.memory_space<vmem>>
    %dma_wait3A_247 = tpu.memref_squeeze %dma_wait3A_246 : memref<1x64x128xf32, #tpu.memory_space<vmem>> -> memref<64x128xf32, #tpu.memory_space<vmem>>
    %dma_wait3A_248 = arith.constant 192 : i32
    %dma_wait3A_249 = tpu.memref_slice %arg7[%dma_wait3A_248] : memref<512xi32, #tpu.memory_space<vmem>> -> memref<64xi32, #tpu.memory_space<vmem>>
    %dma_wait3A_250 = arith.constant 0 : i32
    %dma_wait3A_251 = arith.constant 0 : i32
    %dma_wait3A_252 = tpu.memref_slice %arg4[%dma_wait3A_250, %dma_wait3A_251] : memref<100000x128xf32, #tpu.memory_space<hbm>> -> memref<100000x128xf32, #tpu.memory_space<hbm>>
    tpu.wait_indirect_dma semaphore(%arg15 : memref<!tpu.dma_semaphore, #tpu.memory_space<semaphore_mem>>) src(%dma_wait3A_252 : memref<100000x128xf32, #tpu.memory_space<hbm>>) dst(%dma_wait3A_247 : memref<64x128xf32, #tpu.memory_space<vmem>>)
    %dma_wait3A_253 = arith.constant 3 : i32
    %dma_wait3A_254 = arith.constant 0 : i32
    %dma_wait3A_255 = arith.constant 0 : i32
    %dma_wait3A_256 = tpu.memref_slice %arg10[%dma_wait3A_253, %dma_wait3A_254, %dma_wait3A_255] : memref<4x64x128xf32, #tpu.memory_space<vmem>> -> memref<1x64x128xf32, #tpu.memory_space<vmem>>
    %dma_wait3A_257 = tpu.memref_squeeze %dma_wait3A_256 : memref<1x64x128xf32, #tpu.memory_space<vmem>> -> memref<64x128xf32, #tpu.memory_space<vmem>>
    %dma_wait3A_258 = arith.constant 192 : i32
    %dma_wait3A_259 = tpu.memref_slice %arg8[%dma_wait3A_258] : memref<512xi32, #tpu.memory_space<vmem>> -> memref<64xi32, #tpu.memory_space<vmem>>
    %dma_wait3A_260 = arith.constant 0 : i32
    %dma_wait3A_261 = arith.constant 0 : i32
    %dma_wait3A_262 = tpu.memref_slice %arg5[%dma_wait3A_260, %dma_wait3A_261] : memref<100000x128xf32, #tpu.memory_space<hbm>> -> memref<100000x128xf32, #tpu.memory_space<hbm>>
    tpu.wait_indirect_dma semaphore(%arg15 : memref<!tpu.dma_semaphore, #tpu.memory_space<semaphore_mem>>) src(%dma_wait3A_262 : memref<100000x128xf32, #tpu.memory_space<hbm>>) dst(%dma_wait3A_257 : memref<64x128xf32, #tpu.memory_space<vmem>>)
    %parallel_loop3A_263 = arith.constant 0 : i32
    %parallel_loop3A_264 = arith.constant 64 : i32
    %parallel_loop3A_265 = arith.constant 1 : i32
    scf.for %parallel_loop3A_466 = %parallel_loop3A_263 to %parallel_loop3A_264 step %parallel_loop3A_265  : i32 {
      %parallel_loop3A_467 = arith.constant 3 : i32
      %parallel_loop3A_468 = arith.index_cast %parallel_loop3A_467 : i32 to index
      %parallel_loop3A_469 = arith.index_cast %parallel_loop3A_466 : i32 to index
      %parallel_loop3A_470 = arith.constant 0 : index
      %parallel_loop3A_471 = tpu.vector_load %arg9[%parallel_loop3A_468, %parallel_loop3A_469, %parallel_loop3A_470] {strides = array<i32>} : memref<4x64x128xf32, #tpu.memory_space<vmem>>, vector<16xf32>,
      %parallel_loop3A_472 = arith.constant 3 : i32
      %parallel_loop3A_473 = arith.index_cast %parallel_loop3A_472 : i32 to index
      %parallel_loop3A_474 = arith.index_cast %parallel_loop3A_466 : i32 to index
      %parallel_loop3A_475 = arith.constant 0 : index
      %parallel_loop3A_476 = tpu.vector_load %arg10[%parallel_loop3A_473, %parallel_loop3A_474, %parallel_loop3A_475] {strides = array<i32>} : memref<4x64x128xf32, #tpu.memory_space<vmem>>, vector<16xf32>,
      %parallel_loop3A_477 = arith.mulf %parallel_loop3A_471, %parallel_loop3A_476 : vector<16xf32>
      %parallel_loop3A_478 = arith.constant 3 : i32
      %parallel_loop3A_479 = arith.index_cast %parallel_loop3A_478 : i32 to index
      %parallel_loop3A_480 = arith.index_cast %parallel_loop3A_466 : i32 to index
      %parallel_loop3A_481 = arith.constant 16 : index
      %parallel_loop3A_482 = tpu.vector_load %arg9[%parallel_loop3A_479, %parallel_loop3A_480, %parallel_loop3A_481] {strides = array<i32>} : memref<4x64x128xf32, #tpu.memory_space<vmem>>, vector<16xf32>,
      %parallel_loop3A_483 = arith.constant 3 : i32
      %parallel_loop3A_484 = arith.index_cast %parallel_loop3A_483 : i32 to index
      %parallel_loop3A_485 = arith.index_cast %parallel_loop3A_466 : i32 to index
      %parallel_loop3A_486 = arith.constant 16 : index
      %parallel_loop3A_487 = tpu.vector_load %arg10[%parallel_loop3A_484, %parallel_loop3A_485, %parallel_loop3A_486] {strides = array<i32>} : memref<4x64x128xf32, #tpu.memory_space<vmem>>, vector<16xf32>,
      %parallel_loop3A_488 = arith.mulf %parallel_loop3A_482, %parallel_loop3A_487 : vector<16xf32>
      %parallel_loop3A_489 = arith.addf %parallel_loop3A_477, %parallel_loop3A_488 : vector<16xf32>
      %parallel_loop3A_490 = arith.constant 3 : i32
      %parallel_loop3A_491 = arith.index_cast %parallel_loop3A_490 : i32 to index
      %parallel_loop3A_492 = arith.index_cast %parallel_loop3A_466 : i32 to index
      %parallel_loop3A_493 = arith.constant 32 : index
      %parallel_loop3A_494 = tpu.vector_load %arg9[%parallel_loop3A_491, %parallel_loop3A_492, %parallel_loop3A_493] {strides = array<i32>} : memref<4x64x128xf32, #tpu.memory_space<vmem>>, vector<16xf32>,
      %parallel_loop3A_495 = arith.constant 3 : i32
      %parallel_loop3A_496 = arith.index_cast %parallel_loop3A_495 : i32 to index
      %parallel_loop3A_497 = arith.index_cast %parallel_loop3A_466 : i32 to index
      %parallel_loop3A_498 = arith.constant 32 : index
      %parallel_loop3A_499 = tpu.vector_load %arg10[%parallel_loop3A_496, %parallel_loop3A_497, %parallel_loop3A_498] {strides = array<i32>} : memref<4x64x128xf32, #tpu.memory_space<vmem>>, vector<16xf32>,
      %parallel_loop3A_500 = arith.mulf %parallel_loop3A_494, %parallel_loop3A_499 : vector<16xf32>
      %parallel_loop3A_501 = arith.addf %parallel_loop3A_489, %parallel_loop3A_500 : vector<16xf32>
      %parallel_loop3A_502 = arith.constant 3 : i32
      %parallel_loop3A_503 = arith.index_cast %parallel_loop3A_502 : i32 to index
      %parallel_loop3A_504 = arith.index_cast %parallel_loop3A_466 : i32 to index
      %parallel_loop3A_505 = arith.constant 48 : index
      %parallel_loop3A_506 = tpu.vector_load %arg9[%parallel_loop3A_503, %parallel_loop3A_504, %parallel_loop3A_505] {strides = array<i32>} : memref<4x64x128xf32, #tpu.memory_space<vmem>>, vector<16xf32>,
      %parallel_loop3A_507 = arith.constant 3 : i32
      %parallel_loop3A_508 = arith.index_cast %parallel_loop3A_507 : i32 to index
      %parallel_loop3A_509 = arith.index_cast %parallel_loop3A_466 : i32 to index
      %parallel_loop3A_510 = arith.constant 48 : index
      %parallel_loop3A_511 = tpu.vector_load %arg10[%parallel_loop3A_508, %parallel_loop3A_509, %parallel_loop3A_510] {strides = array<i32>} : memref<4x64x128xf32, #tpu.memory_space<vmem>>, vector<16xf32>,
      %parallel_loop3A_512 = arith.mulf %parallel_loop3A_506, %parallel_loop3A_511 : vector<16xf32>
      %parallel_loop3A_513 = arith.addf %parallel_loop3A_501, %parallel_loop3A_512 : vector<16xf32>
      %parallel_loop3A_514 = arith.constant 3 : i32
      %parallel_loop3A_515 = arith.index_cast %parallel_loop3A_514 : i32 to index
      %parallel_loop3A_516 = arith.index_cast %parallel_loop3A_466 : i32 to index
      %parallel_loop3A_517 = arith.constant 64 : index
      %parallel_loop3A_518 = tpu.vector_load %arg9[%parallel_loop3A_515, %parallel_loop3A_516, %parallel_loop3A_517] {strides = array<i32>} : memref<4x64x128xf32, #tpu.memory_space<vmem>>, vector<16xf32>,
      %parallel_loop3A_519 = arith.constant 3 : i32
      %parallel_loop3A_520 = arith.index_cast %parallel_loop3A_519 : i32 to index
      %parallel_loop3A_521 = arith.index_cast %parallel_loop3A_466 : i32 to index
      %parallel_loop3A_522 = arith.constant 64 : index
      %parallel_loop3A_523 = tpu.vector_load %arg10[%parallel_loop3A_520, %parallel_loop3A_521, %parallel_loop3A_522] {strides = array<i32>} : memref<4x64x128xf32, #tpu.memory_space<vmem>>, vector<16xf32>,
      %parallel_loop3A_524 = arith.mulf %parallel_loop3A_518, %parallel_loop3A_523 : vector<16xf32>
      %parallel_loop3A_525 = arith.addf %parallel_loop3A_513, %parallel_loop3A_524 : vector<16xf32>
      %parallel_loop3A_526 = arith.constant 3 : i32
      %parallel_loop3A_527 = arith.index_cast %parallel_loop3A_526 : i32 to index
      %parallel_loop3A_528 = arith.index_cast %parallel_loop3A_466 : i32 to index
      %parallel_loop3A_529 = arith.constant 80 : index
      %parallel_loop3A_530 = tpu.vector_load %arg9[%parallel_loop3A_527, %parallel_loop3A_528, %parallel_loop3A_529] {strides = array<i32>} : memref<4x64x128xf32, #tpu.memory_space<vmem>>, vector<16xf32>,
      %parallel_loop3A_531 = arith.constant 3 : i32
      %parallel_loop3A_532 = arith.index_cast %parallel_loop3A_531 : i32 to index
      %parallel_loop3A_533 = arith.index_cast %parallel_loop3A_466 : i32 to index
      %parallel_loop3A_534 = arith.constant 80 : index
      %parallel_loop3A_535 = tpu.vector_load %arg10[%parallel_loop3A_532, %parallel_loop3A_533, %parallel_loop3A_534] {strides = array<i32>} : memref<4x64x128xf32, #tpu.memory_space<vmem>>, vector<16xf32>,
      %parallel_loop3A_536 = arith.mulf %parallel_loop3A_530, %parallel_loop3A_535 : vector<16xf32>
      %parallel_loop3A_537 = arith.addf %parallel_loop3A_525, %parallel_loop3A_536 : vector<16xf32>
      %parallel_loop3A_538 = arith.constant 3 : i32
      %parallel_loop3A_539 = arith.index_cast %parallel_loop3A_538 : i32 to index
      %parallel_loop3A_540 = arith.index_cast %parallel_loop3A_466 : i32 to index
      %parallel_loop3A_541 = arith.constant 96 : index
      %parallel_loop3A_542 = tpu.vector_load %arg9[%parallel_loop3A_539, %parallel_loop3A_540, %parallel_loop3A_541] {strides = array<i32>} : memref<4x64x128xf32, #tpu.memory_space<vmem>>, vector<16xf32>,
      %parallel_loop3A_543 = arith.constant 3 : i32
      %parallel_loop3A_544 = arith.index_cast %parallel_loop3A_543 : i32 to index
      %parallel_loop3A_545 = arith.index_cast %parallel_loop3A_466 : i32 to index
      %parallel_loop3A_546 = arith.constant 96 : index
      %parallel_loop3A_547 = tpu.vector_load %arg10[%parallel_loop3A_544, %parallel_loop3A_545, %parallel_loop3A_546] {strides = array<i32>} : memref<4x64x128xf32, #tpu.memory_space<vmem>>, vector<16xf32>,
      %parallel_loop3A_548 = arith.mulf %parallel_loop3A_542, %parallel_loop3A_547 : vector<16xf32>
      %parallel_loop3A_549 = arith.addf %parallel_loop3A_537, %parallel_loop3A_548 : vector<16xf32>
      %parallel_loop3A_550 = arith.constant 3 : i32
      %parallel_loop3A_551 = arith.index_cast %parallel_loop3A_550 : i32 to index
      %parallel_loop3A_552 = arith.index_cast %parallel_loop3A_466 : i32 to index
      %parallel_loop3A_553 = arith.constant 112 : index
      %parallel_loop3A_554 = tpu.vector_load %arg9[%parallel_loop3A_551, %parallel_loop3A_552, %parallel_loop3A_553] {strides = array<i32>} : memref<4x64x128xf32, #tpu.memory_space<vmem>>, vector<16xf32>,
      %parallel_loop3A_555 = arith.constant 3 : i32
      %parallel_loop3A_556 = arith.index_cast %parallel_loop3A_555 : i32 to index
      %parallel_loop3A_557 = arith.index_cast %parallel_loop3A_466 : i32 to index
      %parallel_loop3A_558 = arith.constant 112 : index
      %parallel_loop3A_559 = tpu.vector_load %arg10[%parallel_loop3A_556, %parallel_loop3A_557, %parallel_loop3A_558] {strides = array<i32>} : memref<4x64x128xf32, #tpu.memory_space<vmem>>, vector<16xf32>,
      %parallel_loop3A_560 = arith.mulf %parallel_loop3A_554, %parallel_loop3A_559 : vector<16xf32>
      %parallel_loop3A_561 = arith.addf %parallel_loop3A_549, %parallel_loop3A_560 : vector<16xf32>
      %parallel_loop3A_562 = arith.constant true
      %parallel_loop3A_563 = vector.broadcast %parallel_loop3A_562 : i1 to vector<16xi1>
      %parallel_loop3A_564 = tpu.scan <sum>, %parallel_loop3A_561 masked %parallel_loop3A_563 : vector<16xf32>, vector<16xi1> -> vector<16xf32>
      %parallel_loop3A_565 = arith.constant 192 : i32
      %parallel_loop3A_566 = arith.addi %parallel_loop3A_565, %parallel_loop3A_466 : i32
      %parallel_loop3A_567 = vector.broadcast %parallel_loop3A_566 : i32 to vector<16xi32>
      tpu.vector_store_idx %arg11[%parallel_loop3A_567], %parallel_loop3A_564 masked %eq3A_4 : memref<512xf32, #tpu.memory_space<vmem>>[vector<16xi32>], vector<16xf32>, vector<16xi1>
    } {sc.loop_unroll_factor = 2 : i64, sc.parallel_access}
    %add3A_266 = arith.constant 192 : i32
    %add3A_267 = arith.addi %mul3A_2, %add3A_266 : i32
    %dma_start3A_268 = arith.constant 192 : i32
    %dma_start3A_269 = tpu.memref_slice %arg11[%dma_start3A_268] : memref<512xf32, #tpu.memory_space<vmem>> -> memref<64xf32, #tpu.memory_space<vmem>>
    %dma_start3A_270 = tpu.memref_slice %arg6[%add3A_267] : memref<16384xf32, #tpu.memory_space<hbm>> -> memref<64xf32, #tpu.memory_space<hbm>>
    %dma_start3A_271 = tpu.memref_slice %arg6[%add3A_267] : memref<16384xf32, #tpu.memory_space<hbm>> -> memref<64xf32, #tpu.memory_space<hbm>>
    %dma_start3A_272 = arith.constant 192 : i32
    %dma_start3A_273 = tpu.memref_slice %arg11[%dma_start3A_272] : memref<512xf32, #tpu.memory_space<vmem>> -> memref<64xf32, #tpu.memory_space<vmem>>
    tpu.enqueue_dma source(%dma_start3A_273 : memref<64xf32, #tpu.memory_space<vmem>>) target(%dma_start3A_271 : memref<64xf32, #tpu.memory_space<hbm>>) target_semaphore(%arg16 : memref<!tpu.dma_semaphore, #tpu.memory_space<semaphore_mem>>)
    %dma_start3A_274 = arith.constant 3 : i32
    %dma_start3A_275 = arith.constant 0 : i32
    %dma_start3A_276 = arith.constant 0 : i32
    %dma_start3A_277 = tpu.memref_slice %arg9[%dma_start3A_274, %dma_start3A_275, %dma_start3A_276] : memref<4x64x128xf32, #tpu.memory_space<vmem>> -> memref<1x64x128xf32, #tpu.memory_space<vmem>>
    %dma_start3A_278 = tpu.memref_squeeze %dma_start3A_277 : memref<1x64x128xf32, #tpu.memory_space<vmem>> -> memref<64x128xf32, #tpu.memory_space<vmem>>
    %dma_start3A_279 = arith.constant 448 : i32
    %dma_start3A_280 = tpu.memref_slice %arg7[%dma_start3A_279] : memref<512xi32, #tpu.memory_space<vmem>> -> memref<64xi32, #tpu.memory_space<vmem>>
    %dma_start3A_281 = arith.constant 0 : i32
    %dma_start3A_282 = arith.constant 0 : i32
    %dma_start3A_283 = tpu.memref_slice %arg4[%dma_start3A_281, %dma_start3A_282] : memref<100000x128xf32, #tpu.memory_space<hbm>> -> memref<100000x128xf32, #tpu.memory_space<hbm>>
    tpu.enqueue_indirect_dma source(%dma_start3A_283 : memref<100000x128xf32, #tpu.memory_space<hbm>>) target(%dma_start3A_278 : memref<64x128xf32, #tpu.memory_space<vmem>>) offsets(%dma_start3A_280 : memref<64xi32, #tpu.memory_space<vmem>>) semaphore(%arg15 : memref<!tpu.dma_semaphore, #tpu.memory_space<semaphore_mem>>)
    %dma_start3A_284 = arith.constant 3 : i32
    %dma_start3A_285 = arith.constant 0 : i32
    %dma_start3A_286 = arith.constant 0 : i32
    %dma_start3A_287 = tpu.memref_slice %arg10[%dma_start3A_284, %dma_start3A_285, %dma_start3A_286] : memref<4x64x128xf32, #tpu.memory_space<vmem>> -> memref<1x64x128xf32, #tpu.memory_space<vmem>>
    %dma_start3A_288 = tpu.memref_squeeze %dma_start3A_287 : memref<1x64x128xf32, #tpu.memory_space<vmem>> -> memref<64x128xf32, #tpu.memory_space<vmem>>
    %dma_start3A_289 = arith.constant 448 : i32
    %dma_start3A_290 = tpu.memref_slice %arg8[%dma_start3A_289] : memref<512xi32, #tpu.memory_space<vmem>> -> memref<64xi32, #tpu.memory_space<vmem>>
    %dma_start3A_291 = arith.constant 0 : i32
    %dma_start3A_292 = arith.constant 0 : i32
    %dma_start3A_293 = tpu.memref_slice %arg5[%dma_start3A_291, %dma_start3A_292] : memref<100000x128xf32, #tpu.memory_space<hbm>> -> memref<100000x128xf32, #tpu.memory_space<hbm>>
    tpu.enqueue_indirect_dma source(%dma_start3A_293 : memref<100000x128xf32, #tpu.memory_space<hbm>>) target(%dma_start3A_288 : memref<64x128xf32, #tpu.memory_space<vmem>>) offsets(%dma_start3A_290 : memref<64xi32, #tpu.memory_space<vmem>>) semaphore(%arg15 : memref<!tpu.dma_semaphore, #tpu.memory_space<semaphore_mem>>)
    %dma_wait3A_294 = arith.constant 0 : i32
    %dma_wait3A_295 = arith.constant 0 : i32
    %dma_wait3A_296 = arith.constant 0 : i32
    %dma_wait3A_297 = tpu.memref_slice %arg9[%dma_wait3A_294, %dma_wait3A_295, %dma_wait3A_296] : memref<4x64x128xf32, #tpu.memory_space<vmem>> -> memref<1x64x128xf32, #tpu.memory_space<vmem>>
    %dma_wait3A_298 = tpu.memref_squeeze %dma_wait3A_297 : memref<1x64x128xf32, #tpu.memory_space<vmem>> -> memref<64x128xf32, #tpu.memory_space<vmem>>
    %dma_wait3A_299 = arith.constant 256 : i32
    %dma_wait3A_300 = tpu.memref_slice %arg7[%dma_wait3A_299] : memref<512xi32, #tpu.memory_space<vmem>> -> memref<64xi32, #tpu.memory_space<vmem>>
    %dma_wait3A_301 = arith.constant 0 : i32
    %dma_wait3A_302 = arith.constant 0 : i32
    %dma_wait3A_303 = tpu.memref_slice %arg4[%dma_wait3A_301, %dma_wait3A_302] : memref<100000x128xf32, #tpu.memory_space<hbm>> -> memref<100000x128xf32, #tpu.memory_space<hbm>>
    tpu.wait_indirect_dma semaphore(%arg12 : memref<!tpu.dma_semaphore, #tpu.memory_space<semaphore_mem>>) src(%dma_wait3A_303 : memref<100000x128xf32, #tpu.memory_space<hbm>>) dst(%dma_wait3A_298 : memref<64x128xf32, #tpu.memory_space<vmem>>)
    %dma_wait3A_304 = arith.constant 0 : i32
    %dma_wait3A_305 = arith.constant 0 : i32
    %dma_wait3A_306 = arith.constant 0 : i32
    %dma_wait3A_307 = tpu.memref_slice %arg10[%dma_wait3A_304, %dma_wait3A_305, %dma_wait3A_306] : memref<4x64x128xf32, #tpu.memory_space<vmem>> -> memref<1x64x128xf32, #tpu.memory_space<vmem>>
    %dma_wait3A_308 = tpu.memref_squeeze %dma_wait3A_307 : memref<1x64x128xf32, #tpu.memory_space<vmem>> -> memref<64x128xf32, #tpu.memory_space<vmem>>
    %dma_wait3A_309 = arith.constant 256 : i32
    %dma_wait3A_310 = tpu.memref_slice %arg8[%dma_wait3A_309] : memref<512xi32, #tpu.memory_space<vmem>> -> memref<64xi32, #tpu.memory_space<vmem>>
    %dma_wait3A_311 = arith.constant 0 : i32
    %dma_wait3A_312 = arith.constant 0 : i32
    %dma_wait3A_313 = tpu.memref_slice %arg5[%dma_wait3A_311, %dma_wait3A_312] : memref<100000x128xf32, #tpu.memory_space<hbm>> -> memref<100000x128xf32, #tpu.memory_space<hbm>>
    tpu.wait_indirect_dma semaphore(%arg12 : memref<!tpu.dma_semaphore, #tpu.memory_space<semaphore_mem>>) src(%dma_wait3A_313 : memref<100000x128xf32, #tpu.memory_space<hbm>>) dst(%dma_wait3A_308 : memref<64x128xf32, #tpu.memory_space<vmem>>)
    %parallel_loop3A_314 = arith.constant 0 : i32
    %parallel_loop3A_315 = arith.constant 64 : i32
    %parallel_loop3A_316 = arith.constant 1 : i32
    scf.for %parallel_loop3A_466 = %parallel_loop3A_314 to %parallel_loop3A_315 step %parallel_loop3A_316  : i32 {
      %parallel_loop3A_467 = arith.constant 0 : i32
      %parallel_loop3A_468 = arith.index_cast %parallel_loop3A_467 : i32 to index
      %parallel_loop3A_469 = arith.index_cast %parallel_loop3A_466 : i32 to index
      %parallel_loop3A_470 = arith.constant 0 : index
      %parallel_loop3A_471 = tpu.vector_load %arg9[%parallel_loop3A_468, %parallel_loop3A_469, %parallel_loop3A_470] {strides = array<i32>} : memref<4x64x128xf32, #tpu.memory_space<vmem>>, vector<16xf32>,
      %parallel_loop3A_472 = arith.constant 0 : i32
      %parallel_loop3A_473 = arith.index_cast %parallel_loop3A_472 : i32 to index
      %parallel_loop3A_474 = arith.index_cast %parallel_loop3A_466 : i32 to index
      %parallel_loop3A_475 = arith.constant 0 : index
      %parallel_loop3A_476 = tpu.vector_load %arg10[%parallel_loop3A_473, %parallel_loop3A_474, %parallel_loop3A_475] {strides = array<i32>} : memref<4x64x128xf32, #tpu.memory_space<vmem>>, vector<16xf32>,
      %parallel_loop3A_477 = arith.mulf %parallel_loop3A_471, %parallel_loop3A_476 : vector<16xf32>
      %parallel_loop3A_478 = arith.constant 0 : i32
      %parallel_loop3A_479 = arith.index_cast %parallel_loop3A_478 : i32 to index
      %parallel_loop3A_480 = arith.index_cast %parallel_loop3A_466 : i32 to index
      %parallel_loop3A_481 = arith.constant 16 : index
      %parallel_loop3A_482 = tpu.vector_load %arg9[%parallel_loop3A_479, %parallel_loop3A_480, %parallel_loop3A_481] {strides = array<i32>} : memref<4x64x128xf32, #tpu.memory_space<vmem>>, vector<16xf32>,
      %parallel_loop3A_483 = arith.constant 0 : i32
      %parallel_loop3A_484 = arith.index_cast %parallel_loop3A_483 : i32 to index
      %parallel_loop3A_485 = arith.index_cast %parallel_loop3A_466 : i32 to index
      %parallel_loop3A_486 = arith.constant 16 : index
      %parallel_loop3A_487 = tpu.vector_load %arg10[%parallel_loop3A_484, %parallel_loop3A_485, %parallel_loop3A_486] {strides = array<i32>} : memref<4x64x128xf32, #tpu.memory_space<vmem>>, vector<16xf32>,
      %parallel_loop3A_488 = arith.mulf %parallel_loop3A_482, %parallel_loop3A_487 : vector<16xf32>
      %parallel_loop3A_489 = arith.addf %parallel_loop3A_477, %parallel_loop3A_488 : vector<16xf32>
      %parallel_loop3A_490 = arith.constant 0 : i32
      %parallel_loop3A_491 = arith.index_cast %parallel_loop3A_490 : i32 to index
      %parallel_loop3A_492 = arith.index_cast %parallel_loop3A_466 : i32 to index
      %parallel_loop3A_493 = arith.constant 32 : index
      %parallel_loop3A_494 = tpu.vector_load %arg9[%parallel_loop3A_491, %parallel_loop3A_492, %parallel_loop3A_493] {strides = array<i32>} : memref<4x64x128xf32, #tpu.memory_space<vmem>>, vector<16xf32>,
      %parallel_loop3A_495 = arith.constant 0 : i32
      %parallel_loop3A_496 = arith.index_cast %parallel_loop3A_495 : i32 to index
      %parallel_loop3A_497 = arith.index_cast %parallel_loop3A_466 : i32 to index
      %parallel_loop3A_498 = arith.constant 32 : index
      %parallel_loop3A_499 = tpu.vector_load %arg10[%parallel_loop3A_496, %parallel_loop3A_497, %parallel_loop3A_498] {strides = array<i32>} : memref<4x64x128xf32, #tpu.memory_space<vmem>>, vector<16xf32>,
      %parallel_loop3A_500 = arith.mulf %parallel_loop3A_494, %parallel_loop3A_499 : vector<16xf32>
      %parallel_loop3A_501 = arith.addf %parallel_loop3A_489, %parallel_loop3A_500 : vector<16xf32>
      %parallel_loop3A_502 = arith.constant 0 : i32
      %parallel_loop3A_503 = arith.index_cast %parallel_loop3A_502 : i32 to index
      %parallel_loop3A_504 = arith.index_cast %parallel_loop3A_466 : i32 to index
      %parallel_loop3A_505 = arith.constant 48 : index
      %parallel_loop3A_506 = tpu.vector_load %arg9[%parallel_loop3A_503, %parallel_loop3A_504, %parallel_loop3A_505] {strides = array<i32>} : memref<4x64x128xf32, #tpu.memory_space<vmem>>, vector<16xf32>,
      %parallel_loop3A_507 = arith.constant 0 : i32
      %parallel_loop3A_508 = arith.index_cast %parallel_loop3A_507 : i32 to index
      %parallel_loop3A_509 = arith.index_cast %parallel_loop3A_466 : i32 to index
      %parallel_loop3A_510 = arith.constant 48 : index
      %parallel_loop3A_511 = tpu.vector_load %arg10[%parallel_loop3A_508, %parallel_loop3A_509, %parallel_loop3A_510] {strides = array<i32>} : memref<4x64x128xf32, #tpu.memory_space<vmem>>, vector<16xf32>,
      %parallel_loop3A_512 = arith.mulf %parallel_loop3A_506, %parallel_loop3A_511 : vector<16xf32>
      %parallel_loop3A_513 = arith.addf %parallel_loop3A_501, %parallel_loop3A_512 : vector<16xf32>
      %parallel_loop3A_514 = arith.constant 0 : i32
      %parallel_loop3A_515 = arith.index_cast %parallel_loop3A_514 : i32 to index
      %parallel_loop3A_516 = arith.index_cast %parallel_loop3A_466 : i32 to index
      %parallel_loop3A_517 = arith.constant 64 : index
      %parallel_loop3A_518 = tpu.vector_load %arg9[%parallel_loop3A_515, %parallel_loop3A_516, %parallel_loop3A_517] {strides = array<i32>} : memref<4x64x128xf32, #tpu.memory_space<vmem>>, vector<16xf32>,
      %parallel_loop3A_519 = arith.constant 0 : i32
      %parallel_loop3A_520 = arith.index_cast %parallel_loop3A_519 : i32 to index
      %parallel_loop3A_521 = arith.index_cast %parallel_loop3A_466 : i32 to index
      %parallel_loop3A_522 = arith.constant 64 : index
      %parallel_loop3A_523 = tpu.vector_load %arg10[%parallel_loop3A_520, %parallel_loop3A_521, %parallel_loop3A_522] {strides = array<i32>} : memref<4x64x128xf32, #tpu.memory_space<vmem>>, vector<16xf32>,
      %parallel_loop3A_524 = arith.mulf %parallel_loop3A_518, %parallel_loop3A_523 : vector<16xf32>
      %parallel_loop3A_525 = arith.addf %parallel_loop3A_513, %parallel_loop3A_524 : vector<16xf32>
      %parallel_loop3A_526 = arith.constant 0 : i32
      %parallel_loop3A_527 = arith.index_cast %parallel_loop3A_526 : i32 to index
      %parallel_loop3A_528 = arith.index_cast %parallel_loop3A_466 : i32 to index
      %parallel_loop3A_529 = arith.constant 80 : index
      %parallel_loop3A_530 = tpu.vector_load %arg9[%parallel_loop3A_527, %parallel_loop3A_528, %parallel_loop3A_529] {strides = array<i32>} : memref<4x64x128xf32, #tpu.memory_space<vmem>>, vector<16xf32>,
      %parallel_loop3A_531 = arith.constant 0 : i32
      %parallel_loop3A_532 = arith.index_cast %parallel_loop3A_531 : i32 to index
      %parallel_loop3A_533 = arith.index_cast %parallel_loop3A_466 : i32 to index
      %parallel_loop3A_534 = arith.constant 80 : index
      %parallel_loop3A_535 = tpu.vector_load %arg10[%parallel_loop3A_532, %parallel_loop3A_533, %parallel_loop3A_534] {strides = array<i32>} : memref<4x64x128xf32, #tpu.memory_space<vmem>>, vector<16xf32>,
      %parallel_loop3A_536 = arith.mulf %parallel_loop3A_530, %parallel_loop3A_535 : vector<16xf32>
      %parallel_loop3A_537 = arith.addf %parallel_loop3A_525, %parallel_loop3A_536 : vector<16xf32>
      %parallel_loop3A_538 = arith.constant 0 : i32
      %parallel_loop3A_539 = arith.index_cast %parallel_loop3A_538 : i32 to index
      %parallel_loop3A_540 = arith.index_cast %parallel_loop3A_466 : i32 to index
      %parallel_loop3A_541 = arith.constant 96 : index
      %parallel_loop3A_542 = tpu.vector_load %arg9[%parallel_loop3A_539, %parallel_loop3A_540, %parallel_loop3A_541] {strides = array<i32>} : memref<4x64x128xf32, #tpu.memory_space<vmem>>, vector<16xf32>,
      %parallel_loop3A_543 = arith.constant 0 : i32
      %parallel_loop3A_544 = arith.index_cast %parallel_loop3A_543 : i32 to index
      %parallel_loop3A_545 = arith.index_cast %parallel_loop3A_466 : i32 to index
      %parallel_loop3A_546 = arith.constant 96 : index
      %parallel_loop3A_547 = tpu.vector_load %arg10[%parallel_loop3A_544, %parallel_loop3A_545, %parallel_loop3A_546] {strides = array<i32>} : memref<4x64x128xf32, #tpu.memory_space<vmem>>, vector<16xf32>,
      %parallel_loop3A_548 = arith.mulf %parallel_loop3A_542, %parallel_loop3A_547 : vector<16xf32>
      %parallel_loop3A_549 = arith.addf %parallel_loop3A_537, %parallel_loop3A_548 : vector<16xf32>
      %parallel_loop3A_550 = arith.constant 0 : i32
      %parallel_loop3A_551 = arith.index_cast %parallel_loop3A_550 : i32 to index
      %parallel_loop3A_552 = arith.index_cast %parallel_loop3A_466 : i32 to index
      %parallel_loop3A_553 = arith.constant 112 : index
      %parallel_loop3A_554 = tpu.vector_load %arg9[%parallel_loop3A_551, %parallel_loop3A_552, %parallel_loop3A_553] {strides = array<i32>} : memref<4x64x128xf32, #tpu.memory_space<vmem>>, vector<16xf32>,
      %parallel_loop3A_555 = arith.constant 0 : i32
      %parallel_loop3A_556 = arith.index_cast %parallel_loop3A_555 : i32 to index
      %parallel_loop3A_557 = arith.index_cast %parallel_loop3A_466 : i32 to index
      %parallel_loop3A_558 = arith.constant 112 : index
      %parallel_loop3A_559 = tpu.vector_load %arg10[%parallel_loop3A_556, %parallel_loop3A_557, %parallel_loop3A_558] {strides = array<i32>} : memref<4x64x128xf32, #tpu.memory_space<vmem>>, vector<16xf32>,
      %parallel_loop3A_560 = arith.mulf %parallel_loop3A_554, %parallel_loop3A_559 : vector<16xf32>
      %parallel_loop3A_561 = arith.addf %parallel_loop3A_549, %parallel_loop3A_560 : vector<16xf32>
      %parallel_loop3A_562 = arith.constant true
      %parallel_loop3A_563 = vector.broadcast %parallel_loop3A_562 : i1 to vector<16xi1>
      %parallel_loop3A_564 = tpu.scan <sum>, %parallel_loop3A_561 masked %parallel_loop3A_563 : vector<16xf32>, vector<16xi1> -> vector<16xf32>
      %parallel_loop3A_565 = arith.constant 256 : i32
      %parallel_loop3A_566 = arith.addi %parallel_loop3A_565, %parallel_loop3A_466 : i32
      %parallel_loop3A_567 = vector.broadcast %parallel_loop3A_566 : i32 to vector<16xi32>
      tpu.vector_store_idx %arg11[%parallel_loop3A_567], %parallel_loop3A_564 masked %eq3A_4 : memref<512xf32, #tpu.memory_space<vmem>>[vector<16xi32>], vector<16xf32>, vector<16xi1>
    } {sc.loop_unroll_factor = 2 : i64, sc.parallel_access}
    %add3A_317 = arith.constant 256 : i32
    %add3A_318 = arith.addi %mul3A_2, %add3A_317 : i32
    %dma_start3A_319 = arith.constant 256 : i32
    %dma_start3A_320 = tpu.memref_slice %arg11[%dma_start3A_319] : memref<512xf32, #tpu.memory_space<vmem>> -> memref<64xf32, #tpu.memory_space<vmem>>
    %dma_start3A_321 = tpu.memref_slice %arg6[%add3A_318] : memref<16384xf32, #tpu.memory_space<hbm>> -> memref<64xf32, #tpu.memory_space<hbm>>
    %dma_start3A_322 = tpu.memref_slice %arg6[%add3A_318] : memref<16384xf32, #tpu.memory_space<hbm>> -> memref<64xf32, #tpu.memory_space<hbm>>
    %dma_start3A_323 = arith.constant 256 : i32
    %dma_start3A_324 = tpu.memref_slice %arg11[%dma_start3A_323] : memref<512xf32, #tpu.memory_space<vmem>> -> memref<64xf32, #tpu.memory_space<vmem>>
    tpu.enqueue_dma source(%dma_start3A_324 : memref<64xf32, #tpu.memory_space<vmem>>) target(%dma_start3A_322 : memref<64xf32, #tpu.memory_space<hbm>>) target_semaphore(%arg16 : memref<!tpu.dma_semaphore, #tpu.memory_space<semaphore_mem>>)
    %dma_wait3A_325 = arith.constant 1 : i32
    %dma_wait3A_326 = arith.constant 0 : i32
    %dma_wait3A_327 = arith.constant 0 : i32
    %dma_wait3A_328 = tpu.memref_slice %arg9[%dma_wait3A_325, %dma_wait3A_326, %dma_wait3A_327] : memref<4x64x128xf32, #tpu.memory_space<vmem>> -> memref<1x64x128xf32, #tpu.memory_space<vmem>>
    %dma_wait3A_329 = tpu.memref_squeeze %dma_wait3A_328 : memref<1x64x128xf32, #tpu.memory_space<vmem>> -> memref<64x128xf32, #tpu.memory_space<vmem>>
    %dma_wait3A_330 = arith.constant 320 : i32
    %dma_wait3A_331 = tpu.memref_slice %arg7[%dma_wait3A_330] : memref<512xi32, #tpu.memory_space<vmem>> -> memref<64xi32, #tpu.memory_space<vmem>>
    %dma_wait3A_332 = arith.constant 0 : i32
    %dma_wait3A_333 = arith.constant 0 : i32
    %dma_wait3A_334 = tpu.memref_slice %arg4[%dma_wait3A_332, %dma_wait3A_333] : memref<100000x128xf32, #tpu.memory_space<hbm>> -> memref<100000x128xf32, #tpu.memory_space<hbm>>
    tpu.wait_indirect_dma semaphore(%arg13 : memref<!tpu.dma_semaphore, #tpu.memory_space<semaphore_mem>>) src(%dma_wait3A_334 : memref<100000x128xf32, #tpu.memory_space<hbm>>) dst(%dma_wait3A_329 : memref<64x128xf32, #tpu.memory_space<vmem>>)
    %dma_wait3A_335 = arith.constant 1 : i32
    %dma_wait3A_336 = arith.constant 0 : i32
    %dma_wait3A_337 = arith.constant 0 : i32
    %dma_wait3A_338 = tpu.memref_slice %arg10[%dma_wait3A_335, %dma_wait3A_336, %dma_wait3A_337] : memref<4x64x128xf32, #tpu.memory_space<vmem>> -> memref<1x64x128xf32, #tpu.memory_space<vmem>>
    %dma_wait3A_339 = tpu.memref_squeeze %dma_wait3A_338 : memref<1x64x128xf32, #tpu.memory_space<vmem>> -> memref<64x128xf32, #tpu.memory_space<vmem>>
    %dma_wait3A_340 = arith.constant 320 : i32
    %dma_wait3A_341 = tpu.memref_slice %arg8[%dma_wait3A_340] : memref<512xi32, #tpu.memory_space<vmem>> -> memref<64xi32, #tpu.memory_space<vmem>>
    %dma_wait3A_342 = arith.constant 0 : i32
    %dma_wait3A_343 = arith.constant 0 : i32
    %dma_wait3A_344 = tpu.memref_slice %arg5[%dma_wait3A_342, %dma_wait3A_343] : memref<100000x128xf32, #tpu.memory_space<hbm>> -> memref<100000x128xf32, #tpu.memory_space<hbm>>
    tpu.wait_indirect_dma semaphore(%arg13 : memref<!tpu.dma_semaphore, #tpu.memory_space<semaphore_mem>>) src(%dma_wait3A_344 : memref<100000x128xf32, #tpu.memory_space<hbm>>) dst(%dma_wait3A_339 : memref<64x128xf32, #tpu.memory_space<vmem>>)
    %parallel_loop3A_345 = arith.constant 0 : i32
    %parallel_loop3A_346 = arith.constant 64 : i32
    %parallel_loop3A_347 = arith.constant 1 : i32
    scf.for %parallel_loop3A_466 = %parallel_loop3A_345 to %parallel_loop3A_346 step %parallel_loop3A_347  : i32 {
      %parallel_loop3A_467 = arith.constant 1 : i32
      %parallel_loop3A_468 = arith.index_cast %parallel_loop3A_467 : i32 to index
      %parallel_loop3A_469 = arith.index_cast %parallel_loop3A_466 : i32 to index
      %parallel_loop3A_470 = arith.constant 0 : index
      %parallel_loop3A_471 = tpu.vector_load %arg9[%parallel_loop3A_468, %parallel_loop3A_469, %parallel_loop3A_470] {strides = array<i32>} : memref<4x64x128xf32, #tpu.memory_space<vmem>>, vector<16xf32>,
      %parallel_loop3A_472 = arith.constant 1 : i32
      %parallel_loop3A_473 = arith.index_cast %parallel_loop3A_472 : i32 to index
      %parallel_loop3A_474 = arith.index_cast %parallel_loop3A_466 : i32 to index
      %parallel_loop3A_475 = arith.constant 0 : index
      %parallel_loop3A_476 = tpu.vector_load %arg10[%parallel_loop3A_473, %parallel_loop3A_474, %parallel_loop3A_475] {strides = array<i32>} : memref<4x64x128xf32, #tpu.memory_space<vmem>>, vector<16xf32>,
      %parallel_loop3A_477 = arith.mulf %parallel_loop3A_471, %parallel_loop3A_476 : vector<16xf32>
      %parallel_loop3A_478 = arith.constant 1 : i32
      %parallel_loop3A_479 = arith.index_cast %parallel_loop3A_478 : i32 to index
      %parallel_loop3A_480 = arith.index_cast %parallel_loop3A_466 : i32 to index
      %parallel_loop3A_481 = arith.constant 16 : index
      %parallel_loop3A_482 = tpu.vector_load %arg9[%parallel_loop3A_479, %parallel_loop3A_480, %parallel_loop3A_481] {strides = array<i32>} : memref<4x64x128xf32, #tpu.memory_space<vmem>>, vector<16xf32>,
      %parallel_loop3A_483 = arith.constant 1 : i32
      %parallel_loop3A_484 = arith.index_cast %parallel_loop3A_483 : i32 to index
      %parallel_loop3A_485 = arith.index_cast %parallel_loop3A_466 : i32 to index
      %parallel_loop3A_486 = arith.constant 16 : index
      %parallel_loop3A_487 = tpu.vector_load %arg10[%parallel_loop3A_484, %parallel_loop3A_485, %parallel_loop3A_486] {strides = array<i32>} : memref<4x64x128xf32, #tpu.memory_space<vmem>>, vector<16xf32>,
      %parallel_loop3A_488 = arith.mulf %parallel_loop3A_482, %parallel_loop3A_487 : vector<16xf32>
      %parallel_loop3A_489 = arith.addf %parallel_loop3A_477, %parallel_loop3A_488 : vector<16xf32>
      %parallel_loop3A_490 = arith.constant 1 : i32
      %parallel_loop3A_491 = arith.index_cast %parallel_loop3A_490 : i32 to index
      %parallel_loop3A_492 = arith.index_cast %parallel_loop3A_466 : i32 to index
      %parallel_loop3A_493 = arith.constant 32 : index
      %parallel_loop3A_494 = tpu.vector_load %arg9[%parallel_loop3A_491, %parallel_loop3A_492, %parallel_loop3A_493] {strides = array<i32>} : memref<4x64x128xf32, #tpu.memory_space<vmem>>, vector<16xf32>,
      %parallel_loop3A_495 = arith.constant 1 : i32
      %parallel_loop3A_496 = arith.index_cast %parallel_loop3A_495 : i32 to index
      %parallel_loop3A_497 = arith.index_cast %parallel_loop3A_466 : i32 to index
      %parallel_loop3A_498 = arith.constant 32 : index
      %parallel_loop3A_499 = tpu.vector_load %arg10[%parallel_loop3A_496, %parallel_loop3A_497, %parallel_loop3A_498] {strides = array<i32>} : memref<4x64x128xf32, #tpu.memory_space<vmem>>, vector<16xf32>,
      %parallel_loop3A_500 = arith.mulf %parallel_loop3A_494, %parallel_loop3A_499 : vector<16xf32>
      %parallel_loop3A_501 = arith.addf %parallel_loop3A_489, %parallel_loop3A_500 : vector<16xf32>
      %parallel_loop3A_502 = arith.constant 1 : i32
      %parallel_loop3A_503 = arith.index_cast %parallel_loop3A_502 : i32 to index
      %parallel_loop3A_504 = arith.index_cast %parallel_loop3A_466 : i32 to index
      %parallel_loop3A_505 = arith.constant 48 : index
      %parallel_loop3A_506 = tpu.vector_load %arg9[%parallel_loop3A_503, %parallel_loop3A_504, %parallel_loop3A_505] {strides = array<i32>} : memref<4x64x128xf32, #tpu.memory_space<vmem>>, vector<16xf32>,
      %parallel_loop3A_507 = arith.constant 1 : i32
      %parallel_loop3A_508 = arith.index_cast %parallel_loop3A_507 : i32 to index
      %parallel_loop3A_509 = arith.index_cast %parallel_loop3A_466 : i32 to index
      %parallel_loop3A_510 = arith.constant 48 : index
      %parallel_loop3A_511 = tpu.vector_load %arg10[%parallel_loop3A_508, %parallel_loop3A_509, %parallel_loop3A_510] {strides = array<i32>} : memref<4x64x128xf32, #tpu.memory_space<vmem>>, vector<16xf32>,
      %parallel_loop3A_512 = arith.mulf %parallel_loop3A_506, %parallel_loop3A_511 : vector<16xf32>
      %parallel_loop3A_513 = arith.addf %parallel_loop3A_501, %parallel_loop3A_512 : vector<16xf32>
      %parallel_loop3A_514 = arith.constant 1 : i32
      %parallel_loop3A_515 = arith.index_cast %parallel_loop3A_514 : i32 to index
      %parallel_loop3A_516 = arith.index_cast %parallel_loop3A_466 : i32 to index
      %parallel_loop3A_517 = arith.constant 64 : index
      %parallel_loop3A_518 = tpu.vector_load %arg9[%parallel_loop3A_515, %parallel_loop3A_516, %parallel_loop3A_517] {strides = array<i32>} : memref<4x64x128xf32, #tpu.memory_space<vmem>>, vector<16xf32>,
      %parallel_loop3A_519 = arith.constant 1 : i32
      %parallel_loop3A_520 = arith.index_cast %parallel_loop3A_519 : i32 to index
      %parallel_loop3A_521 = arith.index_cast %parallel_loop3A_466 : i32 to index
      %parallel_loop3A_522 = arith.constant 64 : index
      %parallel_loop3A_523 = tpu.vector_load %arg10[%parallel_loop3A_520, %parallel_loop3A_521, %parallel_loop3A_522] {strides = array<i32>} : memref<4x64x128xf32, #tpu.memory_space<vmem>>, vector<16xf32>,
      %parallel_loop3A_524 = arith.mulf %parallel_loop3A_518, %parallel_loop3A_523 : vector<16xf32>
      %parallel_loop3A_525 = arith.addf %parallel_loop3A_513, %parallel_loop3A_524 : vector<16xf32>
      %parallel_loop3A_526 = arith.constant 1 : i32
      %parallel_loop3A_527 = arith.index_cast %parallel_loop3A_526 : i32 to index
      %parallel_loop3A_528 = arith.index_cast %parallel_loop3A_466 : i32 to index
      %parallel_loop3A_529 = arith.constant 80 : index
      %parallel_loop3A_530 = tpu.vector_load %arg9[%parallel_loop3A_527, %parallel_loop3A_528, %parallel_loop3A_529] {strides = array<i32>} : memref<4x64x128xf32, #tpu.memory_space<vmem>>, vector<16xf32>,
      %parallel_loop3A_531 = arith.constant 1 : i32
      %parallel_loop3A_532 = arith.index_cast %parallel_loop3A_531 : i32 to index
      %parallel_loop3A_533 = arith.index_cast %parallel_loop3A_466 : i32 to index
      %parallel_loop3A_534 = arith.constant 80 : index
      %parallel_loop3A_535 = tpu.vector_load %arg10[%parallel_loop3A_532, %parallel_loop3A_533, %parallel_loop3A_534] {strides = array<i32>} : memref<4x64x128xf32, #tpu.memory_space<vmem>>, vector<16xf32>,
      %parallel_loop3A_536 = arith.mulf %parallel_loop3A_530, %parallel_loop3A_535 : vector<16xf32>
      %parallel_loop3A_537 = arith.addf %parallel_loop3A_525, %parallel_loop3A_536 : vector<16xf32>
      %parallel_loop3A_538 = arith.constant 1 : i32
      %parallel_loop3A_539 = arith.index_cast %parallel_loop3A_538 : i32 to index
      %parallel_loop3A_540 = arith.index_cast %parallel_loop3A_466 : i32 to index
      %parallel_loop3A_541 = arith.constant 96 : index
      %parallel_loop3A_542 = tpu.vector_load %arg9[%parallel_loop3A_539, %parallel_loop3A_540, %parallel_loop3A_541] {strides = array<i32>} : memref<4x64x128xf32, #tpu.memory_space<vmem>>, vector<16xf32>,
      %parallel_loop3A_543 = arith.constant 1 : i32
      %parallel_loop3A_544 = arith.index_cast %parallel_loop3A_543 : i32 to index
      %parallel_loop3A_545 = arith.index_cast %parallel_loop3A_466 : i32 to index
      %parallel_loop3A_546 = arith.constant 96 : index
      %parallel_loop3A_547 = tpu.vector_load %arg10[%parallel_loop3A_544, %parallel_loop3A_545, %parallel_loop3A_546] {strides = array<i32>} : memref<4x64x128xf32, #tpu.memory_space<vmem>>, vector<16xf32>,
      %parallel_loop3A_548 = arith.mulf %parallel_loop3A_542, %parallel_loop3A_547 : vector<16xf32>
      %parallel_loop3A_549 = arith.addf %parallel_loop3A_537, %parallel_loop3A_548 : vector<16xf32>
      %parallel_loop3A_550 = arith.constant 1 : i32
      %parallel_loop3A_551 = arith.index_cast %parallel_loop3A_550 : i32 to index
      %parallel_loop3A_552 = arith.index_cast %parallel_loop3A_466 : i32 to index
      %parallel_loop3A_553 = arith.constant 112 : index
      %parallel_loop3A_554 = tpu.vector_load %arg9[%parallel_loop3A_551, %parallel_loop3A_552, %parallel_loop3A_553] {strides = array<i32>} : memref<4x64x128xf32, #tpu.memory_space<vmem>>, vector<16xf32>,
      %parallel_loop3A_555 = arith.constant 1 : i32
      %parallel_loop3A_556 = arith.index_cast %parallel_loop3A_555 : i32 to index
      %parallel_loop3A_557 = arith.index_cast %parallel_loop3A_466 : i32 to index
      %parallel_loop3A_558 = arith.constant 112 : index
      %parallel_loop3A_559 = tpu.vector_load %arg10[%parallel_loop3A_556, %parallel_loop3A_557, %parallel_loop3A_558] {strides = array<i32>} : memref<4x64x128xf32, #tpu.memory_space<vmem>>, vector<16xf32>,
      %parallel_loop3A_560 = arith.mulf %parallel_loop3A_554, %parallel_loop3A_559 : vector<16xf32>
      %parallel_loop3A_561 = arith.addf %parallel_loop3A_549, %parallel_loop3A_560 : vector<16xf32>
      %parallel_loop3A_562 = arith.constant true
      %parallel_loop3A_563 = vector.broadcast %parallel_loop3A_562 : i1 to vector<16xi1>
      %parallel_loop3A_564 = tpu.scan <sum>, %parallel_loop3A_561 masked %parallel_loop3A_563 : vector<16xf32>, vector<16xi1> -> vector<16xf32>
      %parallel_loop3A_565 = arith.constant 320 : i32
      %parallel_loop3A_566 = arith.addi %parallel_loop3A_565, %parallel_loop3A_466 : i32
      %parallel_loop3A_567 = vector.broadcast %parallel_loop3A_566 : i32 to vector<16xi32>
      tpu.vector_store_idx %arg11[%parallel_loop3A_567], %parallel_loop3A_564 masked %eq3A_4 : memref<512xf32, #tpu.memory_space<vmem>>[vector<16xi32>], vector<16xf32>, vector<16xi1>
    } {sc.loop_unroll_factor = 2 : i64, sc.parallel_access}
    %add3A_348 = arith.constant 320 : i32
    %add3A_349 = arith.addi %mul3A_2, %add3A_348 : i32
    %dma_start3A_350 = arith.constant 320 : i32
    %dma_start3A_351 = tpu.memref_slice %arg11[%dma_start3A_350] : memref<512xf32, #tpu.memory_space<vmem>> -> memref<64xf32, #tpu.memory_space<vmem>>
    %dma_start3A_352 = tpu.memref_slice %arg6[%add3A_349] : memref<16384xf32, #tpu.memory_space<hbm>> -> memref<64xf32, #tpu.memory_space<hbm>>
    %dma_start3A_353 = tpu.memref_slice %arg6[%add3A_349] : memref<16384xf32, #tpu.memory_space<hbm>> -> memref<64xf32, #tpu.memory_space<hbm>>
    %dma_start3A_354 = arith.constant 320 : i32
    %dma_start3A_355 = tpu.memref_slice %arg11[%dma_start3A_354] : memref<512xf32, #tpu.memory_space<vmem>> -> memref<64xf32, #tpu.memory_space<vmem>>
    tpu.enqueue_dma source(%dma_start3A_355 : memref<64xf32, #tpu.memory_space<vmem>>) target(%dma_start3A_353 : memref<64xf32, #tpu.memory_space<hbm>>) target_semaphore(%arg16 : memref<!tpu.dma_semaphore, #tpu.memory_space<semaphore_mem>>)
    %dma_wait3A_356 = arith.constant 2 : i32
    %dma_wait3A_357 = arith.constant 0 : i32
    %dma_wait3A_358 = arith.constant 0 : i32
    %dma_wait3A_359 = tpu.memref_slice %arg9[%dma_wait3A_356, %dma_wait3A_357, %dma_wait3A_358] : memref<4x64x128xf32, #tpu.memory_space<vmem>> -> memref<1x64x128xf32, #tpu.memory_space<vmem>>
    %dma_wait3A_360 = tpu.memref_squeeze %dma_wait3A_359 : memref<1x64x128xf32, #tpu.memory_space<vmem>> -> memref<64x128xf32, #tpu.memory_space<vmem>>
    %dma_wait3A_361 = arith.constant 384 : i32
    %dma_wait3A_362 = tpu.memref_slice %arg7[%dma_wait3A_361] : memref<512xi32, #tpu.memory_space<vmem>> -> memref<64xi32, #tpu.memory_space<vmem>>
    %dma_wait3A_363 = arith.constant 0 : i32
    %dma_wait3A_364 = arith.constant 0 : i32
    %dma_wait3A_365 = tpu.memref_slice %arg4[%dma_wait3A_363, %dma_wait3A_364] : memref<100000x128xf32, #tpu.memory_space<hbm>> -> memref<100000x128xf32, #tpu.memory_space<hbm>>
    tpu.wait_indirect_dma semaphore(%arg14 : memref<!tpu.dma_semaphore, #tpu.memory_space<semaphore_mem>>) src(%dma_wait3A_365 : memref<100000x128xf32, #tpu.memory_space<hbm>>) dst(%dma_wait3A_360 : memref<64x128xf32, #tpu.memory_space<vmem>>)
    %dma_wait3A_366 = arith.constant 2 : i32
    %dma_wait3A_367 = arith.constant 0 : i32
    %dma_wait3A_368 = arith.constant 0 : i32
    %dma_wait3A_369 = tpu.memref_slice %arg10[%dma_wait3A_366, %dma_wait3A_367, %dma_wait3A_368] : memref<4x64x128xf32, #tpu.memory_space<vmem>> -> memref<1x64x128xf32, #tpu.memory_space<vmem>>
    %dma_wait3A_370 = tpu.memref_squeeze %dma_wait3A_369 : memref<1x64x128xf32, #tpu.memory_space<vmem>> -> memref<64x128xf32, #tpu.memory_space<vmem>>
    %dma_wait3A_371 = arith.constant 384 : i32
    %dma_wait3A_372 = tpu.memref_slice %arg8[%dma_wait3A_371] : memref<512xi32, #tpu.memory_space<vmem>> -> memref<64xi32, #tpu.memory_space<vmem>>
    %dma_wait3A_373 = arith.constant 0 : i32
    %dma_wait3A_374 = arith.constant 0 : i32
    %dma_wait3A_375 = tpu.memref_slice %arg5[%dma_wait3A_373, %dma_wait3A_374] : memref<100000x128xf32, #tpu.memory_space<hbm>> -> memref<100000x128xf32, #tpu.memory_space<hbm>>
    tpu.wait_indirect_dma semaphore(%arg14 : memref<!tpu.dma_semaphore, #tpu.memory_space<semaphore_mem>>) src(%dma_wait3A_375 : memref<100000x128xf32, #tpu.memory_space<hbm>>) dst(%dma_wait3A_370 : memref<64x128xf32, #tpu.memory_space<vmem>>)
    %parallel_loop3A_376 = arith.constant 0 : i32
    %parallel_loop3A_377 = arith.constant 64 : i32
    %parallel_loop3A_378 = arith.constant 1 : i32
    scf.for %parallel_loop3A_466 = %parallel_loop3A_376 to %parallel_loop3A_377 step %parallel_loop3A_378  : i32 {
      %parallel_loop3A_467 = arith.constant 2 : i32
      %parallel_loop3A_468 = arith.index_cast %parallel_loop3A_467 : i32 to index
      %parallel_loop3A_469 = arith.index_cast %parallel_loop3A_466 : i32 to index
      %parallel_loop3A_470 = arith.constant 0 : index
      %parallel_loop3A_471 = tpu.vector_load %arg9[%parallel_loop3A_468, %parallel_loop3A_469, %parallel_loop3A_470] {strides = array<i32>} : memref<4x64x128xf32, #tpu.memory_space<vmem>>, vector<16xf32>,
      %parallel_loop3A_472 = arith.constant 2 : i32
      %parallel_loop3A_473 = arith.index_cast %parallel_loop3A_472 : i32 to index
      %parallel_loop3A_474 = arith.index_cast %parallel_loop3A_466 : i32 to index
      %parallel_loop3A_475 = arith.constant 0 : index
      %parallel_loop3A_476 = tpu.vector_load %arg10[%parallel_loop3A_473, %parallel_loop3A_474, %parallel_loop3A_475] {strides = array<i32>} : memref<4x64x128xf32, #tpu.memory_space<vmem>>, vector<16xf32>,
      %parallel_loop3A_477 = arith.mulf %parallel_loop3A_471, %parallel_loop3A_476 : vector<16xf32>
      %parallel_loop3A_478 = arith.constant 2 : i32
      %parallel_loop3A_479 = arith.index_cast %parallel_loop3A_478 : i32 to index
      %parallel_loop3A_480 = arith.index_cast %parallel_loop3A_466 : i32 to index
      %parallel_loop3A_481 = arith.constant 16 : index
      %parallel_loop3A_482 = tpu.vector_load %arg9[%parallel_loop3A_479, %parallel_loop3A_480, %parallel_loop3A_481] {strides = array<i32>} : memref<4x64x128xf32, #tpu.memory_space<vmem>>, vector<16xf32>,
      %parallel_loop3A_483 = arith.constant 2 : i32
      %parallel_loop3A_484 = arith.index_cast %parallel_loop3A_483 : i32 to index
      %parallel_loop3A_485 = arith.index_cast %parallel_loop3A_466 : i32 to index
      %parallel_loop3A_486 = arith.constant 16 : index
      %parallel_loop3A_487 = tpu.vector_load %arg10[%parallel_loop3A_484, %parallel_loop3A_485, %parallel_loop3A_486] {strides = array<i32>} : memref<4x64x128xf32, #tpu.memory_space<vmem>>, vector<16xf32>,
      %parallel_loop3A_488 = arith.mulf %parallel_loop3A_482, %parallel_loop3A_487 : vector<16xf32>
      %parallel_loop3A_489 = arith.addf %parallel_loop3A_477, %parallel_loop3A_488 : vector<16xf32>
      %parallel_loop3A_490 = arith.constant 2 : i32
      %parallel_loop3A_491 = arith.index_cast %parallel_loop3A_490 : i32 to index
      %parallel_loop3A_492 = arith.index_cast %parallel_loop3A_466 : i32 to index
      %parallel_loop3A_493 = arith.constant 32 : index
      %parallel_loop3A_494 = tpu.vector_load %arg9[%parallel_loop3A_491, %parallel_loop3A_492, %parallel_loop3A_493] {strides = array<i32>} : memref<4x64x128xf32, #tpu.memory_space<vmem>>, vector<16xf32>,
      %parallel_loop3A_495 = arith.constant 2 : i32
      %parallel_loop3A_496 = arith.index_cast %parallel_loop3A_495 : i32 to index
      %parallel_loop3A_497 = arith.index_cast %parallel_loop3A_466 : i32 to index
      %parallel_loop3A_498 = arith.constant 32 : index
      %parallel_loop3A_499 = tpu.vector_load %arg10[%parallel_loop3A_496, %parallel_loop3A_497, %parallel_loop3A_498] {strides = array<i32>} : memref<4x64x128xf32, #tpu.memory_space<vmem>>, vector<16xf32>,
      %parallel_loop3A_500 = arith.mulf %parallel_loop3A_494, %parallel_loop3A_499 : vector<16xf32>
      %parallel_loop3A_501 = arith.addf %parallel_loop3A_489, %parallel_loop3A_500 : vector<16xf32>
      %parallel_loop3A_502 = arith.constant 2 : i32
      %parallel_loop3A_503 = arith.index_cast %parallel_loop3A_502 : i32 to index
      %parallel_loop3A_504 = arith.index_cast %parallel_loop3A_466 : i32 to index
      %parallel_loop3A_505 = arith.constant 48 : index
      %parallel_loop3A_506 = tpu.vector_load %arg9[%parallel_loop3A_503, %parallel_loop3A_504, %parallel_loop3A_505] {strides = array<i32>} : memref<4x64x128xf32, #tpu.memory_space<vmem>>, vector<16xf32>,
      %parallel_loop3A_507 = arith.constant 2 : i32
      %parallel_loop3A_508 = arith.index_cast %parallel_loop3A_507 : i32 to index
      %parallel_loop3A_509 = arith.index_cast %parallel_loop3A_466 : i32 to index
      %parallel_loop3A_510 = arith.constant 48 : index
      %parallel_loop3A_511 = tpu.vector_load %arg10[%parallel_loop3A_508, %parallel_loop3A_509, %parallel_loop3A_510] {strides = array<i32>} : memref<4x64x128xf32, #tpu.memory_space<vmem>>, vector<16xf32>,
      %parallel_loop3A_512 = arith.mulf %parallel_loop3A_506, %parallel_loop3A_511 : vector<16xf32>
      %parallel_loop3A_513 = arith.addf %parallel_loop3A_501, %parallel_loop3A_512 : vector<16xf32>
      %parallel_loop3A_514 = arith.constant 2 : i32
      %parallel_loop3A_515 = arith.index_cast %parallel_loop3A_514 : i32 to index
      %parallel_loop3A_516 = arith.index_cast %parallel_loop3A_466 : i32 to index
      %parallel_loop3A_517 = arith.constant 64 : index
      %parallel_loop3A_518 = tpu.vector_load %arg9[%parallel_loop3A_515, %parallel_loop3A_516, %parallel_loop3A_517] {strides = array<i32>} : memref<4x64x128xf32, #tpu.memory_space<vmem>>, vector<16xf32>,
      %parallel_loop3A_519 = arith.constant 2 : i32
      %parallel_loop3A_520 = arith.index_cast %parallel_loop3A_519 : i32 to index
      %parallel_loop3A_521 = arith.index_cast %parallel_loop3A_466 : i32 to index
      %parallel_loop3A_522 = arith.constant 64 : index
      %parallel_loop3A_523 = tpu.vector_load %arg10[%parallel_loop3A_520, %parallel_loop3A_521, %parallel_loop3A_522] {strides = array<i32>} : memref<4x64x128xf32, #tpu.memory_space<vmem>>, vector<16xf32>,
      %parallel_loop3A_524 = arith.mulf %parallel_loop3A_518, %parallel_loop3A_523 : vector<16xf32>
      %parallel_loop3A_525 = arith.addf %parallel_loop3A_513, %parallel_loop3A_524 : vector<16xf32>
      %parallel_loop3A_526 = arith.constant 2 : i32
      %parallel_loop3A_527 = arith.index_cast %parallel_loop3A_526 : i32 to index
      %parallel_loop3A_528 = arith.index_cast %parallel_loop3A_466 : i32 to index
      %parallel_loop3A_529 = arith.constant 80 : index
      %parallel_loop3A_530 = tpu.vector_load %arg9[%parallel_loop3A_527, %parallel_loop3A_528, %parallel_loop3A_529] {strides = array<i32>} : memref<4x64x128xf32, #tpu.memory_space<vmem>>, vector<16xf32>,
      %parallel_loop3A_531 = arith.constant 2 : i32
      %parallel_loop3A_532 = arith.index_cast %parallel_loop3A_531 : i32 to index
      %parallel_loop3A_533 = arith.index_cast %parallel_loop3A_466 : i32 to index
      %parallel_loop3A_534 = arith.constant 80 : index
      %parallel_loop3A_535 = tpu.vector_load %arg10[%parallel_loop3A_532, %parallel_loop3A_533, %parallel_loop3A_534] {strides = array<i32>} : memref<4x64x128xf32, #tpu.memory_space<vmem>>, vector<16xf32>,
      %parallel_loop3A_536 = arith.mulf %parallel_loop3A_530, %parallel_loop3A_535 : vector<16xf32>
      %parallel_loop3A_537 = arith.addf %parallel_loop3A_525, %parallel_loop3A_536 : vector<16xf32>
      %parallel_loop3A_538 = arith.constant 2 : i32
      %parallel_loop3A_539 = arith.index_cast %parallel_loop3A_538 : i32 to index
      %parallel_loop3A_540 = arith.index_cast %parallel_loop3A_466 : i32 to index
      %parallel_loop3A_541 = arith.constant 96 : index
      %parallel_loop3A_542 = tpu.vector_load %arg9[%parallel_loop3A_539, %parallel_loop3A_540, %parallel_loop3A_541] {strides = array<i32>} : memref<4x64x128xf32, #tpu.memory_space<vmem>>, vector<16xf32>,
      %parallel_loop3A_543 = arith.constant 2 : i32
      %parallel_loop3A_544 = arith.index_cast %parallel_loop3A_543 : i32 to index
      %parallel_loop3A_545 = arith.index_cast %parallel_loop3A_466 : i32 to index
      %parallel_loop3A_546 = arith.constant 96 : index
      %parallel_loop3A_547 = tpu.vector_load %arg10[%parallel_loop3A_544, %parallel_loop3A_545, %parallel_loop3A_546] {strides = array<i32>} : memref<4x64x128xf32, #tpu.memory_space<vmem>>, vector<16xf32>,
      %parallel_loop3A_548 = arith.mulf %parallel_loop3A_542, %parallel_loop3A_547 : vector<16xf32>
      %parallel_loop3A_549 = arith.addf %parallel_loop3A_537, %parallel_loop3A_548 : vector<16xf32>
      %parallel_loop3A_550 = arith.constant 2 : i32
      %parallel_loop3A_551 = arith.index_cast %parallel_loop3A_550 : i32 to index
      %parallel_loop3A_552 = arith.index_cast %parallel_loop3A_466 : i32 to index
      %parallel_loop3A_553 = arith.constant 112 : index
      %parallel_loop3A_554 = tpu.vector_load %arg9[%parallel_loop3A_551, %parallel_loop3A_552, %parallel_loop3A_553] {strides = array<i32>} : memref<4x64x128xf32, #tpu.memory_space<vmem>>, vector<16xf32>,
      %parallel_loop3A_555 = arith.constant 2 : i32
      %parallel_loop3A_556 = arith.index_cast %parallel_loop3A_555 : i32 to index
      %parallel_loop3A_557 = arith.index_cast %parallel_loop3A_466 : i32 to index
      %parallel_loop3A_558 = arith.constant 112 : index
      %parallel_loop3A_559 = tpu.vector_load %arg10[%parallel_loop3A_556, %parallel_loop3A_557, %parallel_loop3A_558] {strides = array<i32>} : memref<4x64x128xf32, #tpu.memory_space<vmem>>, vector<16xf32>,
      %parallel_loop3A_560 = arith.mulf %parallel_loop3A_554, %parallel_loop3A_559 : vector<16xf32>
      %parallel_loop3A_561 = arith.addf %parallel_loop3A_549, %parallel_loop3A_560 : vector<16xf32>
      %parallel_loop3A_562 = arith.constant true
      %parallel_loop3A_563 = vector.broadcast %parallel_loop3A_562 : i1 to vector<16xi1>
      %parallel_loop3A_564 = tpu.scan <sum>, %parallel_loop3A_561 masked %parallel_loop3A_563 : vector<16xf32>, vector<16xi1> -> vector<16xf32>
      %parallel_loop3A_565 = arith.constant 384 : i32
      %parallel_loop3A_566 = arith.addi %parallel_loop3A_565, %parallel_loop3A_466 : i32
      %parallel_loop3A_567 = vector.broadcast %parallel_loop3A_566 : i32 to vector<16xi32>
      tpu.vector_store_idx %arg11[%parallel_loop3A_567], %parallel_loop3A_564 masked %eq3A_4 : memref<512xf32, #tpu.memory_space<vmem>>[vector<16xi32>], vector<16xf32>, vector<16xi1>
    } {sc.loop_unroll_factor = 2 : i64, sc.parallel_access}
    %add3A_379 = arith.constant 384 : i32
    %add3A_380 = arith.addi %mul3A_2, %add3A_379 : i32
    %dma_start3A_381 = arith.constant 384 : i32
    %dma_start3A_382 = tpu.memref_slice %arg11[%dma_start3A_381] : memref<512xf32, #tpu.memory_space<vmem>> -> memref<64xf32, #tpu.memory_space<vmem>>
    %dma_start3A_383 = tpu.memref_slice %arg6[%add3A_380] : memref<16384xf32, #tpu.memory_space<hbm>> -> memref<64xf32, #tpu.memory_space<hbm>>
    %dma_start3A_384 = tpu.memref_slice %arg6[%add3A_380] : memref<16384xf32, #tpu.memory_space<hbm>> -> memref<64xf32, #tpu.memory_space<hbm>>
    %dma_start3A_385 = arith.constant 384 : i32
    %dma_start3A_386 = tpu.memref_slice %arg11[%dma_start3A_385] : memref<512xf32, #tpu.memory_space<vmem>> -> memref<64xf32, #tpu.memory_space<vmem>>
    tpu.enqueue_dma source(%dma_start3A_386 : memref<64xf32, #tpu.memory_space<vmem>>) target(%dma_start3A_384 : memref<64xf32, #tpu.memory_space<hbm>>) target_semaphore(%arg16 : memref<!tpu.dma_semaphore, #tpu.memory_space<semaphore_mem>>)
    %dma_wait3A_387 = arith.constant 3 : i32
    %dma_wait3A_388 = arith.constant 0 : i32
    %dma_wait3A_389 = arith.constant 0 : i32
    %dma_wait3A_390 = tpu.memref_slice %arg9[%dma_wait3A_387, %dma_wait3A_388, %dma_wait3A_389] : memref<4x64x128xf32, #tpu.memory_space<vmem>> -> memref<1x64x128xf32, #tpu.memory_space<vmem>>
    %dma_wait3A_391 = tpu.memref_squeeze %dma_wait3A_390 : memref<1x64x128xf32, #tpu.memory_space<vmem>> -> memref<64x128xf32, #tpu.memory_space<vmem>>
    %dma_wait3A_392 = arith.constant 448 : i32
    %dma_wait3A_393 = tpu.memref_slice %arg7[%dma_wait3A_392] : memref<512xi32, #tpu.memory_space<vmem>> -> memref<64xi32, #tpu.memory_space<vmem>>
    %dma_wait3A_394 = arith.constant 0 : i32
    %dma_wait3A_395 = arith.constant 0 : i32
    %dma_wait3A_396 = tpu.memref_slice %arg4[%dma_wait3A_394, %dma_wait3A_395] : memref<100000x128xf32, #tpu.memory_space<hbm>> -> memref<100000x128xf32, #tpu.memory_space<hbm>>
    tpu.wait_indirect_dma semaphore(%arg15 : memref<!tpu.dma_semaphore, #tpu.memory_space<semaphore_mem>>) src(%dma_wait3A_396 : memref<100000x128xf32, #tpu.memory_space<hbm>>) dst(%dma_wait3A_391 : memref<64x128xf32, #tpu.memory_space<vmem>>)
    %dma_wait3A_397 = arith.constant 3 : i32
    %dma_wait3A_398 = arith.constant 0 : i32
    %dma_wait3A_399 = arith.constant 0 : i32
    %dma_wait3A_400 = tpu.memref_slice %arg10[%dma_wait3A_397, %dma_wait3A_398, %dma_wait3A_399] : memref<4x64x128xf32, #tpu.memory_space<vmem>> -> memref<1x64x128xf32, #tpu.memory_space<vmem>>
    %dma_wait3A_401 = tpu.memref_squeeze %dma_wait3A_400 : memref<1x64x128xf32, #tpu.memory_space<vmem>> -> memref<64x128xf32, #tpu.memory_space<vmem>>
    %dma_wait3A_402 = arith.constant 448 : i32
    %dma_wait3A_403 = tpu.memref_slice %arg8[%dma_wait3A_402] : memref<512xi32, #tpu.memory_space<vmem>> -> memref<64xi32, #tpu.memory_space<vmem>>
    %dma_wait3A_404 = arith.constant 0 : i32
    %dma_wait3A_405 = arith.constant 0 : i32
    %dma_wait3A_406 = tpu.memref_slice %arg5[%dma_wait3A_404, %dma_wait3A_405] : memref<100000x128xf32, #tpu.memory_space<hbm>> -> memref<100000x128xf32, #tpu.memory_space<hbm>>
    tpu.wait_indirect_dma semaphore(%arg15 : memref<!tpu.dma_semaphore, #tpu.memory_space<semaphore_mem>>) src(%dma_wait3A_406 : memref<100000x128xf32, #tpu.memory_space<hbm>>) dst(%dma_wait3A_401 : memref<64x128xf32, #tpu.memory_space<vmem>>)
    %parallel_loop3A_407 = arith.constant 0 : i32
    %parallel_loop3A_408 = arith.constant 64 : i32
    %parallel_loop3A_409 = arith.constant 1 : i32
    scf.for %parallel_loop3A_466 = %parallel_loop3A_407 to %parallel_loop3A_408 step %parallel_loop3A_409  : i32 {
      %parallel_loop3A_467 = arith.constant 3 : i32
      %parallel_loop3A_468 = arith.index_cast %parallel_loop3A_467 : i32 to index
      %parallel_loop3A_469 = arith.index_cast %parallel_loop3A_466 : i32 to index
      %parallel_loop3A_470 = arith.constant 0 : index
      %parallel_loop3A_471 = tpu.vector_load %arg9[%parallel_loop3A_468, %parallel_loop3A_469, %parallel_loop3A_470] {strides = array<i32>} : memref<4x64x128xf32, #tpu.memory_space<vmem>>, vector<16xf32>,
      %parallel_loop3A_472 = arith.constant 3 : i32
      %parallel_loop3A_473 = arith.index_cast %parallel_loop3A_472 : i32 to index
      %parallel_loop3A_474 = arith.index_cast %parallel_loop3A_466 : i32 to index
      %parallel_loop3A_475 = arith.constant 0 : index
      %parallel_loop3A_476 = tpu.vector_load %arg10[%parallel_loop3A_473, %parallel_loop3A_474, %parallel_loop3A_475] {strides = array<i32>} : memref<4x64x128xf32, #tpu.memory_space<vmem>>, vector<16xf32>,
      %parallel_loop3A_477 = arith.mulf %parallel_loop3A_471, %parallel_loop3A_476 : vector<16xf32>
      %parallel_loop3A_478 = arith.constant 3 : i32
      %parallel_loop3A_479 = arith.index_cast %parallel_loop3A_478 : i32 to index
      %parallel_loop3A_480 = arith.index_cast %parallel_loop3A_466 : i32 to index
      %parallel_loop3A_481 = arith.constant 16 : index
      %parallel_loop3A_482 = tpu.vector_load %arg9[%parallel_loop3A_479, %parallel_loop3A_480, %parallel_loop3A_481] {strides = array<i32>} : memref<4x64x128xf32, #tpu.memory_space<vmem>>, vector<16xf32>,
      %parallel_loop3A_483 = arith.constant 3 : i32
      %parallel_loop3A_484 = arith.index_cast %parallel_loop3A_483 : i32 to index
      %parallel_loop3A_485 = arith.index_cast %parallel_loop3A_466 : i32 to index
      %parallel_loop3A_486 = arith.constant 16 : index
      %parallel_loop3A_487 = tpu.vector_load %arg10[%parallel_loop3A_484, %parallel_loop3A_485, %parallel_loop3A_486] {strides = array<i32>} : memref<4x64x128xf32, #tpu.memory_space<vmem>>, vector<16xf32>,
      %parallel_loop3A_488 = arith.mulf %parallel_loop3A_482, %parallel_loop3A_487 : vector<16xf32>
      %parallel_loop3A_489 = arith.addf %parallel_loop3A_477, %parallel_loop3A_488 : vector<16xf32>
      %parallel_loop3A_490 = arith.constant 3 : i32
      %parallel_loop3A_491 = arith.index_cast %parallel_loop3A_490 : i32 to index
      %parallel_loop3A_492 = arith.index_cast %parallel_loop3A_466 : i32 to index
      %parallel_loop3A_493 = arith.constant 32 : index
      %parallel_loop3A_494 = tpu.vector_load %arg9[%parallel_loop3A_491, %parallel_loop3A_492, %parallel_loop3A_493] {strides = array<i32>} : memref<4x64x128xf32, #tpu.memory_space<vmem>>, vector<16xf32>,
      %parallel_loop3A_495 = arith.constant 3 : i32
      %parallel_loop3A_496 = arith.index_cast %parallel_loop3A_495 : i32 to index
      %parallel_loop3A_497 = arith.index_cast %parallel_loop3A_466 : i32 to index
      %parallel_loop3A_498 = arith.constant 32 : index
      %parallel_loop3A_499 = tpu.vector_load %arg10[%parallel_loop3A_496, %parallel_loop3A_497, %parallel_loop3A_498] {strides = array<i32>} : memref<4x64x128xf32, #tpu.memory_space<vmem>>, vector<16xf32>,
      %parallel_loop3A_500 = arith.mulf %parallel_loop3A_494, %parallel_loop3A_499 : vector<16xf32>
      %parallel_loop3A_501 = arith.addf %parallel_loop3A_489, %parallel_loop3A_500 : vector<16xf32>
      %parallel_loop3A_502 = arith.constant 3 : i32
      %parallel_loop3A_503 = arith.index_cast %parallel_loop3A_502 : i32 to index
      %parallel_loop3A_504 = arith.index_cast %parallel_loop3A_466 : i32 to index
      %parallel_loop3A_505 = arith.constant 48 : index
      %parallel_loop3A_506 = tpu.vector_load %arg9[%parallel_loop3A_503, %parallel_loop3A_504, %parallel_loop3A_505] {strides = array<i32>} : memref<4x64x128xf32, #tpu.memory_space<vmem>>, vector<16xf32>,
      %parallel_loop3A_507 = arith.constant 3 : i32
      %parallel_loop3A_508 = arith.index_cast %parallel_loop3A_507 : i32 to index
      %parallel_loop3A_509 = arith.index_cast %parallel_loop3A_466 : i32 to index
      %parallel_loop3A_510 = arith.constant 48 : index
      %parallel_loop3A_511 = tpu.vector_load %arg10[%parallel_loop3A_508, %parallel_loop3A_509, %parallel_loop3A_510] {strides = array<i32>} : memref<4x64x128xf32, #tpu.memory_space<vmem>>, vector<16xf32>,
      %parallel_loop3A_512 = arith.mulf %parallel_loop3A_506, %parallel_loop3A_511 : vector<16xf32>
      %parallel_loop3A_513 = arith.addf %parallel_loop3A_501, %parallel_loop3A_512 : vector<16xf32>
      %parallel_loop3A_514 = arith.constant 3 : i32
      %parallel_loop3A_515 = arith.index_cast %parallel_loop3A_514 : i32 to index
      %parallel_loop3A_516 = arith.index_cast %parallel_loop3A_466 : i32 to index
      %parallel_loop3A_517 = arith.constant 64 : index
      %parallel_loop3A_518 = tpu.vector_load %arg9[%parallel_loop3A_515, %parallel_loop3A_516, %parallel_loop3A_517] {strides = array<i32>} : memref<4x64x128xf32, #tpu.memory_space<vmem>>, vector<16xf32>,
      %parallel_loop3A_519 = arith.constant 3 : i32
      %parallel_loop3A_520 = arith.index_cast %parallel_loop3A_519 : i32 to index
      %parallel_loop3A_521 = arith.index_cast %parallel_loop3A_466 : i32 to index
      %parallel_loop3A_522 = arith.constant 64 : index
      %parallel_loop3A_523 = tpu.vector_load %arg10[%parallel_loop3A_520, %parallel_loop3A_521, %parallel_loop3A_522] {strides = array<i32>} : memref<4x64x128xf32, #tpu.memory_space<vmem>>, vector<16xf32>,
      %parallel_loop3A_524 = arith.mulf %parallel_loop3A_518, %parallel_loop3A_523 : vector<16xf32>
      %parallel_loop3A_525 = arith.addf %parallel_loop3A_513, %parallel_loop3A_524 : vector<16xf32>
      %parallel_loop3A_526 = arith.constant 3 : i32
      %parallel_loop3A_527 = arith.index_cast %parallel_loop3A_526 : i32 to index
      %parallel_loop3A_528 = arith.index_cast %parallel_loop3A_466 : i32 to index
      %parallel_loop3A_529 = arith.constant 80 : index
      %parallel_loop3A_530 = tpu.vector_load %arg9[%parallel_loop3A_527, %parallel_loop3A_528, %parallel_loop3A_529] {strides = array<i32>} : memref<4x64x128xf32, #tpu.memory_space<vmem>>, vector<16xf32>,
      %parallel_loop3A_531 = arith.constant 3 : i32
      %parallel_loop3A_532 = arith.index_cast %parallel_loop3A_531 : i32 to index
      %parallel_loop3A_533 = arith.index_cast %parallel_loop3A_466 : i32 to index
      %parallel_loop3A_534 = arith.constant 80 : index
      %parallel_loop3A_535 = tpu.vector_load %arg10[%parallel_loop3A_532, %parallel_loop3A_533, %parallel_loop3A_534] {strides = array<i32>} : memref<4x64x128xf32, #tpu.memory_space<vmem>>, vector<16xf32>,
      %parallel_loop3A_536 = arith.mulf %parallel_loop3A_530, %parallel_loop3A_535 : vector<16xf32>
      %parallel_loop3A_537 = arith.addf %parallel_loop3A_525, %parallel_loop3A_536 : vector<16xf32>
      %parallel_loop3A_538 = arith.constant 3 : i32
      %parallel_loop3A_539 = arith.index_cast %parallel_loop3A_538 : i32 to index
      %parallel_loop3A_540 = arith.index_cast %parallel_loop3A_466 : i32 to index
      %parallel_loop3A_541 = arith.constant 96 : index
      %parallel_loop3A_542 = tpu.vector_load %arg9[%parallel_loop3A_539, %parallel_loop3A_540, %parallel_loop3A_541] {strides = array<i32>} : memref<4x64x128xf32, #tpu.memory_space<vmem>>, vector<16xf32>,
      %parallel_loop3A_543 = arith.constant 3 : i32
      %parallel_loop3A_544 = arith.index_cast %parallel_loop3A_543 : i32 to index
      %parallel_loop3A_545 = arith.index_cast %parallel_loop3A_466 : i32 to index
      %parallel_loop3A_546 = arith.constant 96 : index
      %parallel_loop3A_547 = tpu.vector_load %arg10[%parallel_loop3A_544, %parallel_loop3A_545, %parallel_loop3A_546] {strides = array<i32>} : memref<4x64x128xf32, #tpu.memory_space<vmem>>, vector<16xf32>,
      %parallel_loop3A_548 = arith.mulf %parallel_loop3A_542, %parallel_loop3A_547 : vector<16xf32>
      %parallel_loop3A_549 = arith.addf %parallel_loop3A_537, %parallel_loop3A_548 : vector<16xf32>
      %parallel_loop3A_550 = arith.constant 3 : i32
      %parallel_loop3A_551 = arith.index_cast %parallel_loop3A_550 : i32 to index
      %parallel_loop3A_552 = arith.index_cast %parallel_loop3A_466 : i32 to index
      %parallel_loop3A_553 = arith.constant 112 : index
      %parallel_loop3A_554 = tpu.vector_load %arg9[%parallel_loop3A_551, %parallel_loop3A_552, %parallel_loop3A_553] {strides = array<i32>} : memref<4x64x128xf32, #tpu.memory_space<vmem>>, vector<16xf32>,
      %parallel_loop3A_555 = arith.constant 3 : i32
      %parallel_loop3A_556 = arith.index_cast %parallel_loop3A_555 : i32 to index
      %parallel_loop3A_557 = arith.index_cast %parallel_loop3A_466 : i32 to index
      %parallel_loop3A_558 = arith.constant 112 : index
      %parallel_loop3A_559 = tpu.vector_load %arg10[%parallel_loop3A_556, %parallel_loop3A_557, %parallel_loop3A_558] {strides = array<i32>} : memref<4x64x128xf32, #tpu.memory_space<vmem>>, vector<16xf32>,
      %parallel_loop3A_560 = arith.mulf %parallel_loop3A_554, %parallel_loop3A_559 : vector<16xf32>
      %parallel_loop3A_561 = arith.addf %parallel_loop3A_549, %parallel_loop3A_560 : vector<16xf32>
      %parallel_loop3A_562 = arith.constant true
      %parallel_loop3A_563 = vector.broadcast %parallel_loop3A_562 : i1 to vector<16xi1>
      %parallel_loop3A_564 = tpu.scan <sum>, %parallel_loop3A_561 masked %parallel_loop3A_563 : vector<16xf32>, vector<16xi1> -> vector<16xf32>
      %parallel_loop3A_565 = arith.constant 448 : i32
      %parallel_loop3A_566 = arith.addi %parallel_loop3A_565, %parallel_loop3A_466 : i32
      %parallel_loop3A_567 = vector.broadcast %parallel_loop3A_566 : i32 to vector<16xi32>
      tpu.vector_store_idx %arg11[%parallel_loop3A_567], %parallel_loop3A_564 masked %eq3A_4 : memref<512xf32, #tpu.memory_space<vmem>>[vector<16xi32>], vector<16xf32>, vector<16xi1>
    } {sc.loop_unroll_factor = 2 : i64, sc.parallel_access}
    %add3A_410 = arith.constant 448 : i32
    %add3A_411 = arith.addi %mul3A_2, %add3A_410 : i32
    %dma_start3A_412 = arith.constant 448 : i32
    %dma_start3A_413 = tpu.memref_slice %arg11[%dma_start3A_412] : memref<512xf32, #tpu.memory_space<vmem>> -> memref<64xf32, #tpu.memory_space<vmem>>
    %dma_start3A_414 = tpu.memref_slice %arg6[%add3A_411] : memref<16384xf32, #tpu.memory_space<hbm>> -> memref<64xf32, #tpu.memory_space<hbm>>
    %dma_start3A_415 = tpu.memref_slice %arg6[%add3A_411] : memref<16384xf32, #tpu.memory_space<hbm>> -> memref<64xf32, #tpu.memory_space<hbm>>
    %dma_start3A_416 = arith.constant 448 : i32
    %dma_start3A_417 = tpu.memref_slice %arg11[%dma_start3A_416] : memref<512xf32, #tpu.memory_space<vmem>> -> memref<64xf32, #tpu.memory_space<vmem>>
    tpu.enqueue_dma source(%dma_start3A_417 : memref<64xf32, #tpu.memory_space<vmem>>) target(%dma_start3A_415 : memref<64xf32, #tpu.memory_space<hbm>>) target_semaphore(%arg16 : memref<!tpu.dma_semaphore, #tpu.memory_space<semaphore_mem>>)
    %dma_wait3A_418 = arith.constant 0 : i32
    %dma_wait3A_419 = tpu.memref_slice %arg11[%dma_wait3A_418] : memref<512xf32, #tpu.memory_space<vmem>> -> memref<64xf32, #tpu.memory_space<vmem>>
    %dma_wait3A_420 = tpu.memref_slice %arg6[%add3A_114] : memref<16384xf32, #tpu.memory_space<hbm>> -> memref<64xf32, #tpu.memory_space<hbm>>
    %dma_wait3A_421 = tpu.memref_slice %arg6[%add3A_114] : memref<16384xf32, #tpu.memory_space<hbm>> -> memref<64xf32, #tpu.memory_space<hbm>>
    %dma_wait3A_422 = arith.constant 0 : i32
    %dma_wait3A_423 = tpu.memref_slice %arg11[%dma_wait3A_422] : memref<512xf32, #tpu.memory_space<vmem>> -> memref<64xf32, #tpu.memory_space<vmem>>
    tpu.wait_dma2 semaphore(%arg16 : memref<!tpu.dma_semaphore, #tpu.memory_space<semaphore_mem>>) src(%dma_wait3A_423 : memref<64xf32, #tpu.memory_space<vmem>>) dst(%dma_wait3A_421 : memref<64xf32, #tpu.memory_space<hbm>>)
    %dma_wait3A_424 = arith.constant 64 : i32
    %dma_wait3A_425 = tpu.memref_slice %arg11[%dma_wait3A_424] : memref<512xf32, #tpu.memory_space<vmem>> -> memref<64xf32, #tpu.memory_space<vmem>>
    %dma_wait3A_426 = tpu.memref_slice %arg6[%add3A_165] : memref<16384xf32, #tpu.memory_space<hbm>> -> memref<64xf32, #tpu.memory_space<hbm>>
    %dma_wait3A_427 = tpu.memref_slice %arg6[%add3A_165] : memref<16384xf32, #tpu.memory_space<hbm>> -> memref<64xf32, #tpu.memory_space<hbm>>
    %dma_wait3A_428 = arith.constant 64 : i32
    %dma_wait3A_429 = tpu.memref_slice %arg11[%dma_wait3A_428] : memref<512xf32, #tpu.memory_space<vmem>> -> memref<64xf32, #tpu.memory_space<vmem>>
    tpu.wait_dma2 semaphore(%arg16 : memref<!tpu.dma_semaphore, #tpu.memory_space<semaphore_mem>>) src(%dma_wait3A_429 : memref<64xf32, #tpu.memory_space<vmem>>) dst(%dma_wait3A_427 : memref<64xf32, #tpu.memory_space<hbm>>)
    %dma_wait3A_430 = arith.constant 128 : i32
    %dma_wait3A_431 = tpu.memref_slice %arg11[%dma_wait3A_430] : memref<512xf32, #tpu.memory_space<vmem>> -> memref<64xf32, #tpu.memory_space<vmem>>
    %dma_wait3A_432 = tpu.memref_slice %arg6[%add3A_216] : memref<16384xf32, #tpu.memory_space<hbm>> -> memref<64xf32, #tpu.memory_space<hbm>>
    %dma_wait3A_433 = tpu.memref_slice %arg6[%add3A_216] : memref<16384xf32, #tpu.memory_space<hbm>> -> memref<64xf32, #tpu.memory_space<hbm>>
    %dma_wait3A_434 = arith.constant 128 : i32
    %dma_wait3A_435 = tpu.memref_slice %arg11[%dma_wait3A_434] : memref<512xf32, #tpu.memory_space<vmem>> -> memref<64xf32, #tpu.memory_space<vmem>>
    tpu.wait_dma2 semaphore(%arg16 : memref<!tpu.dma_semaphore, #tpu.memory_space<semaphore_mem>>) src(%dma_wait3A_435 : memref<64xf32, #tpu.memory_space<vmem>>) dst(%dma_wait3A_433 : memref<64xf32, #tpu.memory_space<hbm>>)
    %dma_wait3A_436 = arith.constant 192 : i32
    %dma_wait3A_437 = tpu.memref_slice %arg11[%dma_wait3A_436] : memref<512xf32, #tpu.memory_space<vmem>> -> memref<64xf32, #tpu.memory_space<vmem>>
    %dma_wait3A_438 = tpu.memref_slice %arg6[%add3A_267] : memref<16384xf32, #tpu.memory_space<hbm>> -> memref<64xf32, #tpu.memory_space<hbm>>
    %dma_wait3A_439 = tpu.memref_slice %arg6[%add3A_267] : memref<16384xf32, #tpu.memory_space<hbm>> -> memref<64xf32, #tpu.memory_space<hbm>>
    %dma_wait3A_440 = arith.constant 192 : i32
    %dma_wait3A_441 = tpu.memref_slice %arg11[%dma_wait3A_440] : memref<512xf32, #tpu.memory_space<vmem>> -> memref<64xf32, #tpu.memory_space<vmem>>
    tpu.wait_dma2 semaphore(%arg16 : memref<!tpu.dma_semaphore, #tpu.memory_space<semaphore_mem>>) src(%dma_wait3A_441 : memref<64xf32, #tpu.memory_space<vmem>>) dst(%dma_wait3A_439 : memref<64xf32, #tpu.memory_space<hbm>>)
    %dma_wait3A_442 = arith.constant 256 : i32
    %dma_wait3A_443 = tpu.memref_slice %arg11[%dma_wait3A_442] : memref<512xf32, #tpu.memory_space<vmem>> -> memref<64xf32, #tpu.memory_space<vmem>>
    %dma_wait3A_444 = tpu.memref_slice %arg6[%add3A_318] : memref<16384xf32, #tpu.memory_space<hbm>> -> memref<64xf32, #tpu.memory_space<hbm>>
    %dma_wait3A_445 = tpu.memref_slice %arg6[%add3A_318] : memref<16384xf32, #tpu.memory_space<hbm>> -> memref<64xf32, #tpu.memory_space<hbm>>
    %dma_wait3A_446 = arith.constant 256 : i32
    %dma_wait3A_447 = tpu.memref_slice %arg11[%dma_wait3A_446] : memref<512xf32, #tpu.memory_space<vmem>> -> memref<64xf32, #tpu.memory_space<vmem>>
    tpu.wait_dma2 semaphore(%arg16 : memref<!tpu.dma_semaphore, #tpu.memory_space<semaphore_mem>>) src(%dma_wait3A_447 : memref<64xf32, #tpu.memory_space<vmem>>) dst(%dma_wait3A_445 : memref<64xf32, #tpu.memory_space<hbm>>)
    %dma_wait3A_448 = arith.constant 320 : i32
    %dma_wait3A_449 = tpu.memref_slice %arg11[%dma_wait3A_448] : memref<512xf32, #tpu.memory_space<vmem>> -> memref<64xf32, #tpu.memory_space<vmem>>
    %dma_wait3A_450 = tpu.memref_slice %arg6[%add3A_349] : memref<16384xf32, #tpu.memory_space<hbm>> -> memref<64xf32, #tpu.memory_space<hbm>>
    %dma_wait3A_451 = tpu.memref_slice %arg6[%add3A_349] : memref<16384xf32, #tpu.memory_space<hbm>> -> memref<64xf32, #tpu.memory_space<hbm>>
    %dma_wait3A_452 = arith.constant 320 : i32
    %dma_wait3A_453 = tpu.memref_slice %arg11[%dma_wait3A_452] : memref<512xf32, #tpu.memory_space<vmem>> -> memref<64xf32, #tpu.memory_space<vmem>>
    tpu.wait_dma2 semaphore(%arg16 : memref<!tpu.dma_semaphore, #tpu.memory_space<semaphore_mem>>) src(%dma_wait3A_453 : memref<64xf32, #tpu.memory_space<vmem>>) dst(%dma_wait3A_451 : memref<64xf32, #tpu.memory_space<hbm>>)
    %dma_wait3A_454 = arith.constant 384 : i32
    %dma_wait3A_455 = tpu.memref_slice %arg11[%dma_wait3A_454] : memref<512xf32, #tpu.memory_space<vmem>> -> memref<64xf32, #tpu.memory_space<vmem>>
    %dma_wait3A_456 = tpu.memref_slice %arg6[%add3A_380] : memref<16384xf32, #tpu.memory_space<hbm>> -> memref<64xf32, #tpu.memory_space<hbm>>
    %dma_wait3A_457 = tpu.memref_slice %arg6[%add3A_380] : memref<16384xf32, #tpu.memory_space<hbm>> -> memref<64xf32, #tpu.memory_space<hbm>>
    %dma_wait3A_458 = arith.constant 384 : i32
    %dma_wait3A_459 = tpu.memref_slice %arg11[%dma_wait3A_458] : memref<512xf32, #tpu.memory_space<vmem>> -> memref<64xf32, #tpu.memory_space<vmem>>
    tpu.wait_dma2 semaphore(%arg16 : memref<!tpu.dma_semaphore, #tpu.memory_space<semaphore_mem>>) src(%dma_wait3A_459 : memref<64xf32, #tpu.memory_space<vmem>>) dst(%dma_wait3A_457 : memref<64xf32, #tpu.memory_space<hbm>>)
    %dma_wait3A_460 = arith.constant 448 : i32
    %dma_wait3A_461 = tpu.memref_slice %arg11[%dma_wait3A_460] : memref<512xf32, #tpu.memory_space<vmem>> -> memref<64xf32, #tpu.memory_space<vmem>>
    %dma_wait3A_462 = tpu.memref_slice %arg6[%add3A_411] : memref<16384xf32, #tpu.memory_space<hbm>> -> memref<64xf32, #tpu.memory_space<hbm>>
    %dma_wait3A_463 = tpu.memref_slice %arg6[%add3A_411] : memref<16384xf32, #tpu.memory_space<hbm>> -> memref<64xf32, #tpu.memory_space<hbm>>
    %dma_wait3A_464 = arith.constant 448 : i32
    %dma_wait3A_465 = tpu.memref_slice %arg11[%dma_wait3A_464] : memref<512xf32, #tpu.memory_space<vmem>> -> memref<64xf32, #tpu.memory_space<vmem>>
    tpu.wait_dma2 semaphore(%arg16 : memref<!tpu.dma_semaphore, #tpu.memory_space<semaphore_mem>>) src(%dma_wait3A_465 : memref<64xf32, #tpu.memory_space<vmem>>) dst(%dma_wait3A_463 : memref<64xf32, #tpu.memory_space<hbm>>)
    return
  }
}

</mosaic_0001>

<sc_bundles>
// kernel: _ratings.3.cloned.1.call-start
scs
__scs_entry_jumppad:
0x0: {  	(pc) =	sbr.rel $0x88, $3  }
0x1: {  	(tag) =	ssettag $0x0;
	lr =	simm.s32 $0x1  }
0x2: {  	[smem:$0x3F9D] =	sst lr;
	_ =	strace $0xD0000000  }
0x3: {  	_ = 	snop  }
0x4: {  	_ = 	snop  }
0x5: {  	_ = 	snop  }
0x6: {  	_ = 	snop  }
0x7: {  	_ = 	snop  }
__scs_overlays_trampoline_lowered:
0x8: {  	[smem:$0x3FAC] =	sst s0  }
0x9: {  	[smem:$0x3FAD] =	sst s1  }
0xa: {  	[smem:$0x3FAE] =	sst s2  }
0xb: {  	[smem:$0x3FAF] =	sst s3  }
0xc: {  	[smem:$0x3FB0] =	sst s4  }
0xd: {  	[smem:$0x3FB1] =	sst s5  }
0xe: {  	[smem:$0x3FB2] =	sst s6  }
0xf: {  	[smem:$0x3FB3] =	sst s7  }
0x10: {  	[smem:$0x3FB4] =	sst s8  }
0x11: {  	[smem:$0x3FB5] =	sst s9;
	s0 =	simm.s32 @!p0 $0x0  }
0x12: {  	s1 =	sld [smem:$0x3F9B];
	s0 =	simm.s32 @p0 $0x1  }
0x13: {  	[smem:$0x3FB6] =	sst s0;
	s0 =	simm.s32 @!p1 $0x0  }
0x14: {  	s2 =	sld [smem:$0x3F9A];
	s0 =	simm.s32 @p1 $0x1  }
0x15: {  	[smem:$0x3FB7] =	sst s0;
	s0 =	simm.s32 @!p2 $0x0  }
0x16: {  	s3 =	sld [smem:$0x3FDB];
	s0 =	simm.s32 @p2 $0x1  }
0x17: {  	s4 =	simm.s32 $0x1BF5;
	[smem:$0x3FB9] =	sst s0  }
0x18: {  	s0 =	sld [smem:$0x3F9C];
	_ =	swait.ge [sflag:s4], $0x0  }
0x19: {  	s7 =	sld [smem:$0x3F9D]  }
0x1a: {  	s8 =	sadd.s32 $0xFFFFE003, lr  }
0x1b: {  	s9 =	sadd.s32 $0xFFFFFEF7, lr;
	s5 =	simm.s32 $0xFFFFFFFF;
	p2 =	slt.u32 s8, $0xFFFFF086  }
0x1c: {  	p1 =	slt.u32 s9, $0xF7A;
	s5 =	simm.s32 @!p2 $0x0  }
0x1d: {  	s5 =	simm.s32 @p1 $0x1;
	p0 =	seq.s32 s7, s2  }
0x1e: {  	s7 =	smul.u32 @!p0 $0xF7A, s2;
	p2 =	seq.s32 @!p0 s5, $0x0  }
0x1f: {  	s9 =	smul.u32 $0xF7A, s1;
	s8 =	simm.s32 @!p0 $0x1BF5;
	p2 =	por !p2, p0  }
0x20: {  	[sflag:s8] =	ssyncset.s32 @!p0 $0xFFFFF086;
	s6 =	sadd.s32 @!p0 s3, s7;
	s7 =	simm.s32 @!p0 $0x108  }
0x21: {  	s3 =	sadd.s32 s3, s9;
	s6 =	sadd.s32 @!p0 $0x88, s6;
	s7 =	simm.s32 @p2 $0x1082  }
0x22: {  	[simem:s7], [sflag:s8] =	dma.local @!p0 [hbm:s6], $0xF7A  }
0x23: {  	s9 =	sor.u32 $0xD0000000, s2;
	s6 =	simm.s32 $0x108;
	_ =	swait.ge @!p0 [sflag:s8], $0x0  }
0x24: {  	s3 =	sadd.s32 $0x88, s3;
	s6 =	simm.s32 @!p1 $0x1082;
	[sflag:s4] =	ssyncset.s32 $0xFFFFF086  }
0x25: {  	[simem:s6], [sflag:s4] =	dma.local [hbm:s3], $0xF7A  }
0x26: {  	[smem:$0x3F9D] =	sst s1;
	(tag) =	ssettag s2;
	_ =	strace s9  }
0x27: {  	s1 =	sld [smem:$0x3FAD]  }
0x28: {  	s2 =	sld [smem:$0x3FAE]  }
0x29: {  	s4 =	sld [smem:$0x3FB0]  }
0x2a: {  	p0 =	seq.s32 s5, $0x0;
	s5 =	sld [smem:$0x3FB1]  }
0x2b: {  	s6 =	sld [smem:$0x3FB2]  }
0x2c: {  	s7 =	sld [smem:$0x3FB3]  }
0x2d: {  	s3 =	simm.s32 $0x108;
	s8 =	sld [smem:$0x3FB4]  }
0x2e: {  	s3 =	simm.s32 @!p0 $0x1082;
	s9 =	sld [smem:$0x3FB5]  }
0x2f: {  	lr =	sadd.s32 s0, s3;
	s0 =	sld [smem:$0x3FAC]  }
0x30: {  	s3 =	sld [smem:$0x3FAF]  }
0x31: {  	[smem:$0x3FB8] =	sst s10  }
0x32: {  	s10 =	sld [smem:$0x3FB6];
	_ =	sdelay $0x3  }
0x33: {  	p0 =	seq.s32 s10, $0x1;
	s10 =	sld [smem:$0x3FB8];
	_ =	sdelay $0x3  }
0x34: {  	[smem:$0x3FB8] =	sst s10  }
0x35: {  	s10 =	sld [smem:$0x3FB7];
	_ =	sdelay $0x3  }
0x36: {  	p1 =	seq.s32 s10, $0x1;
	s10 =	sld [smem:$0x3FB8];
	_ =	sdelay $0x3  }
0x37: {  	[smem:$0x3FB8] =	sst s10  }
0x38: {  	s10 =	sld [smem:$0x3FB9]  }
0x39: {  	_ = 	snop;
	(pc) =	sbr.ind lr, $3  }
0x3a: {  	_ = 	snop  }
0x3b: {  	_ = 	snop  }
0x3c: {  	p2 =	seq.s32 s10, $0x1;
	s10 =	sld [smem:$0x3FB8]  }
0x3d: {  	_ =	shalt  }
0x3e: {  	_ =	shalt  }
0x3f: {  	_ =	shalt  }
0x40: {  	_ =	shalt  }
0x41: {  	_ =	shalt  }
0x42: {  	_ =	shalt  }
0x43: {  	_ =	shalt  }
0x44: {  	_ =	shalt  }
0x45: {  	_ =	shalt  }
0x46: {  	_ =	shalt  }
0x47: {  	_ =	shalt  }
0x48: {  	_ =	shalt  }
0x49: {  	_ =	shalt  }
0x4a: {  	_ =	shalt  }
0x4b: {  	_ =	shalt  }
0x4c: {  	_ =	shalt  }
0x4d: {  	_ =	shalt  }
0x4e: {  	_ =	shalt  }
0x4f: {  	_ =	shalt  }
0x50: {  	_ =	shalt  }
0x51: {  	_ =	shalt  }
0x52: {  	_ =	shalt  }
0x53: {  	_ =	shalt  }
0x54: {  	_ =	shalt  }
0x55: {  	_ =	shalt  }
0x56: {  	_ =	shalt  }
0x57: {  	_ =	shalt  }
0x58: {  	_ =	shalt  }
0x59: {  	_ =	shalt  }
0x5a: {  	_ =	shalt  }
0x5b: {  	_ =	shalt  }
0x5c: {  	_ =	shalt  }
0x5d: {  	_ =	shalt  }
0x5e: {  	_ =	shalt  }
0x5f: {  	_ =	shalt  }
0x60: {  	_ =	shalt  }
0x61: {  	_ =	shalt  }
0x62: {  	_ =	shalt  }
0x63: {  	_ =	shalt  }
0x64: {  	_ =	shalt  }
0x65: {  	_ =	shalt  }
0x66: {  	_ =	shalt  }
0x67: {  	_ =	shalt  }
0x68: {  	_ =	shalt  }
0x69: {  	_ =	shalt  }
0x6a: {  	_ =	shalt  }
0x6b: {  	_ =	shalt  }
0x6c: {  	_ =	shalt  }
0x6d: {  	_ =	shalt  }
0x6e: {  	_ =	shalt  }
0x6f: {  	_ =	shalt  }
0x70: {  	_ =	shalt  }
0x71: {  	_ =	shalt  }
0x72: {  	_ =	shalt  }
0x73: {  	_ =	shalt  }
0x74: {  	_ =	shalt  }
0x75: {  	_ =	shalt  }
0x76: {  	_ =	shalt  }
0x77: {  	_ =	shalt  }
0x78: {  	_ =	shalt  }
0x79: {  	_ =	shalt  }
0x7a: {  	_ =	shalt  }
0x7b: {  	_ =	shalt  }
0x7c: {  	_ =	shalt  }
0x7d: {  	_ =	shalt  }
0x7e: {  	_ =	shalt  }
0x7f: {  	_ =	shalt  }
0x80: {  	_ =	shalt  }
0x81: {  	_ =	shalt  }
0x82: {  	_ =	shalt  }
0x83: {  	_ =	shalt  }
0x84: {  	_ =	shalt  }
0x85: {  	_ =	shalt  }
0x86: {  	_ =	shalt  }
0x87: {  	_ =	shalt  }
.Lfunc_end0:
.L_simem_size_0:
called_computation_lowered:
.L_overlay_start_0:
0x88: {  	s2 =	sld [smem:$0x3FD9]  }
0x89: {  	s3 =	sld [smem:$0x3FFE];
	_ =	sdelay $0x1  }
0x8a: {  	s1 =	srdreg.scid  }
0x8b: {  	s0 =	sand.u32 $0x1, s1  }
0x8c: {  	s18 =	sshll.u32 s0, $0xA;
	s2 =	sadd.s32 s3, s2  }
0x8d: {  	s2 =	sadd.s32 s2, s18  }
0x8e: {  	[smem:$0x3FC4] =	sst s2  }
0x8f: {  	_ = 	snop  }
0x90: {  	s2 =	sld [smem:$0x3FC9]  }
0x91: {  	s19 =	sld [smem:$0x3FC8]  }
0x92: {  	s4 =	sld [smem:$0x3FC7]  }
0x93: {  	s5 =	sld [smem:$0x3FC6]  }
0x94: {  	s6 =	sld [smem:$0x3FD0];
	(tm) =	ssettm $0x1  }
0x95: {  	s7 =	sld [smem:$0x3FFB];
	_ =	sdelay $0x3  }
0x96: {  	_ =	strace s7  }
0x97: {  	s7 =	sld [smem:$0x3FFC];
	_ =	sdelay $0x3  }
0x98: {  	_ =	strace s7  }
0x99: {  	s7 =	sld [smem:$0x3FFD];
	_ =	sdelay $0x3  }
0x9a: {  	_ =	strace s7  }
0x9b: {  	_ =	strace $0x8FFFFFFF  }
0x9c: {  	s20 =	sld [smem:$0x3FDB];
	_ =	sdelay $0x1  }
0x9d: {  	s8 =	simm.s32 $_scs_section_size  }
0x9e: {  	s9 =	simm.s32 $_size__tile_overlayer_lowered;
	s10 =	simm.s32 $_tile_overlayer_lowered  }
0x9f: {  	s23 =	simm.s32 $0x1BFF;
	s22 =	sshll.u32 s10, $0x1;
	s7 =	sadd.s32 s8, s20  }
0xa0: {  	s11 =	simm.s32 $0x0;
	s21 =	sshll.u32 s9, $0x1;
	s9 =	sadd.s32 s22, s7  }
0xa1: {  	[timem:s11], [sflag:s23] =	dma.local [hbm:s9], s21  }
0xa2: {  	_ =	swait.ge [sflag:s23], s21  }
0xa3: {  	s8 =	ssub.s32 $0x0, s21;
	[sflag:s23] =	ssyncset.done $0x0  }
0xa4: {  	[sflag:s23] =	ssyncadd.s32 s8;
	_ =	sdelay $0x1  }
0xa5: {  	s24 =	simm.s32 $0x1B8B  }
0xa6: {  	_ =	swait.ge [sflag:s24], $0x1  }
0xa7: {  	[sflag:s24] =	ssyncset.done $0x0  }
0xa8: {  	s25 =	simm.s32 $0x1B8E;
	[sflag:s24] =	ssyncadd.s32 $0xFFFFFFFF  }
0xa9: {  	s26 =	simm.s32 $execute0_lowered;
	[smem:$0x3FD2] =	sst s25  }
0xaa: {  	s8 =	sshll.u32 s26, $0x1;
	_ =	strace $0x80000046;
	[dreg:$0x1] =	wrdreg $0xFFFFFFFF  }
0xab: {  	s28 =	simm.s32 $_size_execute0_lowered;
	s7 =	sadd.s32 s7, s8;
	[dreg:$0x0] =	wrdreg $0x0  }
0xac: {  	s8 =	sshll.u32 s28, $0x1;
	[dreg:$0x2] =	wrdreg s7  }
0xad: {  	[dreg:$0x3] =	wrdreg s8  }
0xae: {  	[dreg:$0x4] =	wrdreg $0xC0  }
0xaf: {  	_ =	task [dreg:s11], $0x5FFFF  }
0xb0: {  	[dreg:$0x1] =	wrdreg $0xFFFFFFFF  }
0xb1: {  	[dreg:$0x0] =	wrdreg $0x60  }
0xb2: {  	[dreg:$0x2] =	wrdreg s2  }
0xb3: {  	[dreg:$0x3] =	wrdreg s19  }
0xb4: {  	[dreg:$0x4] =	wrdreg s4  }
0xb5: {  	[dreg:$0x5] =	wrdreg s5  }
0xb6: {  	[dreg:$0x6] =	wrdreg s6  }
0xb7: {  	[dreg:$0x7] =	wrdreg $0x9  }
0xb8: {  	_ =	task.clear_ibuf [dreg:s11], $0x8FFFF;
	_ =	strace $0x90000046  }
0xb9: {  	s29 =	simm.s32 $0x9;
	_ =	strace $0x80000048  }
0xba: {  	_ =	swait.ge [sflag:s29], $0x1  }
0xbb: {  	[sflag:s29] =	ssyncadd.s32 $0xFFFFFFFF  }
0xbc: {  	_ =	strace $0x90000048  }
0xbd: {  	_ =	sfence  }
0xbe: {  	s30 =	sld [smem:$0x0];
	_ =	sdelay $0x2  }
0xbf: {  	s31 =	sshll.u32 s1, $0xD;
	s1 =	sshrl.u32 s1, $0x2  }
0xc0: {  	s3 =	sand.u32 $0x4000, s31;
	s1 =	sadd.s32 s1, s30  }
0xc1: {  	s0 =	sor.u32 s3, s0;
	s1 =	sshll.u32 s1, $0x11  }
0xc2: {  	s0 =	sor.u32 s1, s0  }
0xc3: {  	s0 =	sadd.s32 $0x8F2B, s0  }
0xc4: {  	[sflag:s0] =	ssyncadd.remote.s32 $0x1  }
0xc5: {  	_ =	sfence.sel $0xFFFF  }
0xc6: {  	[dreg:$0x0] =	wrdreg $0xFFFFFFFF;
	(pc) =	sbr.abs _section_cstart, $3  }
0xc7: {  	[dreg:$0x1] =	wrdreg $0xFFFFFFFF  }
0xc8: {  	_ =	task.clear_ibuf [dreg:s11], $0x2FFFF;
	_ =	strace $0x9FFFFFFF  }
0xc9: {  	(tm) =	ssettm $0x7FFFFFFF  }
tec
execute0_lowered:
.L_overlay_start_1:
0x0: {  	(tag) =	ssettag $0x1  }
0x1: {  	s0 =	rddreg [dreg:$0x0]  }
0x2: {  	s3 =	rddreg [dreg:$0x1]  }
0x3: {  	s1 =	rddreg [dreg:$0x2]  }
0x4: {  	s2 =	rddreg [dreg:$0x3]  }
0x5: {  	s7 =	rddreg [dreg:$0x4];
	s5 =	srdreg.scid  }
0x6: {  	s4 =	simm.s32 $0x0;
	s9 =	stileid.u32;
	s17 =	simm.s32 $0x1  }
0x7: {  	s18 =	simm.s32 $0x40;
	s28 =	simm.s32 $0xC400;
	s30 =	simm.s32 $0x6400  }
0x8: {  	s24 =	simm.s32 $0x3;
	s29 =	simm.s32 $0x4;
	s22 =	simm.s32 $0x5  }
0x9: {  	s31 =	simm.s32 $0x0;
	s5 =	sand.u32 $0x1, s5;
	[smem:$0x7FF] =	sst s4  }
0xa: {  	s9 =	sshll.u32 s9, $0x7;
	s6 =	ssub.s32 $0x2, s5;
	s5 =	sshll.u32 s5, $0x6  }
0xb: {  	_ =	strace $0x80000047;
	s8 =	sshrl.u32 s6, $0x1;
	s26 =	sor.u32 s5, s9  }
0xc: {  	s15 =	ssub.s32 s6, s8;
	s5 =	sadd.s32 s0, s26;
	s6 =	sadd.s32 s3, s26  }
0xd: {  	s7 =	sadd.s32 s7, s26;
	s0 =	simm.s32 $0xE400;
	s3 =	simm.s32 $0x10400  }
0xe: {  	vm0 =	vcmask $0x3F3C;
	s26 =	simm.s32 $0x2;
	s8 =	sadd.s32 $0x8, s7;
	s9 =	sadd.s32 $0x10, s7  }
0xf: {  	s10 =	sadd.s32 $0x18, s7;
	s11 =	sadd.s32 $0x20, s7;
	s12 =	sadd.s32 $0x28, s7  }
0x10: {  	s13 =	sadd.s32 $0x30, s7;
	s14 =	sadd.s32 $0x38, s7;
	s15 =	smax.u32 s15, $0x1  }
.LBB2_1:
0x11: {  	[tilespmem:s4], [sflag:$0x1] =	stream.linear.gather [hbm4b:s5+s4], $0x200, $0x38;
	[tilespmem:$0x10600] =	vst v63  }
0x12: {  	s16 =	simm.s32 $0x200  }
0x13: {  	[tilespmem:s16], [sflag:$0x1] =	stream.linear.gather [hbm4b:s6+s4], $0x200, $0x38;
	[tilespmem:$0x10600] =	vst v63  }
0x14: {  	_ =	swait.ge [sflag:s17], $0x200  }
0x15: {  	[sflag:s17] =	ssyncset.done $0x0  }
0x16: {  	[sflag:s17] =	ssyncadd.s32 $0xFFFFFE00  }
0x17: {  	_ =	swait.ge [sflag:s17], $0x200  }
0x18: {  	[sflag:s17] =	ssyncset.done $0x0  }
0x19: {  	s19 =	simm.s32 $0x400;
	[sflag:s17] =	ssyncadd.s32 $0xFFFFFE00  }
0x1a: {  	[tilespmem:s19], [sflag:$0x1] =	stream.indirect.gather [hbm4b:s1+s18], $0x80, s4, s18, $0xb8;
	[tilespmem:$0x10600] =	vst v63  }
0x1b: {  	s25 =	simm.s32 $0x8400  }
0x1c: {  	[tilespmem:s25], [sflag:$0x1] =	stream.indirect.gather [hbm4b:s2+s18], $0x80, s16, s18, $0xb8;
	[tilespmem:$0x10600] =	vst v63  }
0x1d: {  	s19 =	simm.s32 $0x2400  }
0x1e: {  	[tilespmem:s19], [sflag:$0x2] =	stream.indirect.gather [hbm4b:s1+s18], $0x80, s18, s18, $0xb8;
	[tilespmem:$0x10600] =	vst v63  }
0x1f: {  	s20 =	simm.s32 $0x240;
	s21 =	simm.s32 $0xA400  }
0x20: {  	[tilespmem:s21], [sflag:$0x2] =	stream.indirect.gather [hbm4b:s2+s18], $0x80, s20, s18, $0xb8;
	[tilespmem:$0x10600] =	vst v63  }
0x21: {  	s23 =	simm.s32 $0x80;
	s25 =	simm.s32 $0x4400  }
0x22: {  	[tilespmem:s25], [sflag:$0x3] =	stream.indirect.gather [hbm4b:s1+s18], $0x80, s23, s18, $0xb8;
	[tilespmem:$0x10600] =	vst v63  }
0x23: {  	s19 =	simm.s32 $0x280  }
0x24: {  	[tilespmem:s28], [sflag:$0x3] =	stream.indirect.gather [hbm4b:s2+s18], $0x80, s19, s18, $0xb8;
	[tilespmem:$0x10600] =	vst v63  }
0x25: {  	s20 =	simm.s32 $0xC0  }
0x26: {  	[tilespmem:s30], [sflag:$0x4] =	stream.indirect.gather [hbm4b:s1+s18], $0x80, s20, s18, $0xb8;
	[tilespmem:$0x10600] =	vst v63  }
0x27: {  	s21 =	simm.s32 $0x2C0  }
0x28: {  	[tilespmem:s0], [sflag:$0x4] =	stream.indirect.gather [hbm4b:s2+s18], $0x80, s21, s18, $0xb8;
	[tilespmem:$0x10600] =	vst v63  }
0x29: {  	_ =	swait.ge [sflag:s17], $0x2000  }
0x2a: {  	[sflag:s17] =	ssyncset.done $0x0  }
0x2b: {  	[sflag:s17] =	ssyncadd.s32 $0xFFFFE000  }
0x2c: {  	_ =	swait.ge [sflag:s17], $0x2000  }
0x2d: {  	[sflag:s17] =	ssyncset.done $0x0  }
0x2e: {  	s23 =	simm.s32 $0x480;
	[sflag:s17] =	ssyncadd.s32 $0xFFFFE000  }
0x2f: {  	s25 =	simm.s32 $0x8480;
	v0 =	vld [tilespmem:s23+$0x0]  }
0x30: {  	v1 =	vld [tilespmem:s25+$0x0]  }
0x31: {  	v2 =	vld [tilespmem:s23+$0x10]  }
0x32: {  	v3 =	vld [tilespmem:s25+$0x10]  }
0x33: {  	v4 =	vld [tilespmem:s23+$0x20]  }
0x34: {  	v5 =	vld [tilespmem:s25+$0x20]  }
0x35: {  	v6 =	vld [tilespmem:s23+$0x30]  }
0x36: {  	v7 =	vld [tilespmem:s25+$0x30]  }
0x37: {  	v0 =	vmul.f32 v1, v0;
	v1 =	vmul.f32 v3, v2;
	v2 =	vld [tilespmem:s23+$0x40]  }
0x38: {  	v3 =	vld [tilespmem:s25+$0x40]  }
0x39: {  	v0 =	vadd.f32 v1, v0;
	v1 =	vmul.f32 v5, v4;
	v4 =	vld [tilespmem:s23+$0x50]  }
0x3a: {  	v5 =	vld [tilespmem:s25+$0x50]  }
0x3b: {  	v0 =	vadd.f32 v1, v0;
	v1 =	vmul.f32 v7, v6;
	v6 =	vld [tilespmem:s23+$0x60]  }
0x3c: {  	v7 =	vld [tilespmem:s25+$0x60]  }
0x3d: {  	v0 =	vadd.f32 v1, v0;
	v1 =	vmul.f32 v3, v2;
	v2 =	vld [tilespmem:s23+$0x70]  }
0x3e: {  	v3 =	vld [tilespmem:s25+$0x70]  }
0x3f: {  	v8 =	vld [tilespmem:s25+$0xFFFFFF80];
	v0 =	vadd.f32 v1, v0;
	v1 =	vmul.f32 v5, v4  }
0x40: {  	v4 =	vld [tilespmem:s23+$0xFFFFFF90]  }
0x41: {  	v5 =	vld [tilespmem:s25+$0xFFFFFF90];
	v0 =	vadd.f32 v1, v0;
	v1 =	vmul.f32 v7, v6  }
0x42: {  	v6 =	vld [tilespmem:s23+$0xFFFFFF80]  }
0x43: {  	v7 =	vld [tilespmem:s23+$0xFFFFFFA0];
	v0 =	vadd.f32 v1, v0;
	v1 =	vmul.f32 v3, v2  }
0x44: {  	v2 =	vld [tilespmem:s25+$0xFFFFFFA0]  }
0x45: {  	v3 =	vld [tilespmem:s23+$0xFFFFFFB0];
	v0 =	vadd.f32 v1, v0  }
0x46: {  	v1 =	vld [tilespmem:s25+$0xFFFFFFB0]  }
0x47: {  	v9 =	vld [tilespmem:s23+$0xFFFFFFC0];
	(xrf2) =	vadd.scan.msk.f32 $0xffff, v0;
	v0 =	vmul.f32 v5, v4;
	v4 =	vmul.f32 v8, v6  }
0x48: {  	v5 =	vld [tilespmem:s25+$0xFFFFFFC0]  }
0x49: {  	v6 =	vld [tilespmem:s23+$0xFFFFFFD0];
	v2 =	vmul.f32 v2, v7;
	v0 =	vadd.f32 v0, v4  }
0x4a: {  	v7 =	vld [tilespmem:s25+$0xFFFFFFD0]  }
0x4b: {  	v8 =	vld [tilespmem:s23+$0xFFFFFFE0];
	v1 =	vmul.f32 v1, v3;
	v2 =	vadd.f32 v2, v0  }
0x4c: {  	s20 =	simm.s32 $0x1;
	v3 =	vld [tilespmem:s25+$0xFFFFFFE0]  }
0x4d: {  	v10 =	vmov s20;
	v0 =	vld [tilespmem:s23+$0xFFFFFFF0];
	v5 =	vmul.f32 v5, v9;
	v2 =	vadd.f32 v1, v2  }
0x4e: {  	s21 =	simm.s32 $0x580;
	v1 =	vld [tilespmem:s25+$0xFFFFFFF0]  }
0x4f: {  	v4 =	vld [tilespmem:s21+$0x0];
	v7 =	vmul.f32 v7, v6;
	v2 =	vadd.f32 v5, v2  }
0x50: {  	s20 =	simm.s32 $0x8580;
	v6 =	vld [tilespmem:s21+$0x10]  }
0x51: {  	v5 =	vld [tilespmem:s20+$0x0];
	v3 =	vmul.f32 v3, v8;
	v63, _, _ =	vpop (xrf2);
	v2 =	vadd.f32 v7, v2  }
0x52: {  	s16 =	simm.s32 $0x2;
	s19 =	simm.s32 $0x0;
	s23 =	simm.s32 $0x4;
	v7 =	vld [tilespmem:s20+$0x10];
	[tilespmem:v10+s3+$0x0] =	vst.idx.msk vm0, v63  }
.LBB2_2:
0x53: {  	p0 =	slt.u32 s23, $0x3E;
	v8 =	vld [tilespmem:s21+$0x20];
	v2 =	vadd.f32 v3, v2;
	v0 =	vmul.f32 v1, v0  }
0x54: {  	v1 =	vld [tilespmem:s20+$0x20]  }
0x55: {  	v3 =	vld [tilespmem:s21+$0x30];
	v0 =	vadd.f32 v0, v2  }
0x56: {  	v2 =	vld [tilespmem:s20+$0x30]  }
0x57: {  	v4 =	vmul.f32 v5, v4;
	v5 =	vmul.f32 v7, v6;
	v6 =	vld [tilespmem:s21+$0x40];
	(xrf2) =	vadd.scan.msk.f32 $0xffff, v0  }
0x58: {  	v0 =	vld [tilespmem:s20+$0x40]  }
0x59: {  	v4 =	vadd.f32 v5, v4;
	v1 =	vmul.f32 v1, v8;
	v5 =	vld [tilespmem:s21+$0x50]  }
0x5a: {  	v8 =	vmov s19;
	s19 =	smov.u32 s16;
	s16 =	smov.u32 s23;
	v7 =	vld [tilespmem:s20+$0x50]  }
0x5b: {  	v1 =	vadd.f32 v1, v4;
	v2 =	vmul.f32 v2, v3;
	v3 =	vld [tilespmem:s21+$0x60];
	v4 =	vand.u32 $0xFFFFFFFE, v8  }
0x5c: {  	v8 =	vld [tilespmem:s20+$0x60];
	v4 =	vbroadcast v4, $0x0  }
0x5d: {  	v1 =	vadd.f32 v2, v1;
	v0 =	vmul.f32 v0, v6;
	v2 =	vld [tilespmem:s21+$0x70]  }
0x5e: {  	v6 =	vld [tilespmem:s20+$0x70]  }
0x5f: {  	v9 =	vld [tilespmem:s20+$0xFFFFFF80];
	v0 =	vadd.f32 v0, v1;
	v1 =	vmul.f32 v7, v5  }
0x60: {  	v5 =	vld [tilespmem:s21+$0xFFFFFF90]  }
0x61: {  	v7 =	vld [tilespmem:s20+$0xFFFFFF90];
	v0 =	vadd.f32 v1, v0;
	v1 =	vmul.f32 v8, v3;
	v3, _, _ =	vpop (xrf2)  }
0x62: {  	v8 =	vld [tilespmem:s21+$0xFFFFFF80];
	[tilespmem:v4+s3+$0x0] =	vst.idx.msk vm0, v3  }
0x63: {  	v3 =	vld [tilespmem:s21+$0xFFFFFFA0];
	v0 =	vadd.f32 v1, v0;
	v1 =	vmul.f32 v6, v2  }
0x64: {  	v2 =	vld [tilespmem:s20+$0xFFFFFFA0]  }
0x65: {  	v4 =	vld [tilespmem:s21+$0xFFFFFFB0];
	v0 =	vadd.f32 v1, v0  }
0x66: {  	v1 =	vmul.f32 v7, v5;
	v5 =	vld [tilespmem:s20+$0xFFFFFFB0]  }
0x67: {  	v6 =	vmul.f32 v9, v8;
	v7 =	vld [tilespmem:s21+$0xFFFFFFC0];
	(xrf2) =	vadd.scan.msk.f32 $0xffff, v0  }
0x68: {  	v0 =	vld [tilespmem:s20+$0xFFFFFFC0]  }
0x69: {  	v1 =	vadd.f32 v1, v6;
	v2 =	vmul.f32 v2, v3;
	v3 =	vld [tilespmem:s21+$0xFFFFFFD0]  }
0x6a: {  	v6 =	vld [tilespmem:s20+$0xFFFFFFD0]  }
0x6b: {  	v1 =	vadd.f32 v2, v1;
	v2 =	vmul.f32 v5, v4;
	v8 =	vld [tilespmem:s21+$0xFFFFFFE0]  }
0x6c: {  	s25 =	sadd.s32 $0x1, s19;
	v9 =	vld [tilespmem:s20+$0xFFFFFFE0]  }
0x6d: {  	v10 =	vmov s25;
	v2 =	vadd.f32 v2, v1;
	v5 =	vmul.f32 v0, v7;
	v0 =	vld [tilespmem:s21+$0xFFFFFFF0]  }
.Ltmp0:
0x6e: {  	s21 =	sadd.s32 $0x100, s21;
	v1 =	vld [tilespmem:s20+$0xFFFFFFF0];
	(pc) =	sbr.rel @p0 .LBB2_2-.Ltmp0, $4  }
0x6f: {  	s20 =	sadd.s32 $0x100, s20;
	v4 =	vld [tilespmem:s21+$0x0];
	v2 =	vadd.f32 v5, v2;
	v3 =	vmul.f32 v6, v3  }
0x70: {  	v5 =	vld [tilespmem:s20+$0x0]  }
0x71: {  	v6 =	vld [tilespmem:s21+$0x10];
	v2 =	vadd.f32 v3, v2;
	v3 =	vmul.f32 v9, v8;
	v8, _, _ =	vpop (xrf2)  }
0x72: {  	s23 =	sadd.s32 $0x2, s23;
	v7 =	vld [tilespmem:s20+$0x10];
	[tilespmem:v10+s3+$0x0] =	vst.idx.msk vm0, v8  }
0x73: {  	v8 =	vld [tilespmem:s21+$0x20]  }
0x74: {  	v9 =	vld [tilespmem:s20+$0x20]  }
0x75: {  	v10 =	vld [tilespmem:s21+$0x30]  }
0x76: {  	v11 =	vld [tilespmem:s20+$0x30]  }
0x77: {  	v12 =	vld [tilespmem:s21+$0x40]  }
0x78: {  	v13 =	vld [tilespmem:s20+$0x40]  }
0x79: {  	v14 =	vld [tilespmem:s21+$0x50]  }
0x7a: {  	v15 =	vld [tilespmem:s20+$0x50]  }
0x7b: {  	v16 =	vld [tilespmem:s21+$0x60]  }
0x7c: {  	v17 =	vld [tilespmem:s20+$0x60]  }
0x7d: {  	v18 =	vld [tilespmem:s21+$0x70]  }
0x7e: {  	v19 =	vld [tilespmem:s20+$0x70]  }
0x7f: {  	v20 =	vld [tilespmem:s20+$0xFFFFFF80]  }
0x80: {  	v21 =	vld [tilespmem:s21+$0xFFFFFF90]  }
0x81: {  	v22 =	vld [tilespmem:s20+$0xFFFFFF90]  }
0x82: {  	v23 =	vld [tilespmem:s21+$0xFFFFFF80]  }
0x83: {  	v24 =	vld [tilespmem:s21+$0xFFFFFFA0]  }
0x84: {  	v25 =	vld [tilespmem:s20+$0xFFFFFFA0]  }
0x85: {  	v26 =	vld [tilespmem:s21+$0xFFFFFFB0]  }
0x86: {  	v4 =	vmul.f32 v5, v4;
	v5 =	vmul.f32 v7, v6;
	v6 =	vld [tilespmem:s20+$0xFFFFFFB0]  }
0x87: {  	v58 =	vld [tilespmem:s21+$0xFFFFFFC0];
	v7 =	vmul.f32 v22, v21;
	v20 =	vmul.f32 v20, v23  }
0x88: {  	v4 =	vadd.f32 v5, v4;
	v5 =	vmul.f32 v9, v8;
	v8 =	vld [tilespmem:s20+$0xFFFFFFC0]  }
0x89: {  	v59 =	vld [tilespmem:s21+$0xFFFFFFD0];
	v9 =	vmul.f32 v25, v24;
	v7 =	vadd.f32 v7, v20  }
0x8a: {  	v4 =	vadd.f32 v5, v4;
	v5 =	vmul.f32 v11, v10;
	v10 =	vld [tilespmem:s20+$0xFFFFFFD0]  }
0x8b: {  	v11 =	vld [tilespmem:s20+$0xFFFFFFE0];
	v7 =	vadd.f32 v9, v7;
	v6 =	vmul.f32 v6, v26  }
0x8c: {  	v9 =	vld [tilespmem:s21+$0xFFFFFFE0];
	v4 =	vadd.f32 v5, v4;
	v5 =	vmul.f32 v13, v12  }
0x8d: {  	v60 =	vld [tilespmem:s20+$0xFFFFFFF0];
	v6 =	vadd.f32 v6, v7;
	v7 =	vmul.f32 v8, v58  }
0x8e: {  	v8 =	vld [tilespmem:s21+$0xFFFFFFF0];
	v4 =	vadd.f32 v5, v4;
	v5 =	vmul.f32 v15, v14  }
0x8f: {  	v6 =	vadd.f32 v7, v6;
	v7 =	vmul.f32 v10, v59  }
0x90: {  	v2 =	vadd.f32 v3, v2;
	v3 =	vadd.f32 v5, v4;
	v4 =	vmul.f32 v17, v16  }
0x91: {  	v0 =	vmul.f32 v1, v0;
	v5 =	vmul.f32 v11, v9;
	v1 =	vadd.f32 v7, v6  }
0x92: {  	v3 =	vadd.f32 v4, v3;
	v4 =	vmul.f32 v19, v18  }
0x93: {  	v0 =	vadd.f32 v0, v2;
	v2 =	vmul.f32 v60, v8;
	v1 =	vadd.f32 v5, v1  }
0x94: {  	v3 =	vadd.f32 v4, v3  }
0x95: {  	(xrf2) =	vadd.scan.msk.f32 $0xffff, v0;
	v0 =	vadd.f32 v2, v1  }
0x96: {  	(xrf2) =	vadd.scan.msk.f32 $0xffff, v3  }
0x97: {  	(xrf2) =	vadd.scan.msk.f32 $0xffff, v0  }
0x98: {  	v0 =	vmov s19  }
0x99: {  	v0 =	vand.u32 $0xFFFFFFFE, v0  }
0x9a: {  	v1 =	vmov s16;
	v0 =	vbroadcast v0, $0x0  }
0x9b: {  	s21 =	sadd.s32 $0x1, s16;
	v1 =	vand.u32 $0xFFFFFFFE, v1  }
0x9c: {  	v2 =	vmov s21;
	v1 =	vbroadcast v1, $0x0;
	_ =	sdelay $0x2  }
0x9d: {  	v3, _, _ =	vpop (xrf2)  }
0x9e: {  	[tilespmem:v0+s3+$0x0] =	vst.idx.msk vm0, v3;
	v4, _, _ =	vpop (xrf2)  }
0x9f: {  	[tilespmem:v2+s3+$0x0] =	vst.idx.msk vm0, v4;
	v0, _, _ =	vpop (xrf2)  }
0xa0: {  	[tilespmem:v1+s3+$0x0] =	vst.idx.msk vm0, v0  }
0xa1: {  	[hbm4b:s7+s4] =	stream.linear.scatter [tilespmem:s3], [sflag:$0x5], $0x40, $0x38;
	[tilespmem:$0x10600] =	vst v63  }
0xa2: {  	s23 =	simm.s32 $0x400;
	s25 =	simm.s32 $0x100  }
0xa3: {  	[tilespmem:s23], [sflag:$0x1] =	stream.indirect.gather [hbm4b:s1+s18], $0x80, s25, s18, $0xb8;
	[tilespmem:$0x10600] =	vst v63  }
0xa4: {  	s20 =	simm.s32 $0x8400;
	s21 =	simm.s32 $0x300  }
0xa5: {  	[tilespmem:s20], [sflag:$0x1] =	stream.indirect.gather [hbm4b:s2+s18], $0x80, s21, s18, $0xb8;
	[tilespmem:$0x10600] =	vst v63  }
0xa6: {  	_ =	swait.ge [sflag:s26], $0x2000  }
0xa7: {  	[sflag:s26] =	ssyncset.done $0x0  }
0xa8: {  	[sflag:s26] =	ssyncadd.s32 $0xFFFFE000  }
0xa9: {  	_ =	swait.ge [sflag:s26], $0x2000  }
0xaa: {  	[sflag:s26] =	ssyncset.done $0x0  }
0xab: {  	s23 =	simm.s32 $0x24F0;
	[sflag:s26] =	ssyncadd.s32 $0xFFFFE000  }
0xac: {  	s16 =	simm.s32 $0xA4F0;
	v0 =	vld [tilespmem:s23+$0xFFFFFF90]  }
0xad: {  	v1 =	vld [tilespmem:s16+$0xFFFFFF90]  }
0xae: {  	v2 =	vld [tilespmem:s23+$0xFFFFFFA0]  }
0xaf: {  	v3 =	vld [tilespmem:s16+$0xFFFFFFA0]  }
0xb0: {  	v4 =	vld [tilespmem:s23+$0xFFFFFFB0]  }
0xb1: {  	v5 =	vld [tilespmem:s16+$0xFFFFFFB0]  }
0xb2: {  	v6 =	vld [tilespmem:s23+$0xFFFFFFC0]  }
0xb3: {  	v7 =	vld [tilespmem:s16+$0xFFFFFFC0]  }
0xb4: {  	v8 =	vld [tilespmem:s23+$0xFFFFFFD0]  }
0xb5: {  	v9 =	vld [tilespmem:s16+$0xFFFFFFD0]  }
0xb6: {  	v10 =	vld [tilespmem:s23+$0xFFFFFFE0];
	v0 =	vmul.f32 v1, v0;
	v1 =	vmul.f32 v3, v2  }
0xb7: {  	v11 =	vld [tilespmem:s16+$0xFFFFFFE0]  }
0xb8: {  	v61 =	vld [tilespmem:s23+$0xFFFFFFF0];
	v0 =	vadd.f32 v1, v0;
	v1 =	vmul.f32 v5, v4  }
0xb9: {  	v62 =	vld [tilespmem:s16+$0xFFFFFFF0]  }
0xba: {  	v2 =	vld [tilespmem:s23+$0x0];
	v0 =	vadd.f32 v1, v0;
	v1 =	vmul.f32 v7, v6  }
0xbb: {  	v3 =	vld [tilespmem:s16+$0x0]  }
0xbc: {  	v4 =	vld [tilespmem:s16+$0xFFFFFF10];
	v0 =	vadd.f32 v1, v0;
	v1 =	vmul.f32 v9, v8  }
0xbd: {  	v7 =	vld [tilespmem:s23+$0xFFFFFF10]  }
0xbe: {  	v0 =	vadd.f32 v1, v0;
	v1 =	vmul.f32 v11, v10;
	_ =	sdelay $0x1  }
0xbf: {  	v5 =	vld [tilespmem:s23+$0xFFFFFF20];
	v0 =	vadd.f32 v1, v0;
	v1 =	vmul.f32 v62, v61  }
0xc0: {  	v6 =	vld [tilespmem:s16+$0xFFFFFF20]  }
0xc1: {  	v2 =	vmul.f32 v3, v2;
	v8 =	vld [tilespmem:s23+$0xFFFFFF30];
	v4 =	vmul.f32 v4, v7;
	v7 =	vadd.f32 v1, v0  }
0xc2: {  	v9 =	vld [tilespmem:s16+$0xFFFFFF30]  }
0xc3: {  	v10 =	vld [tilespmem:s23+$0xFFFFFF40];
	v7 =	vadd.f32 v2, v7  }
0xc4: {  	v11 =	vld [tilespmem:s16+$0xFFFFFF40]  }
0xc5: {  	v63 =	vld [tilespmem:s23+$0xFFFFFF50];
	v5 =	vmul.f32 v6, v5;
	(xrf2) =	vadd.scan.msk.f32 $0xffff, v7  }
0xc6: {  	v6 =	vld [tilespmem:s16+$0xFFFFFF50]  }
0xc7: {  	v3 =	vld [tilespmem:s16+$0xFFFFFF60];
	v4 =	vadd.f32 v5, v4;
	v5 =	vmul.f32 v9, v8  }
0xc8: {  	v0 =	vld [tilespmem:s23+$0xFFFFFF60]  }
0xc9: {  	v1 =	vld [tilespmem:s23+$0xFFFFFF70];
	v4 =	vadd.f32 v5, v4;
	v8 =	vmul.f32 v11, v10  }
0xca: {  	s25 =	simm.s32 $0x41;
	v5 =	vld [tilespmem:s16+$0xFFFFFF70]  }
0xcb: {  	v2 =	vld [tilespmem:s23+$0xFFFFFF80];
	v7 =	vadd.f32 v8, v4;
	v8 =	vmul.f32 v6, v63;
	v4 =	vmov s25  }
0xcc: {  	s19 =	simm.s32 $0xFFFFFFFE;
	s20 =	simm.s32 $0x0;
	s21 =	simm.s32 $0x25F0;
	v6 =	vld [tilespmem:s16+$0xFFFFFF80]  }
.LBB2_4:
0xcd: {  	v9 =	vld [tilespmem:s21+$0xFFFFFF90];
	v7 =	vadd.f32 v8, v7;
	v0 =	vmul.f32 v3, v0;
	s16 =	sadd.s32 $0x100, s16;
	s23 =	smov.u32 s20  }
0xce: {  	v3 =	vld [tilespmem:s16+$0xFFFFFF90]  }
0xcf: {  	v8 =	vld [tilespmem:s21+$0xFFFFFFA0];
	v0 =	vadd.f32 v0, v7;
	v1 =	vmul.f32 v5, v1;
	v5, _, _ =	vpop (xrf2)  }
0xd0: {  	s20 =	sadd.s32 $0x2, s20;
	v7 =	vld [tilespmem:s16+$0xFFFFFFA0];
	[tilespmem:v4+s3+$0x0] =	vst.idx.msk vm0, v5  }
0xd1: {  	p0 =	slt.u32 s20, $0x3E;
	v4 =	vld [tilespmem:s21+$0xFFFFFFB0];
	v0 =	vadd.f32 v1, v0;
	v1 =	vmul.f32 v6, v2  }
0xd2: {  	v2 =	vld [tilespmem:s16+$0xFFFFFFB0]  }
0xd3: {  	v5 =	vld [tilespmem:s21+$0xFFFFFFC0];
	v0 =	vadd.f32 v1, v0  }
0xd4: {  	v1 =	vld [tilespmem:s16+$0xFFFFFFC0]  }
0xd5: {  	v3 =	vmul.f32 v3, v9;
	v6 =	vmul.f32 v7, v8;
	v7 =	vld [tilespmem:s21+$0xFFFFFFD0];
	(xrf2) =	vadd.scan.msk.f32 $0xffff, v0  }
0xd6: {  	v0 =	vld [tilespmem:s16+$0xFFFFFFD0]  }
0xd7: {  	s25 =	sadd.s32 $0x42, s19;
	s19 =	smov.u32 s23;
	v3 =	vadd.f32 v6, v3;
	v2 =	vmul.f32 v2, v4;
	v4 =	vld [tilespmem:s21+$0xFFFFFFE0]  }
0xd8: {  	v8 =	vmov s25;
	v6 =	vld [tilespmem:s16+$0xFFFFFFE0]  }
0xd9: {  	v2 =	vadd.f32 v2, v3;
	v1 =	vmul.f32 v1, v5;
	v3 =	vld [tilespmem:s21+$0xFFFFFFF0];
	v5 =	vand.u32 $0xFFFFFFFE, v8  }
0xda: {  	v8 =	vld [tilespmem:s16+$0xFFFFFFF0];
	v5 =	vbroadcast v5, $0x0  }
0xdb: {  	v1 =	vadd.f32 v1, v2;
	v0 =	vmul.f32 v0, v7;
	v2 =	vld [tilespmem:s21+$0x0]  }
0xdc: {  	v7 =	vld [tilespmem:s16+$0x0]  }
0xdd: {  	v9 =	vld [tilespmem:s16+$0xFFFFFF10];
	v0 =	vadd.f32 v0, v1;
	v1 =	vmul.f32 v6, v4  }
0xde: {  	v4 =	vld [tilespmem:s21+$0xFFFFFF20]  }
0xdf: {  	v6 =	vld [tilespmem:s16+$0xFFFFFF20];
	v0 =	vadd.f32 v1, v0;
	v1 =	vmul.f32 v8, v3;
	v3, _, _ =	vpop (xrf2)  }
0xe0: {  	v8 =	vld [tilespmem:s21+$0xFFFFFF10];
	[tilespmem:v5+s3+$0x0] =	vst.idx.msk vm0, v3  }
0xe1: {  	v3 =	vld [tilespmem:s21+$0xFFFFFF30];
	v0 =	vadd.f32 v1, v0;
	v1 =	vmul.f32 v7, v2  }
0xe2: {  	v2 =	vld [tilespmem:s16+$0xFFFFFF30]  }
0xe3: {  	v5 =	vld [tilespmem:s21+$0xFFFFFF40];
	v0 =	vadd.f32 v1, v0  }
0xe4: {  	v1 =	vmul.f32 v6, v4;
	v4 =	vld [tilespmem:s16+$0xFFFFFF40]  }
0xe5: {  	v6 =	vmul.f32 v9, v8;
	v8 =	vld [tilespmem:s21+$0xFFFFFF50];
	(xrf2) =	vadd.scan.msk.f32 $0xffff, v0  }
0xe6: {  	v9 =	vld [tilespmem:s16+$0xFFFFFF50]  }
0xe7: {  	v1 =	vadd.f32 v1, v6;
	v2 =	vmul.f32 v2, v3;
	v0 =	vld [tilespmem:s21+$0xFFFFFF60]  }
.Ltmp1:
0xe8: {  	v3 =	vld [tilespmem:s16+$0xFFFFFF60];
	(pc) =	sbr.rel @p0 .LBB2_4-.Ltmp1, $4  }
0xe9: {  	v2 =	vadd.f32 v2, v1;
	v4 =	vmul.f32 v4, v5;
	v1 =	vld [tilespmem:s21+$0xFFFFFF70]  }
0xea: {  	s23 =	sadd.s32 $0x43, s19;
	v5 =	vld [tilespmem:s16+$0xFFFFFF70]  }
0xeb: {  	v7 =	vadd.f32 v4, v2;
	v8 =	vmul.f32 v9, v8;
	v2 =	vld [tilespmem:s21+$0xFFFFFF80];
	v4 =	vmov s23  }
0xec: {  	s21 =	sadd.s32 $0x100, s21;
	v6 =	vld [tilespmem:s16+$0xFFFFFF80]  }
0xed: {  	v7 =	vadd.f32 v8, v7;
	v0 =	vmul.f32 v3, v0;
	_ =	sdelay $0x1  }
0xee: {  	v0 =	vadd.f32 v0, v7;
	v1 =	vmul.f32 v5, v1;
	_ =	sdelay $0x1  }
0xef: {  	v0 =	vadd.f32 v1, v0;
	v1 =	vmul.f32 v6, v2;
	_ =	sdelay $0x1  }
0xf0: {  	v0 =	vadd.f32 v1, v0;
	_ =	sdelay $0x1  }
0xf1: {  	(xrf2) =	vadd.scan.msk.f32 $0xffff, v0;
	_ =	sdelay $0x1  }
0xf2: {  	s16 =	sadd.s32 $0x42, s19  }
0xf3: {  	v0 =	vmov s16  }
0xf4: {  	v0 =	vand.u32 $0xFFFFFFFE, v0  }
0xf5: {  	v0 =	vbroadcast v0, $0x0;
	_ =	sdelay $0x3  }
0xf6: {  	v1, _, _ =	vpop (xrf2)  }
0xf7: {  	[tilespmem:v4+s3+$0x0] =	vst.idx.msk vm0, v1;
	v1, _, _ =	vpop (xrf2)  }
0xf8: {  	s23 =	simm.s32 $0x0;
	s25 =	simm.s32 $0x10440;
	[tilespmem:v0+s3+$0x0] =	vst.idx.msk vm0, v1  }
0xf9: {  	[hbm4b:s8+s23] =	stream.linear.scatter [tilespmem:s25], [sflag:$0x5], $0x40, $0x38;
	[tilespmem:$0x10600] =	vst v63  }
0xfa: {  	s20 =	simm.s32 $0x2400;
	s21 =	simm.s32 $0x140  }
0xfb: {  	[tilespmem:s20], [sflag:$0x2] =	stream.indirect.gather [hbm4b:s1+s18], $0x80, s21, s18, $0xb8;
	[tilespmem:$0x10600] =	vst v63  }
0xfc: {  	s23 =	simm.s32 $0xA400;
	s25 =	simm.s32 $0x340  }
0xfd: {  	[tilespmem:s23], [sflag:$0x2] =	stream.indirect.gather [hbm4b:s2+s18], $0x80, s25, s18, $0xb8;
	[tilespmem:$0x10600] =	vst v63  }
0xfe: {  	_ =	swait.ge [sflag:s24], $0x2000  }
0xff: {  	[sflag:s24] =	ssyncset.done $0x0  }
0x100: {  	[sflag:s24] =	ssyncadd.s32 $0xFFFFE000  }
0x101: {  	_ =	swait.ge [sflag:s24], $0x2000  }
0x102: {  	[sflag:s24] =	ssyncset.done $0x0  }
0x103: {  	s16 =	simm.s32 $0x0;
	[sflag:s24] =	ssyncadd.s32 $0xFFFFE000  }
0x104: {  	v0 =	vld [tilespmem:s16+$0x4480]  }
0x105: {  	v1 =	vld [tilespmem:s16+$0xC480]  }
0x106: {  	v2 =	vld [tilespmem:s16+$0x4490]  }
0x107: {  	v3 =	vld [tilespmem:s16+$0xC490]  }
0x108: {  	v4 =	vld [tilespmem:s16+$0x44A0]  }
0x109: {  	v5 =	vld [tilespmem:s16+$0xC4A0]  }
0x10a: {  	v6 =	vld [tilespmem:s16+$0x44B0]  }
0x10b: {  	v7 =	vld [tilespmem:s16+$0xC4B0]  }
0x10c: {  	v8 =	vld [tilespmem:s16+$0x44C0];
	v0 =	vmul.f32 v1, v0;
	v1 =	vmul.f32 v3, v2  }
0x10d: {  	v9 =	vld [tilespmem:s16+$0xC4C0]  }
0x10e: {  	v10 =	vld [tilespmem:s16+$0x44D0];
	v0 =	vadd.f32 v1, v0;
	v1 =	vmul.f32 v5, v4  }
0x10f: {  	v11 =	vld [tilespmem:s16+$0xC4D0]  }
0x110: {  	v12 =	vld [tilespmem:s16+$0x44E0];
	v0 =	vadd.f32 v1, v0;
	v1 =	vmul.f32 v7, v6  }
0x111: {  	v2 =	vld [tilespmem:s16+$0xC4E0]  }
0x112: {  	v3 =	vld [tilespmem:s16+$0x44F0];
	v0 =	vadd.f32 v1, v0;
	v1 =	vmul.f32 v9, v8  }
0x113: {  	v4 =	vld [tilespmem:s16+$0xC4F0]  }
0x114: {  	v5 =	vld [tilespmem:s16+$0x4400];
	v0 =	vadd.f32 v1, v0;
	v1 =	vmul.f32 v11, v10  }
0x115: {  	v6 =	vld [tilespmem:s16+$0xC400]  }
0x116: {  	v7 =	vld [tilespmem:s16+$0x4410];
	v0 =	vadd.f32 v1, v0;
	v1 =	vmul.f32 v2, v12  }
0x117: {  	v8 =	vld [tilespmem:s16+$0xC410]  }
0x118: {  	v60 =	vld [tilespmem:s16+$0x4420];
	v3 =	vmul.f32 v4, v3;
	v1 =	vadd.f32 v1, v0  }
0x119: {  	v61 =	vld [tilespmem:s16+$0xC420]  }
0x11a: {  	v62 =	vld [tilespmem:s16+$0x4430];
	v3 =	vadd.f32 v3, v1  }
0x11b: {  	v63 =	vld [tilespmem:s16+$0xC430]  }
0x11c: {  	v2 =	vmul.f32 v6, v5;
	v5 =	vmul.f32 v8, v7;
	v7 =	vld [tilespmem:s16+$0x4440];
	(xrf2) =	vadd.scan.msk.f32 $0xffff, v3  }
0x11d: {  	v8 =	vld [tilespmem:s16+$0xC440]  }
0x11e: {  	v0 =	vld [tilespmem:s16+$0x4450];
	v4 =	vadd.f32 v5, v2;
	v5 =	vmul.f32 v61, v60  }
0x11f: {  	v2 =	vld [tilespmem:s16+$0xC450]  }
0x120: {  	v6 =	vmul.f32 v63, v62;
	v1 =	vld [tilespmem:s16+$0x4460];
	v5 =	vadd.f32 v5, v4  }
0x121: {  	s21 =	simm.s32 $0x81;
	v4 =	vld [tilespmem:s16+$0xC460]  }
0x122: {  	s19 =	simm.s32 $0xFFFFFFFE;
	s20 =	simm.s32 $0x0;
	v7 =	vmul.f32 v8, v7;
	v3 =	vmov s21;
	s21 =	simm.s32 $0x400;
	v6 =	vadd.f32 v6, v5;
	v5 =	vld [tilespmem:s16+$0x4470]  }
.LBB2_6:
0x123: {  	v8 =	vld [tilespmem:s16+$0xC470];
	s16 =	sshra.s32 s21, $0x2;
	s23 =	smov.u32 s20  }
0x124: {  	v9 =	vld [tilespmem:s16+$0x4480];
	v6 =	vadd.f32 v7, v6;
	v0 =	vmul.f32 v2, v0  }
0x125: {  	v2 =	vld [tilespmem:s16+$0xC480]  }
0x126: {  	s20 =	sadd.s32 $0x2, s20;
	v7 =	vld [tilespmem:s16+$0x4490];
	v0 =	vadd.f32 v0, v6;
	v1 =	vmul.f32 v4, v1;
	v4, _, _ =	vpop (xrf2)  }
0x127: {  	p0 =	slt.u32 s20, $0x3E;
	v6 =	vld [tilespmem:s16+$0xC490];
	[tilespmem:v3+s3+$0x0] =	vst.idx.msk vm0, v4  }
0x128: {  	v3 =	vld [tilespmem:s16+$0x44A0];
	v0 =	vadd.f32 v1, v0;
	v1 =	vmul.f32 v8, v5  }
0x129: {  	v4 =	vld [tilespmem:s16+$0xC4A0]  }
0x12a: {  	v5 =	vld [tilespmem:s16+$0x44B0];
	v0 =	vadd.f32 v1, v0  }
0x12b: {  	v1 =	vld [tilespmem:s16+$0xC4B0]  }
0x12c: {  	v2 =	vmul.f32 v2, v9;
	v6 =	vmul.f32 v6, v7;
	v7 =	vld [tilespmem:s16+$0x44C0];
	(xrf2) =	vadd.scan.msk.f32 $0xffff, v0  }
0x12d: {  	v0 =	vld [tilespmem:s16+$0xC4C0]  }
0x12e: {  	s25 =	sadd.s32 $0x82, s19;
	s19 =	smov.u32 s23;
	v2 =	vadd.f32 v6, v2;
	v3 =	vmul.f32 v4, v3;
	v4 =	vld [tilespmem:s16+$0x44D0]  }
0x12f: {  	v8 =	vmov s25;
	v6 =	vld [tilespmem:s16+$0xC4D0]  }
0x130: {  	v2 =	vadd.f32 v3, v2;
	v1 =	vmul.f32 v1, v5;
	v3 =	vld [tilespmem:s16+$0x44E0];
	v5 =	vand.u32 $0xFFFFFFFE, v8  }
0x131: {  	v8 =	vld [tilespmem:s16+$0xC4E0];
	v5 =	vbroadcast v5, $0x0  }
0x132: {  	v1 =	vadd.f32 v1, v2;
	v0 =	vmul.f32 v0, v7;
	v2 =	vld [tilespmem:s16+$0x44F0]  }
0x133: {  	v7 =	vld [tilespmem:s16+$0xC4F0]  }
0x134: {  	v9 =	vld [tilespmem:s16+$0x4400];
	v0 =	vadd.f32 v0, v1;
	v1 =	vmul.f32 v6, v4  }
0x135: {  	v4 =	vld [tilespmem:s16+$0xC400]  }
0x136: {  	v6 =	vld [tilespmem:s16+$0x4410];
	v0 =	vadd.f32 v1, v0;
	v1 =	vmul.f32 v8, v3;
	v3, _, _ =	vpop (xrf2)  }
0x137: {  	v8 =	vld [tilespmem:s16+$0xC410];
	[tilespmem:v5+s3+$0x0] =	vst.idx.msk vm0, v3  }
0x138: {  	v3 =	vld [tilespmem:s16+$0x4420];
	v0 =	vadd.f32 v1, v0;
	v1 =	vmul.f32 v7, v2  }
0x139: {  	v2 =	vld [tilespmem:s16+$0xC420]  }
0x13a: {  	v4 =	vmul.f32 v4, v9;
	v5 =	vld [tilespmem:s16+$0x4430];
	v0 =	vadd.f32 v1, v0  }
0x13b: {  	v1 =	vld [tilespmem:s16+$0xC430]  }
0x13c: {  	v6 =	vmul.f32 v8, v6;
	v7 =	vld [tilespmem:s16+$0x4440];
	(xrf2) =	vadd.scan.msk.f32 $0xffff, v0  }
0x13d: {  	v8 =	vld [tilespmem:s16+$0xC440]  }
.Ltmp2:
0x13e: {  	v4 =	vadd.f32 v6, v4;
	v3 =	vmul.f32 v2, v3;
	v0 =	vld [tilespmem:s16+$0x4450];
	(pc) =	sbr.rel @p0 .LBB2_6-.Ltmp2, $4  }
0x13f: {  	v2 =	vld [tilespmem:s16+$0xC450]  }
0x140: {  	v3 =	vadd.f32 v3, v4;
	v5 =	vmul.f32 v1, v5;
	v1 =	vld [tilespmem:s16+$0x4460]  }
0x141: {  	s23 =	sadd.s32 $0x83, s19;
	v4 =	vld [tilespmem:s16+$0xC460]  }
0x142: {  	s21 =	sadd.s32 $0x400, s21;
	v6 =	vadd.f32 v5, v3;
	v7 =	vmul.f32 v8, v7;
	v5 =	vld [tilespmem:s16+$0x4470];
	v3 =	vmov s23  }
0x143: {  	v8 =	vld [tilespmem:s16+$0xC470]  }
0x144: {  	v6 =	vadd.f32 v7, v6;
	v0 =	vmul.f32 v2, v0;
	_ =	sdelay $0x1  }
0x145: {  	v0 =	vadd.f32 v0, v6;
	v1 =	vmul.f32 v4, v1;
	_ =	sdelay $0x1  }
0x146: {  	v0 =	vadd.f32 v1, v0;
	v1 =	vmul.f32 v8, v5;
	_ =	sdelay $0x1  }
0x147: {  	v0 =	vadd.f32 v1, v0;
	_ =	sdelay $0x1  }
0x148: {  	(xrf2) =	vadd.scan.msk.f32 $0xffff, v0;
	_ =	sdelay $0x1  }
0x149: {  	s25 =	sadd.s32 $0x82, s19  }
0x14a: {  	v0 =	vmov s25  }
0x14b: {  	v0 =	vand.u32 $0xFFFFFFFE, v0  }
0x14c: {  	v0 =	vbroadcast v0, $0x0;
	_ =	sdelay $0x3  }
0x14d: {  	v1, _, _ =	vpop (xrf2)  }
0x14e: {  	[tilespmem:v3+s3+$0x0] =	vst.idx.msk vm0, v1;
	v1, _, _ =	vpop (xrf2)  }
0x14f: {  	s19 =	simm.s32 $0x0;
	s20 =	simm.s32 $0x10480;
	[tilespmem:v0+s3+$0x0] =	vst.idx.msk vm0, v1  }
0x150: {  	[hbm4b:s9+s19] =	stream.linear.scatter [tilespmem:s20], [sflag:$0x5], $0x40, $0x38;
	[tilespmem:$0x10600] =	vst v63  }
0x151: {  	s21 =	simm.s32 $0x4400;
	s23 =	simm.s32 $0x180  }
0x152: {  	[tilespmem:s21], [sflag:$0x3] =	stream.indirect.gather [hbm4b:s1+s18], $0x80, s23, s18, $0xb8;
	[tilespmem:$0x10600] =	vst v63  }
0x153: {  	s25 =	simm.s32 $0x380  }
0x154: {  	[tilespmem:s28], [sflag:$0x3] =	stream.indirect.gather [hbm4b:s2+s18], $0x80, s25, s18, $0xb8;
	[tilespmem:$0x10600] =	vst v63  }
0x155: {  	_ =	swait.ge [sflag:s29], $0x2000  }
0x156: {  	[sflag:s29] =	ssyncset.done $0x0  }
0x157: {  	[sflag:s29] =	ssyncadd.s32 $0xFFFFE000  }
0x158: {  	_ =	swait.ge [sflag:s29], $0x2000  }
0x159: {  	[sflag:s29] =	ssyncset.done $0x0  }
0x15a: {  	s16 =	simm.s32 $0x0;
	[sflag:s29] =	ssyncadd.s32 $0xFFFFE000  }
0x15b: {  	v0 =	vld [tilespmem:s16+$0x6480]  }
0x15c: {  	v1 =	vld [tilespmem:s16+$0xE480]  }
0x15d: {  	v2 =	vld [tilespmem:s16+$0x6490]  }
0x15e: {  	v3 =	vld [tilespmem:s16+$0xE490]  }
0x15f: {  	v4 =	vld [tilespmem:s16+$0x64A0]  }
0x160: {  	v5 =	vld [tilespmem:s16+$0xE4A0]  }
0x161: {  	v6 =	vld [tilespmem:s16+$0x64B0]  }
0x162: {  	v7 =	vld [tilespmem:s16+$0xE4B0]  }
0x163: {  	v8 =	vld [tilespmem:s16+$0x64C0];
	v0 =	vmul.f32 v1, v0;
	v1 =	vmul.f32 v3, v2  }
0x164: {  	v9 =	vld [tilespmem:s16+$0xE4C0]  }
0x165: {  	v10 =	vld [tilespmem:s16+$0x64D0];
	v0 =	vadd.f32 v1, v0;
	v1 =	vmul.f32 v5, v4  }
0x166: {  	v11 =	vld [tilespmem:s16+$0xE4D0]  }
0x167: {  	v12 =	vld [tilespmem:s16+$0x64E0];
	v0 =	vadd.f32 v1, v0;
	v1 =	vmul.f32 v7, v6  }
0x168: {  	v2 =	vld [tilespmem:s16+$0xE4E0]  }
0x169: {  	v3 =	vld [tilespmem:s16+$0x64F0];
	v0 =	vadd.f32 v1, v0;
	v1 =	vmul.f32 v9, v8  }
0x16a: {  	v4 =	vld [tilespmem:s16+$0xE4F0]  }
0x16b: {  	v5 =	vld [tilespmem:s16+$0x6400];
	v0 =	vadd.f32 v1, v0;
	v1 =	vmul.f32 v11, v10  }
0x16c: {  	v6 =	vld [tilespmem:s16+$0xE400]  }
0x16d: {  	v7 =	vld [tilespmem:s16+$0x6410];
	v0 =	vadd.f32 v1, v0;
	v1 =	vmul.f32 v2, v12  }
0x16e: {  	v8 =	vld [tilespmem:s16+$0xE410]  }
0x16f: {  	v60 =	vld [tilespmem:s16+$0x6420];
	v3 =	vmul.f32 v4, v3;
	v1 =	vadd.f32 v1, v0  }
0x170: {  	v61 =	vld [tilespmem:s16+$0xE420]  }
0x171: {  	v62 =	vld [tilespmem:s16+$0x6430];
	v3 =	vadd.f32 v3, v1  }
0x172: {  	v63 =	vld [tilespmem:s16+$0xE430]  }
0x173: {  	v2 =	vmul.f32 v6, v5;
	v5 =	vmul.f32 v8, v7;
	v7 =	vld [tilespmem:s16+$0x6440];
	(xrf2) =	vadd.scan.msk.f32 $0xffff, v3  }
0x174: {  	v8 =	vld [tilespmem:s16+$0xE440]  }
0x175: {  	v0 =	vld [tilespmem:s16+$0x6450];
	v4 =	vadd.f32 v5, v2;
	v5 =	vmul.f32 v61, v60  }
0x176: {  	v2 =	vld [tilespmem:s16+$0xE450]  }
0x177: {  	v6 =	vmul.f32 v63, v62;
	v1 =	vld [tilespmem:s16+$0x6460];
	v5 =	vadd.f32 v5, v4  }
0x178: {  	s21 =	simm.s32 $0xC1;
	v4 =	vld [tilespmem:s16+$0xE460]  }
0x179: {  	s19 =	simm.s32 $0xFFFFFFFE;
	s20 =	simm.s32 $0x0;
	v7 =	vmul.f32 v8, v7;
	v3 =	vmov s21;
	s21 =	simm.s32 $0x400;
	v6 =	vadd.f32 v6, v5;
	v5 =	vld [tilespmem:s16+$0x6470]  }
.LBB2_8:
0x17a: {  	v8 =	vld [tilespmem:s16+$0xE470];
	s16 =	sshra.s32 s21, $0x2;
	s23 =	smov.u32 s20  }
0x17b: {  	v9 =	vld [tilespmem:s16+$0x6480];
	v6 =	vadd.f32 v7, v6;
	v0 =	vmul.f32 v2, v0  }
0x17c: {  	v2 =	vld [tilespmem:s16+$0xE480]  }
0x17d: {  	s20 =	sadd.s32 $0x2, s20;
	v7 =	vld [tilespmem:s16+$0x6490];
	v0 =	vadd.f32 v0, v6;
	v1 =	vmul.f32 v4, v1;
	v4, _, _ =	vpop (xrf2)  }
0x17e: {  	p0 =	slt.u32 s20, $0x3E;
	v6 =	vld [tilespmem:s16+$0xE490];
	[tilespmem:v3+s3+$0x0] =	vst.idx.msk vm0, v4  }
0x17f: {  	v3 =	vld [tilespmem:s16+$0x64A0];
	v0 =	vadd.f32 v1, v0;
	v1 =	vmul.f32 v8, v5  }
0x180: {  	v4 =	vld [tilespmem:s16+$0xE4A0]  }
0x181: {  	v5 =	vld [tilespmem:s16+$0x64B0];
	v0 =	vadd.f32 v1, v0  }
0x182: {  	v1 =	vld [tilespmem:s16+$0xE4B0]  }
0x183: {  	v2 =	vmul.f32 v2, v9;
	v6 =	vmul.f32 v6, v7;
	v7 =	vld [tilespmem:s16+$0x64C0];
	(xrf2) =	vadd.scan.msk.f32 $0xffff, v0  }
0x184: {  	v0 =	vld [tilespmem:s16+$0xE4C0]  }
0x185: {  	s25 =	sadd.s32 $0xC2, s19;
	s19 =	smov.u32 s23;
	v2 =	vadd.f32 v6, v2;
	v3 =	vmul.f32 v4, v3;
	v4 =	vld [tilespmem:s16+$0x64D0]  }
0x186: {  	v8 =	vmov s25;
	v6 =	vld [tilespmem:s16+$0xE4D0]  }
0x187: {  	v2 =	vadd.f32 v3, v2;
	v1 =	vmul.f32 v1, v5;
	v3 =	vld [tilespmem:s16+$0x64E0];
	v5 =	vand.u32 $0xFFFFFFFE, v8  }
0x188: {  	v8 =	vld [tilespmem:s16+$0xE4E0];
	v5 =	vbroadcast v5, $0x0  }
0x189: {  	v1 =	vadd.f32 v1, v2;
	v0 =	vmul.f32 v0, v7;
	v2 =	vld [tilespmem:s16+$0x64F0]  }
0x18a: {  	v7 =	vld [tilespmem:s16+$0xE4F0]  }
0x18b: {  	v9 =	vld [tilespmem:s16+$0x6400];
	v0 =	vadd.f32 v0, v1;
	v1 =	vmul.f32 v6, v4  }
0x18c: {  	v4 =	vld [tilespmem:s16+$0xE400]  }
0x18d: {  	v6 =	vld [tilespmem:s16+$0x6410];
	v0 =	vadd.f32 v1, v0;
	v1 =	vmul.f32 v8, v3;
	v3, _, _ =	vpop (xrf2)  }
0x18e: {  	v8 =	vld [tilespmem:s16+$0xE410];
	[tilespmem:v5+s3+$0x0] =	vst.idx.msk vm0, v3  }
0x18f: {  	v3 =	vld [tilespmem:s16+$0x6420];
	v0 =	vadd.f32 v1, v0;
	v1 =	vmul.f32 v7, v2  }
0x190: {  	v2 =	vld [tilespmem:s16+$0xE420]  }
0x191: {  	v4 =	vmul.f32 v4, v9;
	v5 =	vld [tilespmem:s16+$0x6430];
	v0 =	vadd.f32 v1, v0  }
0x192: {  	v1 =	vld [tilespmem:s16+$0xE430]  }
0x193: {  	v6 =	vmul.f32 v8, v6;
	v7 =	vld [tilespmem:s16+$0x6440];
	(xrf2) =	vadd.scan.msk.f32 $0xffff, v0  }
0x194: {  	v8 =	vld [tilespmem:s16+$0xE440]  }
.Ltmp3:
0x195: {  	v4 =	vadd.f32 v6, v4;
	v3 =	vmul.f32 v2, v3;
	v0 =	vld [tilespmem:s16+$0x6450];
	(pc) =	sbr.rel @p0 .LBB2_8-.Ltmp3, $4  }
0x196: {  	v2 =	vld [tilespmem:s16+$0xE450]  }
0x197: {  	v3 =	vadd.f32 v3, v4;
	v5 =	vmul.f32 v1, v5;
	v1 =	vld [tilespmem:s16+$0x6460]  }
0x198: {  	s23 =	sadd.s32 $0xC3, s19;
	v4 =	vld [tilespmem:s16+$0xE460]  }
0x199: {  	s21 =	sadd.s32 $0x400, s21;
	v6 =	vadd.f32 v5, v3;
	v7 =	vmul.f32 v8, v7;
	v5 =	vld [tilespmem:s16+$0x6470];
	v3 =	vmov s23  }
0x19a: {  	v8 =	vld [tilespmem:s16+$0xE470]  }
0x19b: {  	v6 =	vadd.f32 v7, v6;
	v0 =	vmul.f32 v2, v0;
	_ =	sdelay $0x1  }
0x19c: {  	v0 =	vadd.f32 v0, v6;
	v1 =	vmul.f32 v4, v1;
	_ =	sdelay $0x1  }
0x19d: {  	v0 =	vadd.f32 v1, v0;
	v1 =	vmul.f32 v8, v5;
	_ =	sdelay $0x1  }
0x19e: {  	v0 =	vadd.f32 v1, v0;
	_ =	sdelay $0x1  }
0x19f: {  	(xrf2) =	vadd.scan.msk.f32 $0xffff, v0;
	_ =	sdelay $0x1  }
0x1a0: {  	s19 =	sadd.s32 $0xC2, s19  }
0x1a1: {  	v0 =	vmov s19  }
0x1a2: {  	v0 =	vand.u32 $0xFFFFFFFE, v0  }
0x1a3: {  	v0 =	vbroadcast v0, $0x0;
	_ =	sdelay $0x3  }
0x1a4: {  	v1, _, _ =	vpop (xrf2)  }
0x1a5: {  	[tilespmem:v3+s3+$0x0] =	vst.idx.msk vm0, v1;
	v1, _, _ =	vpop (xrf2)  }
0x1a6: {  	s20 =	simm.s32 $0x104C0;
	[tilespmem:v0+s3+$0x0] =	vst.idx.msk vm0, v1  }
0x1a7: {  	[hbm4b:s10+s4] =	stream.linear.scatter [tilespmem:s20], [sflag:$0x5], $0x40, $0x38;
	[tilespmem:$0x10600] =	vst v63  }
0x1a8: {  	s21 =	simm.s32 $0x1C0  }
0x1a9: {  	[tilespmem:s30], [sflag:$0x4] =	stream.indirect.gather [hbm4b:s1+s18], $0x80, s21, s18, $0xb8;
	[tilespmem:$0x10600] =	vst v63  }
0x1aa: {  	s23 =	simm.s32 $0x3C0  }
0x1ab: {  	[tilespmem:s0], [sflag:$0x4] =	stream.indirect.gather [hbm4b:s2+s18], $0x80, s23, s18, $0xb8;
	[tilespmem:$0x10600] =	vst v63  }
0x1ac: {  	_ =	swait.ge [sflag:s17], $0x2000  }
0x1ad: {  	[sflag:s17] =	ssyncset.done $0x0  }
0x1ae: {  	[sflag:s17] =	ssyncadd.s32 $0xFFFFE000  }
0x1af: {  	_ =	swait.ge [sflag:s17], $0x2000  }
0x1b0: {  	[sflag:s17] =	ssyncset.done $0x0  }
0x1b1: {  	s25 =	simm.s32 $0x480;
	[sflag:s17] =	ssyncadd.s32 $0xFFFFE000  }
0x1b2: {  	s16 =	simm.s32 $0x8480;
	v0 =	vld [tilespmem:s25+$0x0]  }
0x1b3: {  	v1 =	vld [tilespmem:s16+$0x0]  }
0x1b4: {  	v2 =	vld [tilespmem:s25+$0x10]  }
0x1b5: {  	v3 =	vld [tilespmem:s16+$0x10]  }
0x1b6: {  	v4 =	vld [tilespmem:s25+$0x20]  }
0x1b7: {  	v5 =	vld [tilespmem:s16+$0x20]  }
0x1b8: {  	v6 =	vld [tilespmem:s25+$0x30]  }
0x1b9: {  	v7 =	vld [tilespmem:s16+$0x30]  }
0x1ba: {  	v8 =	vld [tilespmem:s25+$0x40]  }
0x1bb: {  	v9 =	vld [tilespmem:s16+$0x40]  }
0x1bc: {  	v10 =	vld [tilespmem:s25+$0x50];
	v0 =	vmul.f32 v1, v0;
	v1 =	vmul.f32 v3, v2  }
0x1bd: {  	v11 =	vld [tilespmem:s16+$0x50]  }
0x1be: {  	v12 =	vld [tilespmem:s25+$0x60];
	v0 =	vadd.f32 v1, v0;
	v1 =	vmul.f32 v5, v4  }
0x1bf: {  	v13 =	vld [tilespmem:s16+$0x60]  }
0x1c0: {  	v2 =	vld [tilespmem:s25+$0x70];
	v0 =	vadd.f32 v1, v0;
	v1 =	vmul.f32 v7, v6  }
0x1c1: {  	v3 =	vld [tilespmem:s16+$0x70]  }
0x1c2: {  	v4 =	vld [tilespmem:s16+$0xFFFFFF80];
	v0 =	vadd.f32 v1, v0;
	v1 =	vmul.f32 v9, v8  }
0x1c3: {  	v7 =	vld [tilespmem:s25+$0xFFFFFF80]  }
0x1c4: {  	v0 =	vadd.f32 v1, v0;
	v1 =	vmul.f32 v11, v10;
	_ =	sdelay $0x1  }
0x1c5: {  	v5 =	vld [tilespmem:s25+$0xFFFFFF90];
	v0 =	vadd.f32 v1, v0;
	v1 =	vmul.f32 v13, v12  }
0x1c6: {  	v6 =	vld [tilespmem:s16+$0xFFFFFF90]  }
0x1c7: {  	v2 =	vmul.f32 v3, v2;
	v8 =	vld [tilespmem:s25+$0xFFFFFFA0];
	v4 =	vmul.f32 v4, v7;
	v7 =	vadd.f32 v1, v0  }
0x1c8: {  	v9 =	vld [tilespmem:s16+$0xFFFFFFA0]  }
0x1c9: {  	v10 =	vld [tilespmem:s25+$0xFFFFFFB0];
	v7 =	vadd.f32 v2, v7  }
0x1ca: {  	v11 =	vld [tilespmem:s16+$0xFFFFFFB0]  }
0x1cb: {  	v63 =	vld [tilespmem:s25+$0xFFFFFFC0];
	v5 =	vmul.f32 v6, v5;
	(xrf2) =	vadd.scan.msk.f32 $0xffff, v7  }
0x1cc: {  	v6 =	vld [tilespmem:s16+$0xFFFFFFC0]  }
0x1cd: {  	v3 =	vld [tilespmem:s16+$0xFFFFFFD0];
	v4 =	vadd.f32 v5, v4;
	v5 =	vmul.f32 v9, v8  }
0x1ce: {  	v0 =	vld [tilespmem:s25+$0xFFFFFFD0]  }
0x1cf: {  	v1 =	vld [tilespmem:s25+$0xFFFFFFE0];
	v4 =	vadd.f32 v5, v4;
	v8 =	vmul.f32 v11, v10  }
0x1d0: {  	s21 =	simm.s32 $0x101;
	v5 =	vld [tilespmem:s16+$0xFFFFFFE0]  }
0x1d1: {  	v2 =	vld [tilespmem:s25+$0xFFFFFFF0];
	v7 =	vadd.f32 v8, v4;
	v8 =	vmul.f32 v6, v63;
	v4 =	vmov s21  }
0x1d2: {  	s19 =	simm.s32 $0xFFFFFFFE;
	s20 =	simm.s32 $0x0;
	v6 =	vld [tilespmem:s16+$0xFFFFFFF0];
	s21 =	simm.s32 $0x580  }
.LBB2_10:
0x1d3: {  	v9 =	vld [tilespmem:s21+$0x0];
	v7 =	vadd.f32 v8, v7;
	v0 =	vmul.f32 v3, v0;
	s16 =	sadd.s32 $0x100, s16;
	s23 =	smov.u32 s20  }
0x1d4: {  	v3 =	vld [tilespmem:s16+$0x0]  }
0x1d5: {  	v8 =	vld [tilespmem:s21+$0x10];
	v0 =	vadd.f32 v0, v7;
	v1 =	vmul.f32 v5, v1;
	v5, _, _ =	vpop (xrf2)  }
0x1d6: {  	s20 =	sadd.s32 $0x2, s20;
	v7 =	vld [tilespmem:s16+$0x10];
	[tilespmem:v4+s3+$0x0] =	vst.idx.msk vm0, v5  }
0x1d7: {  	p0 =	slt.u32 s20, $0x3E;
	v4 =	vld [tilespmem:s21+$0x20];
	v0 =	vadd.f32 v1, v0;
	v1 =	vmul.f32 v6, v2  }
0x1d8: {  	v2 =	vld [tilespmem:s16+$0x20]  }
0x1d9: {  	v5 =	vld [tilespmem:s21+$0x30];
	v0 =	vadd.f32 v1, v0  }
0x1da: {  	v1 =	vld [tilespmem:s16+$0x30]  }
0x1db: {  	v3 =	vmul.f32 v3, v9;
	v6 =	vmul.f32 v7, v8;
	v7 =	vld [tilespmem:s21+$0x40];
	(xrf2) =	vadd.scan.msk.f32 $0xffff, v0  }
0x1dc: {  	v0 =	vld [tilespmem:s16+$0x40]  }
0x1dd: {  	s25 =	sadd.s32 $0x102, s19;
	s19 =	smov.u32 s23;
	v3 =	vadd.f32 v6, v3;
	v2 =	vmul.f32 v2, v4;
	v4 =	vld [tilespmem:s21+$0x50]  }
0x1de: {  	v8 =	vmov s25;
	v6 =	vld [tilespmem:s16+$0x50]  }
0x1df: {  	v2 =	vadd.f32 v2, v3;
	v1 =	vmul.f32 v1, v5;
	v3 =	vld [tilespmem:s21+$0x60];
	v5 =	vand.u32 $0xFFFFFFFE, v8  }
0x1e0: {  	v8 =	vld [tilespmem:s16+$0x60];
	v5 =	vbroadcast v5, $0x0  }
0x1e1: {  	v1 =	vadd.f32 v1, v2;
	v0 =	vmul.f32 v0, v7;
	v2 =	vld [tilespmem:s21+$0x70]  }
0x1e2: {  	v7 =	vld [tilespmem:s16+$0x70]  }
0x1e3: {  	v9 =	vld [tilespmem:s16+$0xFFFFFF80];
	v0 =	vadd.f32 v0, v1;
	v1 =	vmul.f32 v6, v4  }
0x1e4: {  	v4 =	vld [tilespmem:s21+$0xFFFFFF90]  }
0x1e5: {  	v6 =	vld [tilespmem:s16+$0xFFFFFF90];
	v0 =	vadd.f32 v1, v0;
	v1 =	vmul.f32 v8, v3;
	v3, _, _ =	vpop (xrf2)  }
0x1e6: {  	v8 =	vld [tilespmem:s21+$0xFFFFFF80];
	[tilespmem:v5+s3+$0x0] =	vst.idx.msk vm0, v3  }
0x1e7: {  	v3 =	vld [tilespmem:s21+$0xFFFFFFA0];
	v0 =	vadd.f32 v1, v0;
	v1 =	vmul.f32 v7, v2  }
0x1e8: {  	v2 =	vld [tilespmem:s16+$0xFFFFFFA0]  }
0x1e9: {  	v5 =	vld [tilespmem:s21+$0xFFFFFFB0];
	v0 =	vadd.f32 v1, v0  }
0x1ea: {  	v1 =	vmul.f32 v6, v4;
	v4 =	vld [tilespmem:s16+$0xFFFFFFB0]  }
0x1eb: {  	v6 =	vmul.f32 v9, v8;
	v8 =	vld [tilespmem:s21+$0xFFFFFFC0];
	(xrf2) =	vadd.scan.msk.f32 $0xffff, v0  }
0x1ec: {  	v9 =	vld [tilespmem:s16+$0xFFFFFFC0]  }
0x1ed: {  	v1 =	vadd.f32 v1, v6;
	v2 =	vmul.f32 v2, v3;
	v0 =	vld [tilespmem:s21+$0xFFFFFFD0]  }
.Ltmp4:
0x1ee: {  	v3 =	vld [tilespmem:s16+$0xFFFFFFD0];
	(pc) =	sbr.rel @p0 .LBB2_10-.Ltmp4, $4  }
0x1ef: {  	v2 =	vadd.f32 v2, v1;
	v4 =	vmul.f32 v4, v5;
	v1 =	vld [tilespmem:s21+$0xFFFFFFE0]  }
0x1f0: {  	s23 =	sadd.s32 $0x103, s19;
	v5 =	vld [tilespmem:s16+$0xFFFFFFE0]  }
0x1f1: {  	v7 =	vadd.f32 v4, v2;
	v8 =	vmul.f32 v9, v8;
	v2 =	vld [tilespmem:s21+$0xFFFFFFF0];
	v4 =	vmov s23  }
0x1f2: {  	s21 =	sadd.s32 $0x100, s21;
	v6 =	vld [tilespmem:s16+$0xFFFFFFF0]  }
0x1f3: {  	v7 =	vadd.f32 v8, v7;
	v0 =	vmul.f32 v3, v0;
	_ =	sdelay $0x1  }
0x1f4: {  	v0 =	vadd.f32 v0, v7;
	v1 =	vmul.f32 v5, v1;
	_ =	sdelay $0x1  }
0x1f5: {  	v0 =	vadd.f32 v1, v0;
	v1 =	vmul.f32 v6, v2;
	_ =	sdelay $0x1  }
0x1f6: {  	v0 =	vadd.f32 v1, v0;
	_ =	sdelay $0x1  }
0x1f7: {  	(xrf2) =	vadd.scan.msk.f32 $0xffff, v0;
	_ =	sdelay $0x1  }
0x1f8: {  	s16 =	sadd.s32 $0x102, s19  }
0x1f9: {  	v0 =	vmov s16  }
0x1fa: {  	v0 =	vand.u32 $0xFFFFFFFE, v0  }
0x1fb: {  	v0 =	vbroadcast v0, $0x0;
	_ =	sdelay $0x3  }
0x1fc: {  	v1, _, _ =	vpop (xrf2)  }
0x1fd: {  	[tilespmem:v4+s3+$0x0] =	vst.idx.msk vm0, v1;
	v1, _, _ =	vpop (xrf2)  }
0x1fe: {  	s23 =	simm.s32 $0x10500;
	[tilespmem:v0+s3+$0x0] =	vst.idx.msk vm0, v1  }
0x1ff: {  	[hbm4b:s11+s4] =	stream.linear.scatter [tilespmem:s23], [sflag:$0x5], $0x40, $0x38;
	[tilespmem:$0x10600] =	vst v63  }
0x200: {  	_ =	swait.ge [sflag:s26], $0x2000  }
0x201: {  	[sflag:s26] =	ssyncset.done $0x0  }
0x202: {  	[sflag:s26] =	ssyncadd.s32 $0xFFFFE000  }
0x203: {  	_ =	swait.ge [sflag:s26], $0x2000  }
0x204: {  	[sflag:s26] =	ssyncset.done $0x0  }
0x205: {  	s25 =	simm.s32 $0x24F0;
	[sflag:s26] =	ssyncadd.s32 $0xFFFFE000  }
0x206: {  	s16 =	simm.s32 $0xA4F0;
	v0 =	vld [tilespmem:s25+$0xFFFFFF90]  }
0x207: {  	v1 =	vld [tilespmem:s16+$0xFFFFFF90]  }
0x208: {  	v2 =	vld [tilespmem:s25+$0xFFFFFFA0]  }
0x209: {  	v3 =	vld [tilespmem:s16+$0xFFFFFFA0]  }
0x20a: {  	v4 =	vld [tilespmem:s25+$0xFFFFFFB0]  }
0x20b: {  	v5 =	vld [tilespmem:s16+$0xFFFFFFB0]  }
0x20c: {  	v6 =	vld [tilespmem:s25+$0xFFFFFFC0]  }
0x20d: {  	v7 =	vld [tilespmem:s16+$0xFFFFFFC0]  }
0x20e: {  	v8 =	vld [tilespmem:s25+$0xFFFFFFD0]  }
0x20f: {  	v9 =	vld [tilespmem:s16+$0xFFFFFFD0]  }
0x210: {  	v10 =	vld [tilespmem:s25+$0xFFFFFFE0];
	v0 =	vmul.f32 v1, v0;
	v1 =	vmul.f32 v3, v2  }
0x211: {  	v11 =	vld [tilespmem:s16+$0xFFFFFFE0]  }
0x212: {  	v12 =	vld [tilespmem:s25+$0xFFFFFFF0];
	v0 =	vadd.f32 v1, v0;
	v1 =	vmul.f32 v5, v4  }
0x213: {  	v13 =	vld [tilespmem:s16+$0xFFFFFFF0]  }
0x214: {  	v2 =	vld [tilespmem:s25+$0x0];
	v0 =	vadd.f32 v1, v0;
	v1 =	vmul.f32 v7, v6  }
0x215: {  	v3 =	vld [tilespmem:s16+$0x0]  }
0x216: {  	v4 =	vld [tilespmem:s16+$0xFFFFFF10];
	v0 =	vadd.f32 v1, v0;
	v1 =	vmul.f32 v9, v8  }
0x217: {  	v7 =	vld [tilespmem:s25+$0xFFFFFF10]  }
0x218: {  	v0 =	vadd.f32 v1, v0;
	v1 =	vmul.f32 v11, v10;
	_ =	sdelay $0x1  }
0x219: {  	v5 =	vld [tilespmem:s25+$0xFFFFFF20];
	v0 =	vadd.f32 v1, v0;
	v1 =	vmul.f32 v13, v12  }
0x21a: {  	v6 =	vld [tilespmem:s16+$0xFFFFFF20]  }
0x21b: {  	v2 =	vmul.f32 v3, v2;
	v8 =	vld [tilespmem:s25+$0xFFFFFF30];
	v4 =	vmul.f32 v4, v7;
	v7 =	vadd.f32 v1, v0  }
0x21c: {  	v9 =	vld [tilespmem:s16+$0xFFFFFF30]  }
0x21d: {  	v10 =	vld [tilespmem:s25+$0xFFFFFF40];
	v7 =	vadd.f32 v2, v7  }
0x21e: {  	v11 =	vld [tilespmem:s16+$0xFFFFFF40]  }
0x21f: {  	v63 =	vld [tilespmem:s25+$0xFFFFFF50];
	v5 =	vmul.f32 v6, v5;
	(xrf2) =	vadd.scan.msk.f32 $0xffff, v7  }
0x220: {  	v6 =	vld [tilespmem:s16+$0xFFFFFF50]  }
0x221: {  	v3 =	vld [tilespmem:s16+$0xFFFFFF60];
	v4 =	vadd.f32 v5, v4;
	v5 =	vmul.f32 v9, v8  }
0x222: {  	v0 =	vld [tilespmem:s25+$0xFFFFFF60]  }
0x223: {  	v1 =	vld [tilespmem:s25+$0xFFFFFF70];
	v4 =	vadd.f32 v5, v4;
	v8 =	vmul.f32 v11, v10  }
0x224: {  	s21 =	simm.s32 $0x141;
	v5 =	vld [tilespmem:s16+$0xFFFFFF70]  }
0x225: {  	v2 =	vld [tilespmem:s25+$0xFFFFFF80];
	v7 =	vadd.f32 v8, v4;
	v8 =	vmul.f32 v6, v63;
	v4 =	vmov s21  }
0x226: {  	s19 =	simm.s32 $0xFFFFFFFE;
	s20 =	simm.s32 $0x0;
	v6 =	vld [tilespmem:s16+$0xFFFFFF80];
	s21 =	simm.s32 $0x25F0  }
.LBB2_12:
0x227: {  	v9 =	vld [tilespmem:s21+$0xFFFFFF90];
	v7 =	vadd.f32 v8, v7;
	v0 =	vmul.f32 v3, v0;
	s16 =	sadd.s32 $0x100, s16;
	s23 =	smov.u32 s20  }
0x228: {  	v3 =	vld [tilespmem:s16+$0xFFFFFF90]  }
0x229: {  	v8 =	vld [tilespmem:s21+$0xFFFFFFA0];
	v0 =	vadd.f32 v0, v7;
	v1 =	vmul.f32 v5, v1;
	v5, _, _ =	vpop (xrf2)  }
0x22a: {  	s20 =	sadd.s32 $0x2, s20;
	v7 =	vld [tilespmem:s16+$0xFFFFFFA0];
	[tilespmem:v4+s3+$0x0] =	vst.idx.msk vm0, v5  }
0x22b: {  	p0 =	slt.u32 s20, $0x3E;
	v4 =	vld [tilespmem:s21+$0xFFFFFFB0];
	v0 =	vadd.f32 v1, v0;
	v1 =	vmul.f32 v6, v2  }
0x22c: {  	v2 =	vld [tilespmem:s16+$0xFFFFFFB0]  }
0x22d: {  	v5 =	vld [tilespmem:s21+$0xFFFFFFC0];
	v0 =	vadd.f32 v1, v0  }
0x22e: {  	v1 =	vld [tilespmem:s16+$0xFFFFFFC0]  }
0x22f: {  	v3 =	vmul.f32 v3, v9;
	v6 =	vmul.f32 v7, v8;
	v7 =	vld [tilespmem:s21+$0xFFFFFFD0];
	(xrf2) =	vadd.scan.msk.f32 $0xffff, v0  }
0x230: {  	v0 =	vld [tilespmem:s16+$0xFFFFFFD0]  }
0x231: {  	s25 =	sadd.s32 $0x142, s19;
	s19 =	smov.u32 s23;
	v3 =	vadd.f32 v6, v3;
	v2 =	vmul.f32 v2, v4;
	v4 =	vld [tilespmem:s21+$0xFFFFFFE0]  }
0x232: {  	v8 =	vmov s25;
	v6 =	vld [tilespmem:s16+$0xFFFFFFE0]  }
0x233: {  	v2 =	vadd.f32 v2, v3;
	v1 =	vmul.f32 v1, v5;
	v3 =	vld [tilespmem:s21+$0xFFFFFFF0];
	v5 =	vand.u32 $0xFFFFFFFE, v8  }
0x234: {  	v8 =	vld [tilespmem:s16+$0xFFFFFFF0];
	v5 =	vbroadcast v5, $0x0  }
0x235: {  	v1 =	vadd.f32 v1, v2;
	v0 =	vmul.f32 v0, v7;
	v2 =	vld [tilespmem:s21+$0x0]  }
0x236: {  	v7 =	vld [tilespmem:s16+$0x0]  }
0x237: {  	v9 =	vld [tilespmem:s16+$0xFFFFFF10];
	v0 =	vadd.f32 v0, v1;
	v1 =	vmul.f32 v6, v4  }
0x238: {  	v4 =	vld [tilespmem:s21+$0xFFFFFF20]  }
0x239: {  	v6 =	vld [tilespmem:s16+$0xFFFFFF20];
	v0 =	vadd.f32 v1, v0;
	v1 =	vmul.f32 v8, v3;
	v3, _, _ =	vpop (xrf2)  }
0x23a: {  	v8 =	vld [tilespmem:s21+$0xFFFFFF10];
	[tilespmem:v5+s3+$0x0] =	vst.idx.msk vm0, v3  }
0x23b: {  	v3 =	vld [tilespmem:s21+$0xFFFFFF30];
	v0 =	vadd.f32 v1, v0;
	v1 =	vmul.f32 v7, v2  }
0x23c: {  	v2 =	vld [tilespmem:s16+$0xFFFFFF30]  }
0x23d: {  	v5 =	vld [tilespmem:s21+$0xFFFFFF40];
	v0 =	vadd.f32 v1, v0  }
0x23e: {  	v1 =	vmul.f32 v6, v4;
	v4 =	vld [tilespmem:s16+$0xFFFFFF40]  }
0x23f: {  	v6 =	vmul.f32 v9, v8;
	v8 =	vld [tilespmem:s21+$0xFFFFFF50];
	(xrf2) =	vadd.scan.msk.f32 $0xffff, v0  }
0x240: {  	v9 =	vld [tilespmem:s16+$0xFFFFFF50]  }
0x241: {  	v1 =	vadd.f32 v1, v6;
	v2 =	vmul.f32 v2, v3;
	v0 =	vld [tilespmem:s21+$0xFFFFFF60]  }
.Ltmp5:
0x242: {  	v3 =	vld [tilespmem:s16+$0xFFFFFF60];
	(pc) =	sbr.rel @p0 .LBB2_12-.Ltmp5, $4  }
0x243: {  	v2 =	vadd.f32 v2, v1;
	v4 =	vmul.f32 v4, v5;
	v1 =	vld [tilespmem:s21+$0xFFFFFF70]  }
0x244: {  	s23 =	sadd.s32 $0x143, s19;
	v5 =	vld [tilespmem:s16+$0xFFFFFF70]  }
0x245: {  	v7 =	vadd.f32 v4, v2;
	v8 =	vmul.f32 v9, v8;
	v2 =	vld [tilespmem:s21+$0xFFFFFF80];
	v4 =	vmov s23  }
0x246: {  	s21 =	sadd.s32 $0x100, s21;
	v6 =	vld [tilespmem:s16+$0xFFFFFF80]  }
0x247: {  	v7 =	vadd.f32 v8, v7;
	v0 =	vmul.f32 v3, v0;
	_ =	sdelay $0x1  }
0x248: {  	v0 =	vadd.f32 v0, v7;
	v1 =	vmul.f32 v5, v1;
	_ =	sdelay $0x1  }
0x249: {  	v0 =	vadd.f32 v1, v0;
	v1 =	vmul.f32 v6, v2;
	_ =	sdelay $0x1  }
0x24a: {  	v0 =	vadd.f32 v1, v0;
	_ =	sdelay $0x1  }
0x24b: {  	(xrf2) =	vadd.scan.msk.f32 $0xffff, v0;
	_ =	sdelay $0x1  }
0x24c: {  	s16 =	sadd.s32 $0x142, s19  }
0x24d: {  	v0 =	vmov s16  }
0x24e: {  	v0 =	vand.u32 $0xFFFFFFFE, v0  }
0x24f: {  	v0 =	vbroadcast v0, $0x0;
	_ =	sdelay $0x3  }
0x250: {  	v1, _, _ =	vpop (xrf2)  }
0x251: {  	[tilespmem:v4+s3+$0x0] =	vst.idx.msk vm0, v1;
	v1, _, _ =	vpop (xrf2)  }
0x252: {  	s23 =	simm.s32 $0x0;
	s25 =	simm.s32 $0x10540;
	[tilespmem:v0+s3+$0x0] =	vst.idx.msk vm0, v1  }
0x253: {  	[hbm4b:s12+s23] =	stream.linear.scatter [tilespmem:s25], [sflag:$0x5], $0x40, $0x38;
	[tilespmem:$0x10600] =	vst v63  }
0x254: {  	_ =	swait.ge [sflag:s24], $0x2000  }
0x255: {  	[sflag:s24] =	ssyncset.done $0x0  }
0x256: {  	[sflag:s24] =	ssyncadd.s32 $0xFFFFE000  }
0x257: {  	_ =	swait.ge [sflag:s24], $0x2000  }
0x258: {  	[sflag:s24] =	ssyncset.done $0x0  }
0x259: {  	s16 =	simm.s32 $0x0;
	[sflag:s24] =	ssyncadd.s32 $0xFFFFE000  }
0x25a: {  	v0 =	vld [tilespmem:s16+$0x4480]  }
0x25b: {  	v1 =	vld [tilespmem:s16+$0xC480]  }
0x25c: {  	v2 =	vld [tilespmem:s16+$0x4490]  }
0x25d: {  	v3 =	vld [tilespmem:s16+$0xC490]  }
0x25e: {  	v4 =	vld [tilespmem:s16+$0x44A0]  }
0x25f: {  	v5 =	vld [tilespmem:s16+$0xC4A0]  }
0x260: {  	v6 =	vld [tilespmem:s16+$0x44B0]  }
0x261: {  	v7 =	vld [tilespmem:s16+$0xC4B0]  }
0x262: {  	v8 =	vld [tilespmem:s16+$0x44C0];
	v0 =	vmul.f32 v1, v0;
	v1 =	vmul.f32 v3, v2  }
0x263: {  	v9 =	vld [tilespmem:s16+$0xC4C0]  }
0x264: {  	v10 =	vld [tilespmem:s16+$0x44D0];
	v0 =	vadd.f32 v1, v0;
	v1 =	vmul.f32 v5, v4  }
0x265: {  	v11 =	vld [tilespmem:s16+$0xC4D0]  }
0x266: {  	v12 =	vld [tilespmem:s16+$0x44E0];
	v0 =	vadd.f32 v1, v0;
	v1 =	vmul.f32 v7, v6  }
0x267: {  	v2 =	vld [tilespmem:s16+$0xC4E0]  }
0x268: {  	v3 =	vld [tilespmem:s16+$0x44F0];
	v0 =	vadd.f32 v1, v0;
	v1 =	vmul.f32 v9, v8  }
0x269: {  	v4 =	vld [tilespmem:s16+$0xC4F0]  }
0x26a: {  	v5 =	vld [tilespmem:s16+$0x4400];
	v0 =	vadd.f32 v1, v0;
	v1 =	vmul.f32 v11, v10  }
0x26b: {  	v6 =	vld [tilespmem:s16+$0xC400]  }
0x26c: {  	v7 =	vld [tilespmem:s16+$0x4410];
	v0 =	vadd.f32 v1, v0;
	v1 =	vmul.f32 v2, v12  }
0x26d: {  	v8 =	vld [tilespmem:s16+$0xC410]  }
0x26e: {  	v60 =	vld [tilespmem:s16+$0x4420];
	v3 =	vmul.f32 v4, v3;
	v1 =	vadd.f32 v1, v0  }
0x26f: {  	v61 =	vld [tilespmem:s16+$0xC420]  }
0x270: {  	v62 =	vld [tilespmem:s16+$0x4430];
	v3 =	vadd.f32 v3, v1  }
0x271: {  	v63 =	vld [tilespmem:s16+$0xC430]  }
0x272: {  	v2 =	vmul.f32 v6, v5;
	v5 =	vmul.f32 v8, v7;
	v7 =	vld [tilespmem:s16+$0x4440];
	(xrf2) =	vadd.scan.msk.f32 $0xffff, v3  }
0x273: {  	v8 =	vld [tilespmem:s16+$0xC440]  }
0x274: {  	v0 =	vld [tilespmem:s16+$0x4450];
	v4 =	vadd.f32 v5, v2;
	v5 =	vmul.f32 v61, v60  }
0x275: {  	v2 =	vld [tilespmem:s16+$0xC450]  }
0x276: {  	v6 =	vmul.f32 v63, v62;
	v1 =	vld [tilespmem:s16+$0x4460];
	v5 =	vadd.f32 v5, v4  }
0x277: {  	s21 =	simm.s32 $0x181;
	v4 =	vld [tilespmem:s16+$0xC460]  }
0x278: {  	s19 =	simm.s32 $0xFFFFFFFE;
	s20 =	simm.s32 $0x0;
	v7 =	vmul.f32 v8, v7;
	v3 =	vmov s21;
	s21 =	simm.s32 $0x400;
	v6 =	vadd.f32 v6, v5;
	v5 =	vld [tilespmem:s16+$0x4470]  }
.LBB2_14:
0x279: {  	v8 =	vld [tilespmem:s16+$0xC470];
	s16 =	sshra.s32 s21, $0x2;
	s23 =	smov.u32 s20  }
0x27a: {  	v9 =	vld [tilespmem:s16+$0x4480];
	v6 =	vadd.f32 v7, v6;
	v0 =	vmul.f32 v2, v0  }
0x27b: {  	v2 =	vld [tilespmem:s16+$0xC480]  }
0x27c: {  	s20 =	sadd.s32 $0x2, s20;
	v7 =	vld [tilespmem:s16+$0x4490];
	v0 =	vadd.f32 v0, v6;
	v1 =	vmul.f32 v4, v1;
	v4, _, _ =	vpop (xrf2)  }
0x27d: {  	p0 =	slt.u32 s20, $0x3E;
	v6 =	vld [tilespmem:s16+$0xC490];
	[tilespmem:v3+s3+$0x0] =	vst.idx.msk vm0, v4  }
0x27e: {  	v3 =	vld [tilespmem:s16+$0x44A0];
	v0 =	vadd.f32 v1, v0;
	v1 =	vmul.f32 v8, v5  }
0x27f: {  	v4 =	vld [tilespmem:s16+$0xC4A0]  }
0x280: {  	v5 =	vld [tilespmem:s16+$0x44B0];
	v0 =	vadd.f32 v1, v0  }
0x281: {  	v1 =	vld [tilespmem:s16+$0xC4B0]  }
0x282: {  	v2 =	vmul.f32 v2, v9;
	v6 =	vmul.f32 v6, v7;
	v7 =	vld [tilespmem:s16+$0x44C0];
	(xrf2) =	vadd.scan.msk.f32 $0xffff, v0  }
0x283: {  	v0 =	vld [tilespmem:s16+$0xC4C0]  }
0x284: {  	s25 =	sadd.s32 $0x182, s19;
	s19 =	smov.u32 s23;
	v2 =	vadd.f32 v6, v2;
	v3 =	vmul.f32 v4, v3;
	v4 =	vld [tilespmem:s16+$0x44D0]  }
0x285: {  	v8 =	vmov s25;
	v6 =	vld [tilespmem:s16+$0xC4D0]  }
0x286: {  	v2 =	vadd.f32 v3, v2;
	v1 =	vmul.f32 v1, v5;
	v3 =	vld [tilespmem:s16+$0x44E0];
	v5 =	vand.u32 $0xFFFFFFFE, v8  }
0x287: {  	v8 =	vld [tilespmem:s16+$0xC4E0];
	v5 =	vbroadcast v5, $0x0  }
0x288: {  	v1 =	vadd.f32 v1, v2;
	v0 =	vmul.f32 v0, v7;
	v2 =	vld [tilespmem:s16+$0x44F0]  }
0x289: {  	v7 =	vld [tilespmem:s16+$0xC4F0]  }
0x28a: {  	v9 =	vld [tilespmem:s16+$0x4400];
	v0 =	vadd.f32 v0, v1;
	v1 =	vmul.f32 v6, v4  }
0x28b: {  	v4 =	vld [tilespmem:s16+$0xC400]  }
0x28c: {  	v6 =	vld [tilespmem:s16+$0x4410];
	v0 =	vadd.f32 v1, v0;
	v1 =	vmul.f32 v8, v3;
	v3, _, _ =	vpop (xrf2)  }
0x28d: {  	v8 =	vld [tilespmem:s16+$0xC410];
	[tilespmem:v5+s3+$0x0] =	vst.idx.msk vm0, v3  }
0x28e: {  	v3 =	vld [tilespmem:s16+$0x4420];
	v0 =	vadd.f32 v1, v0;
	v1 =	vmul.f32 v7, v2  }
0x28f: {  	v2 =	vld [tilespmem:s16+$0xC420]  }
0x290: {  	v4 =	vmul.f32 v4, v9;
	v5 =	vld [tilespmem:s16+$0x4430];
	v0 =	vadd.f32 v1, v0  }
0x291: {  	v1 =	vld [tilespmem:s16+$0xC430]  }
0x292: {  	v6 =	vmul.f32 v8, v6;
	v7 =	vld [tilespmem:s16+$0x4440];
	(xrf2) =	vadd.scan.msk.f32 $0xffff, v0  }
0x293: {  	v8 =	vld [tilespmem:s16+$0xC440]  }
.Ltmp6:
0x294: {  	v4 =	vadd.f32 v6, v4;
	v3 =	vmul.f32 v2, v3;
	v0 =	vld [tilespmem:s16+$0x4450];
	(pc) =	sbr.rel @p0 .LBB2_14-.Ltmp6, $4  }
0x295: {  	v2 =	vld [tilespmem:s16+$0xC450]  }
0x296: {  	v3 =	vadd.f32 v3, v4;
	v5 =	vmul.f32 v1, v5;
	v1 =	vld [tilespmem:s16+$0x4460]  }
0x297: {  	s23 =	sadd.s32 $0x183, s19;
	v4 =	vld [tilespmem:s16+$0xC460]  }
0x298: {  	s21 =	sadd.s32 $0x400, s21;
	v6 =	vadd.f32 v5, v3;
	v7 =	vmul.f32 v8, v7;
	v5 =	vld [tilespmem:s16+$0x4470];
	v3 =	vmov s23  }
0x299: {  	v8 =	vld [tilespmem:s16+$0xC470]  }
0x29a: {  	v6 =	vadd.f32 v7, v6;
	v0 =	vmul.f32 v2, v0;
	_ =	sdelay $0x1  }
0x29b: {  	v0 =	vadd.f32 v0, v6;
	v1 =	vmul.f32 v4, v1;
	_ =	sdelay $0x1  }
0x29c: {  	v0 =	vadd.f32 v1, v0;
	v1 =	vmul.f32 v8, v5;
	_ =	sdelay $0x1  }
0x29d: {  	v0 =	vadd.f32 v1, v0;
	_ =	sdelay $0x1  }
0x29e: {  	(xrf2) =	vadd.scan.msk.f32 $0xffff, v0;
	_ =	sdelay $0x1  }
0x29f: {  	s21 =	sadd.s32 $0x182, s19  }
0x2a0: {  	v0 =	vmov s21  }
0x2a1: {  	v0 =	vand.u32 $0xFFFFFFFE, v0  }
0x2a2: {  	v0 =	vbroadcast v0, $0x0;
	_ =	sdelay $0x3  }
0x2a3: {  	v1, _, _ =	vpop (xrf2)  }
0x2a4: {  	[tilespmem:v3+s3+$0x0] =	vst.idx.msk vm0, v1;
	v1, _, _ =	vpop (xrf2)  }
0x2a5: {  	s23 =	simm.s32 $0x0;
	s25 =	simm.s32 $0x10580;
	[tilespmem:v0+s3+$0x0] =	vst.idx.msk vm0, v1  }
0x2a6: {  	[hbm4b:s13+s23] =	stream.linear.scatter [tilespmem:s25], [sflag:$0x5], $0x40, $0x38;
	[tilespmem:$0x10600] =	vst v63  }
0x2a7: {  	_ =	swait.ge [sflag:s29], $0x2000  }
0x2a8: {  	[sflag:s29] =	ssyncset.done $0x0  }
0x2a9: {  	[sflag:s29] =	ssyncadd.s32 $0xFFFFE000  }
0x2aa: {  	_ =	swait.ge [sflag:s29], $0x2000  }
0x2ab: {  	[sflag:s29] =	ssyncset.done $0x0  }
0x2ac: {  	s16 =	simm.s32 $0x0;
	[sflag:s29] =	ssyncadd.s32 $0xFFFFE000  }
0x2ad: {  	v0 =	vld [tilespmem:s16+$0x6480]  }
0x2ae: {  	v1 =	vld [tilespmem:s16+$0xE480]  }
0x2af: {  	v2 =	vld [tilespmem:s16+$0x6490]  }
0x2b0: {  	v3 =	vld [tilespmem:s16+$0xE490]  }
0x2b1: {  	v4 =	vld [tilespmem:s16+$0x64A0]  }
0x2b2: {  	v5 =	vld [tilespmem:s16+$0xE4A0]  }
0x2b3: {  	v6 =	vld [tilespmem:s16+$0x64B0]  }
0x2b4: {  	v7 =	vld [tilespmem:s16+$0xE4B0]  }
0x2b5: {  	v8 =	vld [tilespmem:s16+$0x64C0];
	v0 =	vmul.f32 v1, v0;
	v1 =	vmul.f32 v3, v2  }
0x2b6: {  	v9 =	vld [tilespmem:s16+$0xE4C0]  }
0x2b7: {  	v10 =	vld [tilespmem:s16+$0x64D0];
	v0 =	vadd.f32 v1, v0;
	v1 =	vmul.f32 v5, v4  }
0x2b8: {  	v11 =	vld [tilespmem:s16+$0xE4D0]  }
0x2b9: {  	v12 =	vld [tilespmem:s16+$0x64E0];
	v0 =	vadd.f32 v1, v0;
	v1 =	vmul.f32 v7, v6  }
0x2ba: {  	v2 =	vld [tilespmem:s16+$0xE4E0]  }
0x2bb: {  	v3 =	vld [tilespmem:s16+$0x64F0];
	v0 =	vadd.f32 v1, v0;
	v1 =	vmul.f32 v9, v8  }
0x2bc: {  	v4 =	vld [tilespmem:s16+$0xE4F0]  }
0x2bd: {  	v5 =	vld [tilespmem:s16+$0x6400];
	v0 =	vadd.f32 v1, v0;
	v1 =	vmul.f32 v11, v10  }
0x2be: {  	v6 =	vld [tilespmem:s16+$0xE400]  }
0x2bf: {  	v7 =	vld [tilespmem:s16+$0x6410];
	v0 =	vadd.f32 v1, v0;
	v1 =	vmul.f32 v2, v12  }
0x2c0: {  	v8 =	vld [tilespmem:s16+$0xE410]  }
0x2c1: {  	v60 =	vld [tilespmem:s16+$0x6420];
	v3 =	vmul.f32 v4, v3;
	v1 =	vadd.f32 v1, v0  }
0x2c2: {  	v61 =	vld [tilespmem:s16+$0xE420]  }
0x2c3: {  	v62 =	vld [tilespmem:s16+$0x6430];
	v3 =	vadd.f32 v3, v1  }
0x2c4: {  	v63 =	vld [tilespmem:s16+$0xE430]  }
0x2c5: {  	v2 =	vmul.f32 v6, v5;
	v5 =	vmul.f32 v8, v7;
	v7 =	vld [tilespmem:s16+$0x6440];
	(xrf2) =	vadd.scan.msk.f32 $0xffff, v3  }
0x2c6: {  	v8 =	vld [tilespmem:s16+$0xE440]  }
0x2c7: {  	v0 =	vld [tilespmem:s16+$0x6450];
	v4 =	vadd.f32 v5, v2;
	v5 =	vmul.f32 v61, v60  }
0x2c8: {  	v2 =	vld [tilespmem:s16+$0xE450]  }
0x2c9: {  	v6 =	vmul.f32 v63, v62;
	v1 =	vld [tilespmem:s16+$0x6460];
	v5 =	vadd.f32 v5, v4  }
0x2ca: {  	s21 =	simm.s32 $0x1C1;
	v4 =	vld [tilespmem:s16+$0xE460]  }
0x2cb: {  	s19 =	simm.s32 $0xFFFFFFFE;
	s20 =	simm.s32 $0x0;
	v7 =	vmul.f32 v8, v7;
	v3 =	vmov s21;
	s21 =	simm.s32 $0x400;
	v6 =	vadd.f32 v6, v5;
	v5 =	vld [tilespmem:s16+$0x6470]  }
.LBB2_16:
0x2cc: {  	v8 =	vld [tilespmem:s16+$0xE470];
	s16 =	sshra.s32 s21, $0x2;
	s23 =	smov.u32 s20  }
0x2cd: {  	v9 =	vld [tilespmem:s16+$0x6480];
	v6 =	vadd.f32 v7, v6;
	v0 =	vmul.f32 v2, v0  }
0x2ce: {  	v2 =	vld [tilespmem:s16+$0xE480]  }
0x2cf: {  	s20 =	sadd.s32 $0x2, s20;
	v7 =	vld [tilespmem:s16+$0x6490];
	v0 =	vadd.f32 v0, v6;
	v1 =	vmul.f32 v4, v1;
	v4, _, _ =	vpop (xrf2)  }
0x2d0: {  	p0 =	slt.u32 s20, $0x3E;
	v6 =	vld [tilespmem:s16+$0xE490];
	[tilespmem:v3+s3+$0x0] =	vst.idx.msk vm0, v4  }
0x2d1: {  	v3 =	vld [tilespmem:s16+$0x64A0];
	v0 =	vadd.f32 v1, v0;
	v1 =	vmul.f32 v8, v5  }
0x2d2: {  	v4 =	vld [tilespmem:s16+$0xE4A0]  }
0x2d3: {  	v5 =	vld [tilespmem:s16+$0x64B0];
	v0 =	vadd.f32 v1, v0  }
0x2d4: {  	v1 =	vld [tilespmem:s16+$0xE4B0]  }
0x2d5: {  	v2 =	vmul.f32 v2, v9;
	v6 =	vmul.f32 v6, v7;
	v7 =	vld [tilespmem:s16+$0x64C0];
	(xrf2) =	vadd.scan.msk.f32 $0xffff, v0  }
0x2d6: {  	v0 =	vld [tilespmem:s16+$0xE4C0]  }
0x2d7: {  	s25 =	sadd.s32 $0x1C2, s19;
	s19 =	smov.u32 s23;
	v2 =	vadd.f32 v6, v2;
	v3 =	vmul.f32 v4, v3;
	v4 =	vld [tilespmem:s16+$0x64D0]  }
0x2d8: {  	v8 =	vmov s25;
	v6 =	vld [tilespmem:s16+$0xE4D0]  }
0x2d9: {  	v2 =	vadd.f32 v3, v2;
	v1 =	vmul.f32 v1, v5;
	v3 =	vld [tilespmem:s16+$0x64E0];
	v5 =	vand.u32 $0xFFFFFFFE, v8  }
0x2da: {  	v8 =	vld [tilespmem:s16+$0xE4E0];
	v5 =	vbroadcast v5, $0x0  }
0x2db: {  	v1 =	vadd.f32 v1, v2;
	v0 =	vmul.f32 v0, v7;
	v2 =	vld [tilespmem:s16+$0x64F0]  }
0x2dc: {  	v7 =	vld [tilespmem:s16+$0xE4F0]  }
0x2dd: {  	v9 =	vld [tilespmem:s16+$0x6400];
	v0 =	vadd.f32 v0, v1;
	v1 =	vmul.f32 v6, v4  }
0x2de: {  	v4 =	vld [tilespmem:s16+$0xE400]  }
0x2df: {  	v6 =	vld [tilespmem:s16+$0x6410];
	v0 =	vadd.f32 v1, v0;
	v1 =	vmul.f32 v8, v3;
	v3, _, _ =	vpop (xrf2)  }
0x2e0: {  	v8 =	vld [tilespmem:s16+$0xE410];
	[tilespmem:v5+s3+$0x0] =	vst.idx.msk vm0, v3  }
0x2e1: {  	v3 =	vld [tilespmem:s16+$0x6420];
	v0 =	vadd.f32 v1, v0;
	v1 =	vmul.f32 v7, v2  }
0x2e2: {  	v2 =	vld [tilespmem:s16+$0xE420]  }
0x2e3: {  	v4 =	vmul.f32 v4, v9;
	v5 =	vld [tilespmem:s16+$0x6430];
	v0 =	vadd.f32 v1, v0  }
0x2e4: {  	v1 =	vld [tilespmem:s16+$0xE430]  }
0x2e5: {  	v6 =	vmul.f32 v8, v6;
	v7 =	vld [tilespmem:s16+$0x6440];
	(xrf2) =	vadd.scan.msk.f32 $0xffff, v0  }
0x2e6: {  	v8 =	vld [tilespmem:s16+$0xE440]  }
.Ltmp7:
0x2e7: {  	v4 =	vadd.f32 v6, v4;
	v3 =	vmul.f32 v2, v3;
	v0 =	vld [tilespmem:s16+$0x6450];
	(pc) =	sbr.rel @p0 .LBB2_16-.Ltmp7, $4  }
0x2e8: {  	v2 =	vld [tilespmem:s16+$0xE450]  }
0x2e9: {  	v3 =	vadd.f32 v3, v4;
	v5 =	vmul.f32 v1, v5;
	v1 =	vld [tilespmem:s16+$0x6460]  }
0x2ea: {  	s23 =	sadd.s32 $0x1C3, s19;
	v4 =	vld [tilespmem:s16+$0xE460]  }
0x2eb: {  	s21 =	sadd.s32 $0x400, s21;
	v6 =	vadd.f32 v5, v3;
	v7 =	vmul.f32 v8, v7;
	v5 =	vld [tilespmem:s16+$0x6470];
	v3 =	vmov s23  }
0x2ec: {  	v8 =	vld [tilespmem:s16+$0xE470]  }
0x2ed: {  	v6 =	vadd.f32 v7, v6;
	v0 =	vmul.f32 v2, v0;
	_ =	sdelay $0x1  }
0x2ee: {  	v0 =	vadd.f32 v0, v6;
	v1 =	vmul.f32 v4, v1;
	_ =	sdelay $0x1  }
0x2ef: {  	v0 =	vadd.f32 v1, v0;
	v60 =	vmul.f32 v8, v5;
	_ =	sdelay $0x1  }
0x2f0: {  	v0 =	vadd.f32 v60, v0;
	_ =	sdelay $0x1  }
0x2f1: {  	(xrf2) =	vadd.scan.msk.f32 $0xffff, v0;
	_ =	sdelay $0x1  }
0x2f2: {  	s23 =	sadd.s32 $0x1C2, s19  }
0x2f3: {  	v61 =	vmov s23  }
0x2f4: {  	v0 =	vand.u32 $0xFFFFFFFE, v61  }
0x2f5: {  	v0 =	vbroadcast v0, $0x0;
	_ =	sdelay $0x3  }
0x2f6: {  	v62, _, _ =	vpop (xrf2)  }
0x2f7: {  	[tilespmem:v3+s3+$0x0] =	vst.idx.msk vm0, v62;
	v63, _, _ =	vpop (xrf2)  }
0x2f8: {  	s25 =	simm.s32 $0x105C0;
	[tilespmem:v0+s3+$0x0] =	vst.idx.msk vm0, v63  }
0x2f9: {  	[hbm4b:s14+s4] =	stream.linear.scatter [tilespmem:s25], [sflag:$0x5], $0x40, $0x38;
	[tilespmem:$0x10600] =	vst v63  }
0x2fa: {  	_ =	swait.ge [sflag:s22], $0x40  }
0x2fb: {  	[sflag:s22] =	ssyncset.done $0x0  }
0x2fc: {  	[sflag:s22] =	ssyncadd.s32 $0xFFFFFFC0  }
0x2fd: {  	_ =	swait.ge [sflag:s22], $0x40  }
0x2fe: {  	[sflag:s22] =	ssyncset.done $0x0  }
0x2ff: {  	[sflag:s22] =	ssyncadd.s32 $0xFFFFFFC0  }
0x300: {  	_ =	swait.ge [sflag:s22], $0x40  }
0x301: {  	[sflag:s22] =	ssyncset.done $0x0  }
0x302: {  	[sflag:s22] =	ssyncadd.s32 $0xFFFFFFC0  }
0x303: {  	_ =	swait.ge [sflag:s22], $0x40  }
0x304: {  	[sflag:s22] =	ssyncset.done $0x0  }
0x305: {  	[sflag:s22] =	ssyncadd.s32 $0xFFFFFFC0  }
0x306: {  	_ =	swait.ge [sflag:s22], $0x40  }
0x307: {  	[sflag:s22] =	ssyncset.done $0x0  }
0x308: {  	[sflag:s22] =	ssyncadd.s32 $0xFFFFFFC0  }
0x309: {  	_ =	swait.ge [sflag:s22], $0x40  }
0x30a: {  	[sflag:s22] =	ssyncset.done $0x0  }
0x30b: {  	s31 =	sadd.s32 $0x1, s31;
	[sflag:s22] =	ssyncadd.s32 $0xFFFFFFC0  }
0x30c: {  	p0 =	sne.s32 s31, s15;
	_ =	swait.ge [sflag:s22], $0x40  }
.Ltmp8:
0x30d: {  	[sflag:s22] =	ssyncset.done $0x0;
	(pc) =	sbr.rel @p0 .LBB2_1-.Ltmp8, $4  }
0x30e: {  	[sflag:s22] =	ssyncadd.s32 $0xFFFFFFC0  }
0x30f: {  	_ =	swait.ge [sflag:s22], $0x40  }
0x310: {  	[sflag:s22] =	ssyncset.done $0x0  }
0x311: {  	[sflag:s22] =	ssyncadd.s32 $0xFFFFFFC0  }
0x312: {  	_ =	sfence.sel $0x180000  }
0x313: {  	[bflag:$0x0] =	sbarrier.arrive $0xFFFF  }
0x314: {  	_ =	strace $0x90000047  }
0x315: {  	s0 =	stileid.u32;
	[bflag:$0x2] =	sbarrier.arrive $0xFFFF  }
0x316: {  	p0 =	sne.s32 s0, $0x0;
	s0 =	rddreg [dreg:$0x5]  }
0x317: {  	s0 =	sadd.s32 @!p0 $0x100000, s0  }
0x318: {  	[sflag:s0] =	ssyncadd.tile.s32 @!p0 $0x1;
	_ =	shalt  }
.Lfunc_end2:
_tile_overlayer_lowered:
.L_overlay_start_2:
0x319: {  	(tag) =	ssettag $0x2  }
0x31a: {  	s0 =	rddreg [dreg:$0x0];
	s2 =	stileid.u32  }
0x31b: {  	s1 =	rddreg [dreg:$0x1];
	p0 =	sne.s32 s2, $0x0  }
0x31c: {  	s3 =	rddreg [dreg:$0x2];
	[bflag:$0x3] =	sbarrier.arrive $0xFFFF;
	s2 =	simm.s32 @!p0 $0x1C06  }
0x31d: {  	[timem:s3], [sflag:s2] =	dma.local @!p0 [hbm:s0], s1  }
0x31e: {  	s0 =	simm.s32 @!p0 $0x6  }
0x31f: {  	_ =	swait.ge @!p0 [sflag:s0], s1  }
0x320: {  	s1 =	ssub.s32 @!p0 $0x0, s1;
	[sflag:s0] =	ssyncset.done @!p0 $0x0  }
0x321: {  	[sflag:s0] =	ssyncadd.s32 @!p0 s1  }
0x322: {  	[bflag:$0x3] =	sbarrier.arrive $0xFFFF  }
0x323: {  	_ =	shalt  }

</sc_bundles>
